<compile_context>
chip_gen: v7x
topology: tpu7x:2x2x1
jax: 0.10.2.dev20260603
libtpu: 0.0.44.dev20260713+nightly
codegen_flags: <defaults>
</compile_context>

<pallas_src>
import functools

import numpy as np
import jax
import jax.numpy as jnp
from jax import lax
from jax.experimental import pallas as pl
from jax.experimental.pallas import tpu as pltpu
from jax.experimental.pallas import tpu_sc as plsc

H = 256
HL = 64
M = 8
L = 4
NG = 4096
NS = 4096
NV = 8192
NQ = NS + NV
R0 = 0.05
R1 = 0.25
R1SQ = R1 * R1
KMAX = 32
BIG = 1e30

NTILES = 32
QPT = NQ // NTILES
CHUNKS = NG // 16
STAGE = NG + 32



GC = 4
NCELL = GC * GC * GC
CAP = 256


def _sc_ball_body(gx_h, gy_h, gz_h, qx_h, qy_h, qz_h,
                  onx_h, ony_h, onz_h, od2_h,
                  gx, gy, gz, qx, qy, qz,
                  obx, oby, obz, obd, sd, si,
                  ids, counts, cellpts):
    cid = lax.axis_index("c")
    sid = lax.axis_index("s")
    wid = sid * 2 + cid
    base = wid * QPT

    pltpu.sync_copy(gx_h, gx)
    pltpu.sync_copy(gy_h, gy)
    pltpu.sync_copy(gz_h, gz)
    pltpu.sync_copy(qx_h.at[pl.ds(base, QPT)], qx.at[pl.ds(0, QPT)])
    pltpu.sync_copy(qy_h.at[pl.ds(base, QPT)], qy.at[pl.ds(0, QPT)])
    pltpu.sync_copy(qz_h.at[pl.ds(base, QPT)], qz.at[pl.ds(0, QPT)])

    iota16 = lax.iota(jnp.int32, 16)
    lane0 = iota16 == 0

    def cell_of(vx, vy, vz):
        cx = (vx * float(GC)).astype(jnp.int32)
        cy = (vy * float(GC)).astype(jnp.int32)
        cz = (vz * float(GC)).astype(jnp.int32)
        return (cx * GC + cy) * GC + cz

    def id_chunk(cc, carry):
        sl = pl.ds(cc * 16, 16)
        ids[sl] = cell_of(gx[sl], gy[sl], gz[sl])
        return carry

    lax.fori_loop(0, CHUNKS, id_chunk, 0)

    def zero_counts(cc, carry):
        counts[pl.ds(cc * 16, 16)] = jnp.zeros((16,), jnp.int32)
        return carry

    lax.fori_loop(0, (NCELL + 16) // 16, zero_counts, 0)

    def place(i, carry):
        c = ids[pl.ds(i, 16)][0]
        cnt = counts[pl.ds(c, 16)][0]
        plsc.store_scatter(cellpts, [jnp.full((16,), c * CAP + cnt)],
                           jnp.full((16,), i), mask=lane0)
        plsc.store_scatter(counts, [jnp.full((16,), c)],
                           jnp.full((16,), cnt + 1), mask=lane0)
        return carry

    lax.fori_loop(0, NG, place, 0)

    def per_query(qi, carry):
        qsl = pl.ds(qi, 16)
        vqx = jnp.full((16,), qx[qsl][0])
        vqy = jnp.full((16,), qy[qsl][0])
        vqz = jnp.full((16,), qz[qsl][0])

        cxv = jnp.clip((vqx * float(GC)).astype(jnp.int32), 0, GC - 1)
        cyv = jnp.clip((vqy * float(GC)).astype(jnp.int32), 0, GC - 1)
        czv = jnp.clip((vqz * float(GC)).astype(jnp.int32), 0, GC - 1)
        cx = cxv[0]
        cy = cyv[0]
        cz = czv[0]
        x0 = jnp.maximum(cx - 1, 0)
        x1 = jnp.minimum(cx + 1, GC - 1)
        y0 = jnp.maximum(cy - 1, 0)
        y1 = jnp.minimum(cy + 1, GC - 1)
        z0 = jnp.maximum(cz - 1, 0)
        z1 = jnp.minimum(cz + 1, GC - 1)

        def scan_cell_chunk(cnt, base_c):
            def chunk_body(ch, off):
                lanes = iota16 + ch * 16
                tm = lanes < cnt
                idxv = jnp.where(tm, cellpts[pl.ds(base_c + ch * 16, 16)], 0)
                sx = plsc.load_gather(gx, [idxv])
                sy = plsc.load_gather(gy, [idxv])
                sz = plsc.load_gather(gz, [idxv])
                dx = sx - vqx
                dy = sy - vqy
                dz = sz - vqz
                d2 = dx * dx + dy * dy + dz * dz
                m = (d2 <= R1SQ) & tm
                cum = plsc.cumsum(m.astype(jnp.int32))
                pos = cum + (off - 1)
                plsc.store_scatter(sd, [pos], d2, mask=m)
                plsc.store_scatter(si, [pos], idxv, mask=m)
                return off + cum[15]
            return chunk_body

        def xbody(xc, offx):
            def ybody(yc, offy):
                def zbody(zc, offz):
                    c = (xc * GC + yc) * GC + zc
                    cnt = counts[pl.ds(c, 16)][0]
                    nch = (cnt + 15) // 16
                    return lax.fori_loop(0, nch,
                                         scan_cell_chunk(cnt, c * CAP), offz)
                return lax.fori_loop(z0, z1 + 1, zbody, offy)
            return lax.fori_loop(y0, y1 + 1, ybody, offx)

        n = lax.fori_loop(x0, x1 + 1, xbody, 0)

        sd[pl.ds(n, 16)] = jnp.full((16,), BIG)
        si[pl.ds(n, 16)] = jnp.zeros((16,), jnp.int32)
        nchunks = (n + 15) // 16

        def merge_chunk(cc, buf):
            a0d, a0i, a1d, a1i = buf
            cd = sd[pl.ds(cc * 16, 16)]
            ci = si[pl.ds(cc * 16, 16)]
            cd, ci = plsc.sort_key_val(cd, ci)
            rcd = lax.rev(cd, (0,))
            rci = lax.rev(ci, (0,))
            take = a1d <= rcd
            kd = jnp.where(take, a1d, rcd)
            ki = jnp.where(take, a1i, rci)
            kd, ki = plsc.sort_key_val(kd, ki)
            rkd = lax.rev(kd, (0,))
            rki = lax.rev(ki, (0,))
            t = a0d <= rkd
            ld = jnp.where(t, a0d, rkd)
            li = jnp.where(t, a0i, rki)
            hd = jnp.where(t, rkd, a0d)
            hi = jnp.where(t, rki, a0i)
            a0d, a0i = plsc.sort_key_val(ld, li)
            a1d, a1i = plsc.sort_key_val(hd, hi)
            return (a0d, a0i, a1d, a1i)

        init = (jnp.full((16,), BIG), jnp.zeros((16,), jnp.int32),
                jnp.full((16,), BIG), jnp.zeros((16,), jnp.int32))
        a0d, a0i, a1d, a1i = lax.fori_loop(0, nchunks, merge_chunk, init)

        ob = pl.ds(qi * 32, 16)
        ob2 = pl.ds(qi * 32 + 16, 16)
        obx[ob] = plsc.load_gather(gx, [a0i])
        obx[ob2] = plsc.load_gather(gx, [a1i])
        oby[ob] = plsc.load_gather(gy, [a0i])
        oby[ob2] = plsc.load_gather(gy, [a1i])
        obz[ob] = plsc.load_gather(gz, [a0i])
        obz[ob2] = plsc.load_gather(gz, [a1i])
        obd[ob] = a0d
        obd[ob2] = a1d
        return carry

    lax.fori_loop(0, QPT, per_query, 0)

    out_sl = pl.ds(base * 32, QPT * 32)
    pltpu.sync_copy(obx, onx_h.at[out_sl])
    pltpu.sync_copy(oby, ony_h.at[out_sl])
    pltpu.sync_copy(obz, onz_h.at[out_sl])
    pltpu.sync_copy(obd, od2_h.at[out_sl])


_sc_ball = pl.kernel(
    _sc_ball_body,
    out_type=tuple(jax.ShapeDtypeStruct((NQ * 32,), jnp.float32)
                   for _ in range(4)),
    mesh=plsc.VectorSubcoreMesh(core_axis_name="c", subcore_axis_name="s"),
    compiler_params=pltpu.CompilerParams(needs_layout_passes=False),
    scratch_types=[
        pltpu.VMEM((NG,), jnp.float32),
        pltpu.VMEM((NG,), jnp.float32),
        pltpu.VMEM((NG,), jnp.float32),
        pltpu.VMEM((QPT + 16,), jnp.float32),
        pltpu.VMEM((QPT + 16,), jnp.float32),
        pltpu.VMEM((QPT + 16,), jnp.float32),
        pltpu.VMEM((QPT * 32,), jnp.float32),
        pltpu.VMEM((QPT * 32,), jnp.float32),
        pltpu.VMEM((QPT * 32,), jnp.float32),
        pltpu.VMEM((QPT * 32,), jnp.float32),
        pltpu.VMEM((STAGE,), jnp.float32),
        pltpu.VMEM((STAGE,), jnp.int32),
        pltpu.VMEM((NG + 16,), jnp.int32),
        pltpu.VMEM((NCELL + 16,), jnp.int32),
        pltpu.VMEM((NCELL * CAP,), jnp.int32),
    ],
)



FFP = 64


def _fourier(x, nrows):
    ii = lax.broadcasted_iota(jnp.int32, (1, M), 1)
    freqs = lax.shift_left(1, ii).astype(jnp.float32) * np.float32(np.pi)
    parts = [x]
    for d in range(3):
        ang = x[:, d:d + 1] * freqs
        parts.append(jnp.sin(ang))
        parts.append(jnp.cos(ang))
    parts.append(jnp.zeros((nrows, FFP - 51), jnp.float32))
    return jnp.concatenate(parts, axis=1)


GB = 512


def _ctx_body(geo_ref, bc_ref, wgeo_ref, wbc_ref, out_ref, acc_ref):
    i = pl.program_id(0)

    @pl.when(i == 0)
    def _():
        bc = bc_ref[...]
        hb = jnp.maximum(
            jnp.dot(bc, wbc_ref[...], preferred_element_type=jnp.float32), 0.0)
        acc_ref[...] = jnp.sum(hb, axis=0, keepdims=True) * 0.25

    ff = _fourier(geo_ref[...], GB)
    emb = jnp.dot(ff, wgeo_ref[...], preferred_element_type=jnp.float32)
    acc_ref[...] += jnp.sum(emb, axis=0, keepdims=True) * (1.0 / NG)

    @pl.when(i == pl.num_programs(0) - 1)
    def _():
        out_ref[...] = acc_ref[...]


_ctx = pl.pallas_call(
    _ctx_body,
    grid=(NG // GB,),
    in_specs=[
        pl.BlockSpec((GB, 3), lambda i: (i, 0)),
        pl.BlockSpec((8, 2), lambda i: (0, 0)),
        pl.BlockSpec((FFP, H), lambda i: (0, 0)),
        pl.BlockSpec((2, H), lambda i: (0, 0)),
    ],
    out_specs=pl.BlockSpec((1, H), lambda i: (0, 0)),
    out_shape=jax.ShapeDtypeStruct((1, H), jnp.float32),
    scratch_shapes=[pltpu.VMEM((1, H), jnp.float32)],
    compiler_params=pltpu.CompilerParams(
        dimension_semantics=("arbitrary",)),
)


QB = 256


def _trunk_body(pts_ref, nx_ref, ny_ref, nz_ref, nd2_ref, ctx_ref,
                w01_ref, wproj_ref, wpt_ref, wb1_ref, wb2_ref,
                whv_ref, bhv_ref, whs_ref, bhs_ref,
                ov_ref, os_ref):
    pts = pts_ref[...]
    relx = nx_ref[...] - pts[:, 0:1]
    rely = ny_ref[...] - pts[:, 1:2]
    relz = nz_ref[...] - pts[:, 2:3]
    dist = jnp.sqrt(nd2_ref[...])
    m0 = dist <= R0
    m1 = dist <= R1

    loc128 = jnp.concatenate([relx, rely, relz, dist], axis=1)
    enc_all = jnp.maximum(
        jnp.dot(loc128, w01_ref[...], preferred_element_type=jnp.float32),
        0.0)
    acc0 = jnp.zeros((QB, HL), jnp.float32)
    acc1 = jnp.zeros((QB, HL), jnp.float32)
    for s in range(KMAX):
        enc = enc_all[:, s * 2 * HL:(s + 1) * 2 * HL]
        mm1 = jnp.broadcast_to(m1[:, s:s + 1], (QB, HL))
        acc1 = jnp.maximum(acc1, jnp.where(mm1, enc[:, HL:], 0.0))
        if s < 8:
            mm0 = jnp.broadcast_to(m0[:, s:s + 1], (QB, HL))
            acc0 = jnp.maximum(acc0, jnp.where(mm0, enc[:, :HL], 0.0))

    pooled = jnp.dot(jnp.concatenate([acc0, acc1], axis=1), wproj_ref[...],
                     preferred_element_type=jnp.float32)
    ff = _fourier(pts, QB)
    x = (jnp.dot(ff, wpt_ref[...], preferred_element_type=jnp.float32)
         + pooled + ctx_ref[...])
    for l in range(L):
        hdn = jnp.maximum(
            jnp.dot(x, wb1_ref[l], preferred_element_type=jnp.float32), 0.0)
        x = x + jnp.dot(hdn, wb2_ref[l], preferred_element_type=jnp.float32)
    ov_ref[...] = (jnp.dot(x, whv_ref[...],
                           preferred_element_type=jnp.float32) + bhv_ref[...])
    os_ref[...] = (jnp.dot(x, whs_ref[...],
                           preferred_element_type=jnp.float32) + bhs_ref[...])


_trunk = pl.pallas_call(
    _trunk_body,
    grid=(NQ // QB,),
    in_specs=[
        pl.BlockSpec((QB, 3), lambda i: (i, 0)),
        pl.BlockSpec((QB, KMAX), lambda i: (i, 0)),
        pl.BlockSpec((QB, KMAX), lambda i: (i, 0)),
        pl.BlockSpec((QB, KMAX), lambda i: (i, 0)),
        pl.BlockSpec((QB, KMAX), lambda i: (i, 0)),
        pl.BlockSpec((1, H), lambda i: (0, 0)),
        pl.BlockSpec((2 * HL, KMAX * 2 * HL), lambda i: (0, 0)),
        pl.BlockSpec((2 * HL, H), lambda i: (0, 0)),
        pl.BlockSpec((FFP, H), lambda i: (0, 0)),
        pl.BlockSpec((L, H, H), lambda i: (0, 0, 0)),
        pl.BlockSpec((L, H, H), lambda i: (0, 0, 0)),
        pl.BlockSpec((H, 5), lambda i: (0, 0)),
        pl.BlockSpec((1, 5), lambda i: (0, 0)),
        pl.BlockSpec((H, 4), lambda i: (0, 0)),
        pl.BlockSpec((1, 4), lambda i: (0, 0)),
    ],
    out_specs=[
        pl.BlockSpec((QB, 5), lambda i: (i, 0)),
        pl.BlockSpec((QB, 4), lambda i: (i, 0)),
    ],
    out_shape=[
        jax.ShapeDtypeStruct((NQ, 5), jnp.float32),
        jax.ShapeDtypeStruct((NQ, 4), jnp.float32),
    ],
    compiler_params=pltpu.CompilerParams(
        dimension_semantics=("parallel",)),
)



def kernel(geometry_points, surface_points, volume_points, bc_values,
           W_geo, W_bc, W_loc0, W_loc1, W_locproj, W_pt,
           W_blocks1, W_blocks2, W_head_vol, b_head_vol,
           W_head_surf, b_head_surf):
    g = geometry_points[0]
    qs = jnp.concatenate([volume_points[0], surface_points[0]], axis=0)

    nx, ny, nz, nd2 = _sc_ball(
        g[:, 0], g[:, 1], g[:, 2], qs[:, 0], qs[:, 1], qs[:, 2])
    nx = nx.reshape(NQ, KMAX)
    ny = ny.reshape(NQ, KMAX)
    nz = nz.reshape(NQ, KMAX)
    nd2 = nd2.reshape(NQ, KMAX)

    wgeo_pad = jnp.pad(W_geo, ((0, FFP - 51), (0, 0)))
    wpt_pad = jnp.pad(W_pt, ((0, FFP - 51), (0, 0)))
    bc_pad = jnp.pad(bc_values[0], ((0, 4), (0, 0)))
    ctx = _ctx(g, bc_pad, wgeo_pad, W_bc)

    w01 = jnp.concatenate([W_loc0, W_loc1], axis=1)
    eye32 = jnp.eye(KMAX, dtype=jnp.float32)
    w_bd = (w01[:, None, None, :] * eye32[None, :, :, None]).reshape(
        2 * HL, KMAX * 2 * HL)
    ov, osf = _trunk(qs, nx, ny, nz, nd2, ctx,
                     w_bd, W_locproj, wpt_pad, W_blocks1, W_blocks2,
                     W_head_vol, b_head_vol.reshape(1, 5),
                     W_head_surf, b_head_surf.reshape(1, 4))
    pred_vol = ov[:NV][None]
    pred_surf = osf[NV:][None]
    return (pred_vol, pred_surf)

# --- scband reference (transcript-rebuilt; emitter-appended) ---
"""Pipeline reference for scband-pulsar-model-30648886624903 (READ-ONLY COPY).

The authoritative reference and input builder live on the scoring server;
editing this copy changes nothing except your own understanding.
"""

import jax, jax.numpy as jnp
import numpy as np

H = 256
HL = 64
M = 8
L = 4
KS = (8, 32)
RS = (0.05, 0.25)
B, NG, NS, NV = 1, 4096, 4096, 8192


def fourier_feats(x):
    freqs = (2.0 ** jnp.arange(M)) * np.pi
    ang = x[..., None] * freqs
    ff = jnp.concatenate([jnp.sin(ang), jnp.cos(ang)], axis=-1)
    ff = ff.reshape(x.shape[:-1] + (3 * 2 * M,))
    return jnp.concatenate([x, ff], axis=-1)


def pairwise_sqdist(q, s):
    qn = jnp.sum(q * q, axis=-1)
    sn = jnp.sum(s * s, axis=-1)
    cross = jnp.einsum('bnd,bmd->bnm', q, s)
    return jnp.maximum(qn[:, :, None] + sn[:, None, :] - 2.0 * cross, 0.0)


def ball_query_features(q, src, W_loc0, W_loc1, W_proj):
    d2 = pairwise_sqdist(q, src)
    pooled = []
    for k, r, Wl in ((KS[0], RS[0], W_loc0), (KS[1], RS[1], W_loc1)):
        negd, idx = jax.lax.top_k(-d2, k)
        dist = jnp.sqrt(jnp.maximum(-negd, 0.0))
        nbr = jax.vmap(lambda s, i: s[i])(src, idx)
        rel = nbr - q[:, :, None, :]
        loc = jnp.concatenate([rel, dist[..., None]], axis=-1)
        enc = jax.nn.relu(loc @ Wl)
        mask = (dist <= r).astype(enc.dtype)[..., None]
        pooled.append(jnp.max(enc * mask, axis=2))
    return jnp.concatenate(pooled, axis=-1) @ W_proj


def setup_inputs(seed: int = 0):
    key = jax.random.key(seed)
    ks = jax.random.split(key, 20)
    d_ff = 3 + 3 * 2 * M
    sc = 0.02
    inp = {}
    inp['geometry_points'] = jax.random.uniform(ks[0], (B, NG, 3), dtype=jnp.float32)
    inp['surface_points'] = jax.random.uniform(ks[1], (B, NS, 3), dtype=jnp.float32)
    inp['volume_points'] = jax.random.uniform(ks[2], (B, NV, 3), dtype=jnp.float32)
    inp['bc_values'] = jax.random.normal(ks[3], (B, 4, 2), dtype=jnp.float32)
    inp['W_geo'] = jax.random.normal(ks[4], (d_ff, H), dtype=jnp.float32) * sc
    inp['W_bc'] = jax.random.normal(ks[5], (2, H), dtype=jnp.float32) * sc
    inp['W_loc0'] = jax.random.normal(ks[6], (4, HL), dtype=jnp.float32) * sc
    inp['W_loc1'] = jax.random.normal(ks[7], (4, HL), dtype=jnp.float32) * sc
    inp['W_locproj'] = jax.random.normal(ks[8], (2 * HL, H), dtype=jnp.float32) * sc
    inp['W_pt'] = jax.random.normal(ks[9], (d_ff, H), dtype=jnp.float32) * sc
    inp['W_blocks1'] = jax.random.normal(ks[10], (L, H, H), dtype=jnp.float32) * sc
    inp['W_blocks2'] = jax.random.normal(ks[11], (L, H, H), dtype=jnp.float32) * sc
    inp['W_head_vol'] = jax.random.normal(ks[12], (H, 5), dtype=jnp.float32) * sc
    inp['b_head_vol'] = jnp.zeros((5,), dtype=jnp.float32)
    inp['W_head_surf'] = jax.random.normal(ks[13], (H, 4), dtype=jnp.float32) * sc
    inp['b_head_surf'] = jnp.zeros((4,), dtype=jnp.float32)
    return inp


def reference(geometry_points, surface_points, volume_points, bc_values, W_geo, W_bc, W_loc0, W_loc1, W_locproj, W_pt, W_blocks1, W_blocks2, W_head_vol, b_head_vol, W_head_surf, b_head_surf):
    geo_emb = fourier_feats(geometry_points) @ W_geo
    ctx = jnp.mean(geo_emb, axis=1) + jnp.mean(jax.nn.relu(bc_values @ W_bc), axis=1)
    x_v = fourier_feats(volume_points) @ W_pt + ball_query_features(volume_points, geometry_points, W_loc0, W_loc1, W_locproj) + ctx[:, None, :]
    x_s = fourier_feats(surface_points) @ W_pt + ball_query_features(surface_points, geometry_points, W_loc0, W_loc1, W_locproj) + ctx[:, None, :]
    for l in range(L):
        x_v = x_v + jax.nn.relu(x_v @ W_blocks1[l]) @ W_blocks2[l]
        x_s = x_s + jax.nn.relu(x_s @ W_blocks1[l]) @ W_blocks2[l]
    pred_vol = x_v @ W_head_vol + b_head_vol
    pred_surf = x_s @ W_head_surf + b_head_surf
    return (pred_vol, pred_surf)

if __name__ == "__main__":
    import jax
    _d = setup_inputs()
    print(jax.jit(kernel)(*tuple(_d.values())))

</pallas_src>

<mosaic_0001>
#map = affine_map<(d0, d1) -> (0)>
module attributes {stable_mosaic.version = 14 : i64} {
  func.func @_sc_ball_body(%arg0: i32, %arg1: i32, %arg2: memref<4096xf32, #tpu.memory_space<hbm>>, %arg3: memref<4096xf32, #tpu.memory_space<hbm>>, %arg4: memref<4096xf32, #tpu.memory_space<hbm>>, %arg5: memref<12288xf32, #tpu.memory_space<hbm>>, %arg6: memref<12288xf32, #tpu.memory_space<hbm>>, %arg7: memref<12288xf32, #tpu.memory_space<hbm>>, %arg8: memref<393216xf32, #tpu.memory_space<hbm>>, %arg9: memref<393216xf32, #tpu.memory_space<hbm>>, %arg10: memref<393216xf32, #tpu.memory_space<hbm>>, %arg11: memref<393216xf32, #tpu.memory_space<hbm>>, %arg12: memref<4096xf32, #tpu.memory_space<vmem>>, %arg13: memref<4096xf32, #tpu.memory_space<vmem>>, %arg14: memref<4096xf32, #tpu.memory_space<vmem>>, %arg15: memref<400xf32, #tpu.memory_space<vmem>>, %arg16: memref<400xf32, #tpu.memory_space<vmem>>, %arg17: memref<400xf32, #tpu.memory_space<vmem>>, %arg18: memref<12288xf32, #tpu.memory_space<vmem>>, %arg19: memref<12288xf32, #tpu.memory_space<vmem>>, %arg20: memref<12288xf32, #tpu.memory_space<vmem>>, %arg21: memref<12288xf32, #tpu.memory_space<vmem>>, %arg22: memref<4128xf32, #tpu.memory_space<vmem>>, %arg23: memref<4128xi32, #tpu.memory_space<vmem>>, %arg24: memref<4112xi32, #tpu.memory_space<vmem>>, %arg25: memref<80xi32, #tpu.memory_space<vmem>>, %arg26: memref<16384xi32, #tpu.memory_space<vmem>>) attributes {dimension_semantics = [#tpu.dimension_semantics<core_parallel>, #tpu.dimension_semantics<subcore_parallel>], iteration_bounds = array<i64: 2, 16>, scalar_prefetch = 0 : i64, scratch_operands = 15 : i64, tpu.core_type = #tpu.core_type<sc_vector_subcore>, window_params = [{transform_indices = #map}, {transform_indices = #map}, {transform_indices = #map}, {transform_indices = #map}, {transform_indices = #map}, {transform_indices = #map}, {transform_indices = #map}, {transform_indices = #map}, {transform_indices = #map}, {transform_indices = #map}]} {
    %mul3A = arith.constant 2 : i32
    %mul3A_0 = arith.muli %arg1, %mul3A : i32
    %add3A = arith.addi %mul3A_0, %arg0 : i32
    %mul3A_1 = arith.constant 384 : i32
    %mul3A_2 = arith.muli %add3A, %mul3A_1 : i32
    "tpu.region"() ({
      %run_scoped3A = tpu.sem_alloc : memref<!tpu.dma_semaphore, #tpu.memory_space<semaphore_mem>>
      tpu.enqueue_dma source(%arg2 : memref<4096xf32, #tpu.memory_space<hbm>>) target(%arg12 : memref<4096xf32, #tpu.memory_space<vmem>>) target_semaphore(%run_scoped3A : memref<!tpu.dma_semaphore, #tpu.memory_space<semaphore_mem>>)
      tpu.wait_dma2 semaphore(%run_scoped3A : memref<!tpu.dma_semaphore, #tpu.memory_space<semaphore_mem>>) src(%arg2 : memref<4096xf32, #tpu.memory_space<hbm>>) dst(%arg12 : memref<4096xf32, #tpu.memory_space<vmem>>)
      tpu.yield
    }) : () -> ()
    "tpu.region"() ({
      %run_scoped3A = tpu.sem_alloc : memref<!tpu.dma_semaphore, #tpu.memory_space<semaphore_mem>>
      tpu.enqueue_dma source(%arg3 : memref<4096xf32, #tpu.memory_space<hbm>>) target(%arg13 : memref<4096xf32, #tpu.memory_space<vmem>>) target_semaphore(%run_scoped3A : memref<!tpu.dma_semaphore, #tpu.memory_space<semaphore_mem>>)
      tpu.wait_dma2 semaphore(%run_scoped3A : memref<!tpu.dma_semaphore, #tpu.memory_space<semaphore_mem>>) src(%arg3 : memref<4096xf32, #tpu.memory_space<hbm>>) dst(%arg13 : memref<4096xf32, #tpu.memory_space<vmem>>)
      tpu.yield
    }) : () -> ()
    "tpu.region"() ({
      %run_scoped3A = tpu.sem_alloc : memref<!tpu.dma_semaphore, #tpu.memory_space<semaphore_mem>>
      tpu.enqueue_dma source(%arg4 : memref<4096xf32, #tpu.memory_space<hbm>>) target(%arg14 : memref<4096xf32, #tpu.memory_space<vmem>>) target_semaphore(%run_scoped3A : memref<!tpu.dma_semaphore, #tpu.memory_space<semaphore_mem>>)
      tpu.wait_dma2 semaphore(%run_scoped3A : memref<!tpu.dma_semaphore, #tpu.memory_space<semaphore_mem>>) src(%arg4 : memref<4096xf32, #tpu.memory_space<hbm>>) dst(%arg14 : memref<4096xf32, #tpu.memory_space<vmem>>)
      tpu.yield
    }) : () -> ()
    "tpu.region"() ({
      %run_scoped3A = tpu.sem_alloc : memref<!tpu.dma_semaphore, #tpu.memory_space<semaphore_mem>>
      %dma_start3A = arith.constant 0 : i32
      %dma_start3A_30 = tpu.memref_slice %arg15[%dma_start3A] : memref<400xf32, #tpu.memory_space<vmem>> -> memref<384xf32, #tpu.memory_space<vmem>>
      %dma_start3A_31 = tpu.memref_slice %arg5[%mul3A_2] : memref<12288xf32, #tpu.memory_space<hbm>> -> memref<384xf32, #tpu.memory_space<hbm>>
      %dma_start3A_32 = arith.constant 0 : i32
      %dma_start3A_33 = tpu.memref_slice %arg15[%dma_start3A_32] : memref<400xf32, #tpu.memory_space<vmem>> -> memref<384xf32, #tpu.memory_space<vmem>>
      %dma_start3A_34 = tpu.memref_slice %arg5[%mul3A_2] : memref<12288xf32, #tpu.memory_space<hbm>> -> memref<384xf32, #tpu.memory_space<hbm>>
      tpu.enqueue_dma source(%dma_start3A_34 : memref<384xf32, #tpu.memory_space<hbm>>) target(%dma_start3A_33 : memref<384xf32, #tpu.memory_space<vmem>>) target_semaphore(%run_scoped3A : memref<!tpu.dma_semaphore, #tpu.memory_space<semaphore_mem>>)
      %dma_wait3A = arith.constant 0 : i32
      %dma_wait3A_35 = tpu.memref_slice %arg15[%dma_wait3A] : memref<400xf32, #tpu.memory_space<vmem>> -> memref<384xf32, #tpu.memory_space<vmem>>
      %dma_wait3A_36 = tpu.memref_slice %arg5[%mul3A_2] : memref<12288xf32, #tpu.memory_space<hbm>> -> memref<384xf32, #tpu.memory_space<hbm>>
      %dma_wait3A_37 = arith.constant 0 : i32
      %dma_wait3A_38 = tpu.memref_slice %arg15[%dma_wait3A_37] : memref<400xf32, #tpu.memory_space<vmem>> -> memref<384xf32, #tpu.memory_space<vmem>>
      %dma_wait3A_39 = tpu.memref_slice %arg5[%mul3A_2] : memref<12288xf32, #tpu.memory_space<hbm>> -> memref<384xf32, #tpu.memory_space<hbm>>
      tpu.wait_dma2 semaphore(%run_scoped3A : memref<!tpu.dma_semaphore, #tpu.memory_space<semaphore_mem>>) src(%dma_wait3A_39 : memref<384xf32, #tpu.memory_space<hbm>>) dst(%dma_wait3A_38 : memref<384xf32, #tpu.memory_space<vmem>>)
      tpu.yield
    }) : () -> ()
    "tpu.region"() ({
      %run_scoped3A = tpu.sem_alloc : memref<!tpu.dma_semaphore, #tpu.memory_space<semaphore_mem>>
      %dma_start3A = arith.constant 0 : i32
      %dma_start3A_30 = tpu.memref_slice %arg16[%dma_start3A] : memref<400xf32, #tpu.memory_space<vmem>> -> memref<384xf32, #tpu.memory_space<vmem>>
      %dma_start3A_31 = tpu.memref_slice %arg6[%mul3A_2] : memref<12288xf32, #tpu.memory_space<hbm>> -> memref<384xf32, #tpu.memory_space<hbm>>
      %dma_start3A_32 = arith.constant 0 : i32
      %dma_start3A_33 = tpu.memref_slice %arg16[%dma_start3A_32] : memref<400xf32, #tpu.memory_space<vmem>> -> memref<384xf32, #tpu.memory_space<vmem>>
      %dma_start3A_34 = tpu.memref_slice %arg6[%mul3A_2] : memref<12288xf32, #tpu.memory_space<hbm>> -> memref<384xf32, #tpu.memory_space<hbm>>
      tpu.enqueue_dma source(%dma_start3A_34 : memref<384xf32, #tpu.memory_space<hbm>>) target(%dma_start3A_33 : memref<384xf32, #tpu.memory_space<vmem>>) target_semaphore(%run_scoped3A : memref<!tpu.dma_semaphore, #tpu.memory_space<semaphore_mem>>)
      %dma_wait3A = arith.constant 0 : i32
      %dma_wait3A_35 = tpu.memref_slice %arg16[%dma_wait3A] : memref<400xf32, #tpu.memory_space<vmem>> -> memref<384xf32, #tpu.memory_space<vmem>>
      %dma_wait3A_36 = tpu.memref_slice %arg6[%mul3A_2] : memref<12288xf32, #tpu.memory_space<hbm>> -> memref<384xf32, #tpu.memory_space<hbm>>
      %dma_wait3A_37 = arith.constant 0 : i32
      %dma_wait3A_38 = tpu.memref_slice %arg16[%dma_wait3A_37] : memref<400xf32, #tpu.memory_space<vmem>> -> memref<384xf32, #tpu.memory_space<vmem>>
      %dma_wait3A_39 = tpu.memref_slice %arg6[%mul3A_2] : memref<12288xf32, #tpu.memory_space<hbm>> -> memref<384xf32, #tpu.memory_space<hbm>>
      tpu.wait_dma2 semaphore(%run_scoped3A : memref<!tpu.dma_semaphore, #tpu.memory_space<semaphore_mem>>) src(%dma_wait3A_39 : memref<384xf32, #tpu.memory_space<hbm>>) dst(%dma_wait3A_38 : memref<384xf32, #tpu.memory_space<vmem>>)
      tpu.yield
    }) : () -> ()
    "tpu.region"() ({
      %run_scoped3A = tpu.sem_alloc : memref<!tpu.dma_semaphore, #tpu.memory_space<semaphore_mem>>
      %dma_start3A = arith.constant 0 : i32
      %dma_start3A_30 = tpu.memref_slice %arg17[%dma_start3A] : memref<400xf32, #tpu.memory_space<vmem>> -> memref<384xf32, #tpu.memory_space<vmem>>
      %dma_start3A_31 = tpu.memref_slice %arg7[%mul3A_2] : memref<12288xf32, #tpu.memory_space<hbm>> -> memref<384xf32, #tpu.memory_space<hbm>>
      %dma_start3A_32 = arith.constant 0 : i32
      %dma_start3A_33 = tpu.memref_slice %arg17[%dma_start3A_32] : memref<400xf32, #tpu.memory_space<vmem>> -> memref<384xf32, #tpu.memory_space<vmem>>
      %dma_start3A_34 = tpu.memref_slice %arg7[%mul3A_2] : memref<12288xf32, #tpu.memory_space<hbm>> -> memref<384xf32, #tpu.memory_space<hbm>>
      tpu.enqueue_dma source(%dma_start3A_34 : memref<384xf32, #tpu.memory_space<hbm>>) target(%dma_start3A_33 : memref<384xf32, #tpu.memory_space<vmem>>) target_semaphore(%run_scoped3A : memref<!tpu.dma_semaphore, #tpu.memory_space<semaphore_mem>>)
      %dma_wait3A = arith.constant 0 : i32
      %dma_wait3A_35 = tpu.memref_slice %arg17[%dma_wait3A] : memref<400xf32, #tpu.memory_space<vmem>> -> memref<384xf32, #tpu.memory_space<vmem>>
      %dma_wait3A_36 = tpu.memref_slice %arg7[%mul3A_2] : memref<12288xf32, #tpu.memory_space<hbm>> -> memref<384xf32, #tpu.memory_space<hbm>>
      %dma_wait3A_37 = arith.constant 0 : i32
      %dma_wait3A_38 = tpu.memref_slice %arg17[%dma_wait3A_37] : memref<400xf32, #tpu.memory_space<vmem>> -> memref<384xf32, #tpu.memory_space<vmem>>
      %dma_wait3A_39 = tpu.memref_slice %arg7[%mul3A_2] : memref<12288xf32, #tpu.memory_space<hbm>> -> memref<384xf32, #tpu.memory_space<hbm>>
      tpu.wait_dma2 semaphore(%run_scoped3A : memref<!tpu.dma_semaphore, #tpu.memory_space<semaphore_mem>>) src(%dma_wait3A_39 : memref<384xf32, #tpu.memory_space<hbm>>) dst(%dma_wait3A_38 : memref<384xf32, #tpu.memory_space<vmem>>)
      tpu.yield
    }) : () -> ()
    %iota3A = tpu.iota {dimensions = array<i32: 0>} : vector<16xi32>
    %eq3A = arith.constant 0 : i32
    %eq3A_3 = vector.broadcast %eq3A : i32 to vector<16xi32>
    %eq3A_4 = arith.cmpi eq, %iota3A, %eq3A_3 : vector<16xi32>
    %scan3A = arith.constant 0 : i32
    %scan3A_5 = arith.constant 0 : i32
    %scan3A_6 = arith.constant 256 : i32
    %scan3A_7 = arith.addi %scan3A_5, %scan3A_6 : i32
    %scan3A_8 = arith.constant 1 : i32
    scf.for %scan3A_30 = %scan3A_5 to %scan3A_7 step %scan3A_8  : i32 {
      %mul3A_31 = arith.constant 16 : i32
      %mul3A_32 = arith.muli %scan3A_30, %mul3A_31 : i32
      %get3A = arith.index_cast %mul3A_32 : i32 to index
      %get3A_33 = tpu.vector_load %arg12[%get3A] {strides = array<i32>} : memref<4096xf32, #tpu.memory_space<vmem>>, vector<16xf32>,
      %get3A_34 = arith.index_cast %mul3A_32 : i32 to index
      %get3A_35 = tpu.vector_load %arg13[%get3A_34] {strides = array<i32>} : memref<4096xf32, #tpu.memory_space<vmem>>, vector<16xf32>,
      %get3A_36 = arith.index_cast %mul3A_32 : i32 to index
      %get3A_37 = tpu.vector_load %arg14[%get3A_36] {strides = array<i32>} : memref<4096xf32, #tpu.memory_space<vmem>>, vector<16xf32>,
      %mul3A_38 = arith.constant 4.000000e+00 : f32
      %mul3A_39 = vector.broadcast %mul3A_38 : f32 to vector<16xf32>
      %mul3A_40 = arith.mulf %get3A_33, %mul3A_39 : vector<16xf32>
      %convert_element_type3A = arith.fptosi %mul3A_40 : vector<16xf32> to vector<16xi32>
      %mul3A_41 = arith.constant 4.000000e+00 : f32
      %mul3A_42 = vector.broadcast %mul3A_41 : f32 to vector<16xf32>
      %mul3A_43 = arith.mulf %get3A_35, %mul3A_42 : vector<16xf32>
      %convert_element_type3A_44 = arith.fptosi %mul3A_43 : vector<16xf32> to vector<16xi32>
      %mul3A_45 = arith.constant 4.000000e+00 : f32
      %mul3A_46 = vector.broadcast %mul3A_45 : f32 to vector<16xf32>
      %mul3A_47 = arith.mulf %get3A_37, %mul3A_46 : vector<16xf32>
      %convert_element_type3A_48 = arith.fptosi %mul3A_47 : vector<16xf32> to vector<16xi32>
      %mul3A_49 = arith.constant 4 : i32
      %mul3A_50 = vector.broadcast %mul3A_49 : i32 to vector<16xi32>
      %mul3A_51 = arith.muli %convert_element_type3A, %mul3A_50 : vector<16xi32>
      %add3A_52 = arith.addi %mul3A_51, %convert_element_type3A_44 : vector<16xi32>
      %mul3A_53 = arith.constant 4 : i32
      %mul3A_54 = vector.broadcast %mul3A_53 : i32 to vector<16xi32>
      %mul3A_55 = arith.muli %add3A_52, %mul3A_54 : vector<16xi32>
      %add3A_56 = arith.addi %mul3A_55, %convert_element_type3A_48 : vector<16xi32>
      %swap3A = arith.index_cast %mul3A_32 : i32 to index
      %swap3A_57 = tpu.vector_load %arg24[%swap3A] {strides = array<i32>} : memref<4112xi32, #tpu.memory_space<vmem>>, vector<16xi32>,
      tpu.vector_store %arg24[%swap3A], %add3A_56 {strides = array<i32>} : memref<4112xi32, #tpu.memory_space<vmem>>, vector<16xi32>,
    }
    %scan3A_9 = arith.constant 256 : i32
    %scan3A_10 = arith.constant 0 : i32
    %scan3A_11 = arith.constant 0 : i32
    %scan3A_12 = arith.constant 5 : i32
    %scan3A_13 = arith.addi %scan3A_11, %scan3A_12 : i32
    %scan3A_14 = arith.constant 1 : i32
    scf.for %scan3A_30 = %scan3A_11 to %scan3A_13 step %scan3A_14  : i32 {
      %broadcast_in_dim3A = arith.constant 0 : i32
      %broadcast_in_dim3A_31 = vector.broadcast %broadcast_in_dim3A : i32 to vector<16xi32>
      %mul3A_32 = arith.constant 16 : i32
      %mul3A_33 = arith.muli %scan3A_30, %mul3A_32 : i32
      %swap3A = arith.index_cast %mul3A_33 : i32 to index
      %swap3A_34 = tpu.vector_load %arg25[%swap3A] {strides = array<i32>} : memref<80xi32, #tpu.memory_space<vmem>>, vector<16xi32>,
      tpu.vector_store %arg25[%swap3A], %broadcast_in_dim3A_31 {strides = array<i32>} : memref<80xi32, #tpu.memory_space<vmem>>, vector<16xi32>,
    }
    %scan3A_15 = arith.constant 5 : i32
    %scan3A_16 = arith.constant 0 : i32
    %scan3A_17 = arith.constant 0 : i32
    %scan3A_18 = arith.constant 4096 : i32
    %scan3A_19 = arith.addi %scan3A_17, %scan3A_18 : i32
    %scan3A_20 = arith.constant 1 : i32
    scf.for %scan3A_30 = %scan3A_17 to %scan3A_19 step %scan3A_20  : i32 {
      %get3A = arith.index_cast %scan3A_30 : i32 to index
      %get3A_31 = tpu.vector_load %arg24[%get3A] {strides = array<i32>} : memref<4112xi32, #tpu.memory_space<vmem>>, vector<16xi32>,
      %slice3A = vector.extract_strided_slice %get3A_31 {offsets = [0], sizes = [1], strides = [1]} : vector<16xi32> to vector<1xi32>
      %squeeze3A = vector.extract %slice3A[0] : i32 from vector<1xi32>
      %get3A_32 = arith.index_cast %squeeze3A : i32 to index
      %get3A_33 = tpu.vector_load %arg25[%get3A_32] {strides = array<i32>} : memref<80xi32, #tpu.memory_space<vmem>>, vector<16xi32>,
      %slice3A_34 = vector.extract_strided_slice %get3A_33 {offsets = [0], sizes = [1], strides = [1]} : vector<16xi32> to vector<1xi32>
      %squeeze3A_35 = vector.extract %slice3A_34[0] : i32 from vector<1xi32>
      %mul3A_36 = arith.constant 256 : i32
      %mul3A_37 = arith.muli %squeeze3A, %mul3A_36 : i32
      %add3A_38 = arith.addi %mul3A_37, %squeeze3A_35 : i32
      %broadcast_in_dim3A = vector.broadcast %add3A_38 : i32 to vector<16xi32>
      %broadcast_in_dim3A_39 = vector.broadcast %scan3A_30 : i32 to vector<16xi32>
      tpu.vector_store_idx %arg26[%broadcast_in_dim3A], %broadcast_in_dim3A_39 masked %eq3A_4 : memref<16384xi32, #tpu.memory_space<vmem>>[vector<16xi32>], vector<16xi32>, vector<16xi1>
      %broadcast_in_dim3A_40 = vector.broadcast %squeeze3A : i32 to vector<16xi32>
      %add3A_41 = arith.constant 1 : i32
      %add3A_42 = arith.addi %squeeze3A_35, %add3A_41 : i32
      %broadcast_in_dim3A_43 = vector.broadcast %add3A_42 : i32 to vector<16xi32>
      tpu.vector_store_idx %arg25[%broadcast_in_dim3A_40], %broadcast_in_dim3A_43 masked %eq3A_4 : memref<80xi32, #tpu.memory_space<vmem>>[vector<16xi32>], vector<16xi32>, vector<16xi1>
    }
    %scan3A_21 = arith.constant 4096 : i32
    %scan3A_22 = arith.constant 0 : i32
    %scan3A_23 = arith.constant 0 : i32
    %scan3A_24 = arith.constant 384 : i32
    %scan3A_25 = arith.addi %scan3A_23, %scan3A_24 : i32
    %scan3A_26 = arith.constant 1 : i32
    scf.for %scan3A_30 = %scan3A_23 to %scan3A_25 step %scan3A_26  : i32 {
      %get3A = arith.index_cast %scan3A_30 : i32 to index
      %get3A_31 = tpu.vector_load %arg15[%get3A] {strides = array<i32>} : memref<400xf32, #tpu.memory_space<vmem>>, vector<16xf32>,
      %slice3A = vector.extract_strided_slice %get3A_31 {offsets = [0], sizes = [1], strides = [1]} : vector<16xf32> to vector<1xf32>
      %squeeze3A = vector.extract %slice3A[0] : f32 from vector<1xf32>
      %broadcast_in_dim3A = vector.broadcast %squeeze3A : f32 to vector<16xf32>
      %get3A_32 = arith.index_cast %scan3A_30 : i32 to index
      %get3A_33 = tpu.vector_load %arg16[%get3A_32] {strides = array<i32>} : memref<400xf32, #tpu.memory_space<vmem>>, vector<16xf32>,
      %slice3A_34 = vector.extract_strided_slice %get3A_33 {offsets = [0], sizes = [1], strides = [1]} : vector<16xf32> to vector<1xf32>
      %squeeze3A_35 = vector.extract %slice3A_34[0] : f32 from vector<1xf32>
      %broadcast_in_dim3A_36 = vector.broadcast %squeeze3A_35 : f32 to vector<16xf32>
      %get3A_37 = arith.index_cast %scan3A_30 : i32 to index
      %get3A_38 = tpu.vector_load %arg17[%get3A_37] {strides = array<i32>} : memref<400xf32, #tpu.memory_space<vmem>>, vector<16xf32>,
      %slice3A_39 = vector.extract_strided_slice %get3A_38 {offsets = [0], sizes = [1], strides = [1]} : vector<16xf32> to vector<1xf32>
      %squeeze3A_40 = vector.extract %slice3A_39[0] : f32 from vector<1xf32>
      %broadcast_in_dim3A_41 = vector.broadcast %squeeze3A_40 : f32 to vector<16xf32>
      %mul3A_42 = arith.constant 4.000000e+00 : f32
      %mul3A_43 = vector.broadcast %mul3A_42 : f32 to vector<16xf32>
      %mul3A_44 = arith.mulf %broadcast_in_dim3A, %mul3A_43 : vector<16xf32>
      %convert_element_type3A = arith.fptosi %mul3A_44 : vector<16xf32> to vector<16xi32>
      %jit3A = arith.constant 0 : i32
      %jit3A_45 = arith.constant 3 : i32
      %max3A = vector.broadcast %jit3A : i32 to vector<16xi32>
      %max3A_46 = arith.maxsi %max3A, %convert_element_type3A : vector<16xi32>
      %min3A = vector.broadcast %jit3A_45 : i32 to vector<16xi32>
      %min3A_47 = arith.minsi %min3A, %max3A_46 : vector<16xi32>
      %mul3A_48 = arith.constant 4.000000e+00 : f32
      %mul3A_49 = vector.broadcast %mul3A_48 : f32 to vector<16xf32>
      %mul3A_50 = arith.mulf %broadcast_in_dim3A_36, %mul3A_49 : vector<16xf32>
      %convert_element_type3A_51 = arith.fptosi %mul3A_50 : vector<16xf32> to vector<16xi32>
      %jit3A_52 = arith.constant 0 : i32
      %jit3A_53 = arith.constant 3 : i32
      %max3A_54 = vector.broadcast %jit3A_52 : i32 to vector<16xi32>
      %max3A_55 = arith.maxsi %max3A_54, %convert_element_type3A_51 : vector<16xi32>
      %min3A_56 = vector.broadcast %jit3A_53 : i32 to vector<16xi32>
      %min3A_57 = arith.minsi %min3A_56, %max3A_55 : vector<16xi32>
      %mul3A_58 = arith.constant 4.000000e+00 : f32
      %mul3A_59 = vector.broadcast %mul3A_58 : f32 to vector<16xf32>
      %mul3A_60 = arith.mulf %broadcast_in_dim3A_41, %mul3A_59 : vector<16xf32>
      %convert_element_type3A_61 = arith.fptosi %mul3A_60 : vector<16xf32> to vector<16xi32>
      %jit3A_62 = arith.constant 0 : i32
      %jit3A_63 = arith.constant 3 : i32
      %max3A_64 = vector.broadcast %jit3A_62 : i32 to vector<16xi32>
      %max3A_65 = arith.maxsi %max3A_64, %convert_element_type3A_61 : vector<16xi32>
      %min3A_66 = vector.broadcast %jit3A_63 : i32 to vector<16xi32>
      %min3A_67 = arith.minsi %min3A_66, %max3A_65 : vector<16xi32>
      %slice3A_68 = vector.extract_strided_slice %min3A_47 {offsets = [0], sizes = [1], strides = [1]} : vector<16xi32> to vector<1xi32>
      %squeeze3A_69 = vector.extract %slice3A_68[0] : i32 from vector<1xi32>
      %slice3A_70 = vector.extract_strided_slice %min3A_57 {offsets = [0], sizes = [1], strides = [1]} : vector<16xi32> to vector<1xi32>
      %squeeze3A_71 = vector.extract %slice3A_70[0] : i32 from vector<1xi32>
      %slice3A_72 = vector.extract_strided_slice %min3A_67 {offsets = [0], sizes = [1], strides = [1]} : vector<16xi32> to vector<1xi32>
      %squeeze3A_73 = vector.extract %slice3A_72[0] : i32 from vector<1xi32>
      %sub3A = arith.constant 1 : i32
      %sub3A_74 = arith.subi %squeeze3A_69, %sub3A : i32
      %max3A_75 = arith.constant 0 : i32
      %max3A_76 = arith.maxsi %sub3A_74, %max3A_75 : i32
      %add3A_77 = arith.constant 1 : i32
      %add3A_78 = arith.addi %squeeze3A_69, %add3A_77 : i32
      %min3A_79 = arith.constant 3 : i32
      %min3A_80 = arith.minsi %add3A_78, %min3A_79 : i32
      %sub3A_81 = arith.constant 1 : i32
      %sub3A_82 = arith.subi %squeeze3A_71, %sub3A_81 : i32
      %max3A_83 = arith.constant 0 : i32
      %max3A_84 = arith.maxsi %sub3A_82, %max3A_83 : i32
      %add3A_85 = arith.constant 1 : i32
      %add3A_86 = arith.addi %squeeze3A_71, %add3A_85 : i32
      %min3A_87 = arith.constant 3 : i32
      %min3A_88 = arith.minsi %add3A_86, %min3A_87 : i32
      %sub3A_89 = arith.constant 1 : i32
      %sub3A_90 = arith.subi %squeeze3A_73, %sub3A_89 : i32
      %max3A_91 = arith.constant 0 : i32
      %max3A_92 = arith.maxsi %sub3A_90, %max3A_91 : i32
      %add3A_93 = arith.constant 1 : i32
      %add3A_94 = arith.addi %squeeze3A_73, %add3A_93 : i32
      %min3A_95 = arith.constant 3 : i32
      %min3A_96 = arith.minsi %add3A_94, %min3A_95 : i32
      %add3A_97 = arith.constant 1 : i32
      %add3A_98 = arith.addi %min3A_80, %add3A_97 : i32
      %while3A = arith.constant 0 : i32
      %while3A_99 = arith.subi %add3A_98, %max3A_76 : i32
      %while3A_100 = arith.addi %max3A_76, %while3A_99 : i32
      %while3A_101 = arith.constant 1 : i32
      %while3A_102 = arith.divsi %while3A_99, %while3A_101 : i32
      %while3A_103 = arith.muli %while3A_102, %while3A_101 : i32
      %while3A_104 = arith.addi %max3A_76, %while3A_103 : i32
      %while3A_105 = arith.constant 1 : i32
      %while3A_106 = scf.for %while3A_182 = %max3A_76 to %while3A_104 step %while3A_105 iter_args(%while3A_183 = %while3A) -> (i32)  : i32 {
        %add3A_184 = arith.constant 1 : i32
        %add3A_185 = arith.addi %min3A_88, %add3A_184 : i32
        %while3A_186 = arith.subi %add3A_185, %max3A_84 : i32
        %while3A_187 = arith.addi %max3A_84, %while3A_186 : i32
        %while3A_188 = arith.constant 1 : i32
        %while3A_189 = arith.divsi %while3A_186, %while3A_188 : i32
        %while3A_190 = arith.muli %while3A_189, %while3A_188 : i32
        %while3A_191 = arith.addi %max3A_84, %while3A_190 : i32
        %while3A_192 = arith.constant 1 : i32
        %while3A_193 = scf.for %while3A_196 = %max3A_84 to %while3A_191 step %while3A_192 iter_args(%while3A_197 = %while3A_183) -> (i32)  : i32 {
          %add3A_198 = arith.constant 1 : i32
          %add3A_199 = arith.addi %min3A_96, %add3A_198 : i32
          %while3A_200 = arith.subi %add3A_199, %max3A_92 : i32
          %while3A_201 = arith.addi %max3A_92, %while3A_200 : i32
          %while3A_202 = arith.constant 1 : i32
          %while3A_203 = arith.divsi %while3A_200, %while3A_202 : i32
          %while3A_204 = arith.muli %while3A_203, %while3A_202 : i32
          %while3A_205 = arith.addi %max3A_92, %while3A_204 : i32
          %while3A_206 = arith.constant 1 : i32
          %while3A_207 = scf.for %while3A_210 = %max3A_92 to %while3A_205 step %while3A_206 iter_args(%while3A_211 = %while3A_197) -> (i32)  : i32 {
            %mul3A_212 = arith.constant 4 : i32
            %mul3A_213 = arith.muli %while3A_182, %mul3A_212 : i32
            %add3A_214 = arith.addi %mul3A_213, %while3A_196 : i32
            %mul3A_215 = arith.constant 4 : i32
            %mul3A_216 = arith.muli %add3A_214, %mul3A_215 : i32
            %add3A_217 = arith.addi %mul3A_216, %while3A_210 : i32
            %get3A_218 = arith.index_cast %add3A_217 : i32 to index
            %get3A_219 = tpu.vector_load %arg25[%get3A_218] {strides = array<i32>} : memref<80xi32, #tpu.memory_space<vmem>>, vector<16xi32>,
            %slice3A_220 = vector.extract_strided_slice %get3A_219 {offsets = [0], sizes = [1], strides = [1]} : vector<16xi32> to vector<1xi32>
            %squeeze3A_221 = vector.extract %slice3A_220[0] : i32 from vector<1xi32>
            %add3A_222 = arith.constant 15 : i32
            %add3A_223 = arith.addi %squeeze3A_221, %add3A_222 : i32
            %jit3A_224 = arith.constant 16 : i32
            %div3A_225 = arith.divsi %add3A_223, %jit3A_224 : i32
            %sign3A_226 = arith.constant 0 : i32
            %sign3A_227 = arith.cmpi sgt, %add3A_223, %sign3A_226 : i32
            %sign3A_228 = arith.extui %sign3A_227 : i1 to i32
            %sign3A_229 = arith.constant 0 : i32
            %sign3A_230 = arith.cmpi slt, %add3A_223, %sign3A_229 : i32
            %sign3A_231 = arith.extui %sign3A_230 : i1 to i32
            %sign3A_232 = arith.subi %sign3A_228, %sign3A_231 : i32
            %sign3A_233 = arith.constant 0 : i32
            %sign3A_234 = arith.cmpi sgt, %jit3A_224, %sign3A_233 : i32
            %sign3A_235 = arith.extui %sign3A_234 : i1 to i32
            %sign3A_236 = arith.constant 0 : i32
            %sign3A_237 = arith.cmpi slt, %jit3A_224, %sign3A_236 : i32
            %sign3A_238 = arith.extui %sign3A_237 : i1 to i32
            %sign3A_239 = arith.subi %sign3A_235, %sign3A_238 : i32
            %ne3A_240 = arith.cmpi ne, %sign3A_232, %sign3A_239 : i32
            %rem3A_241 = arith.remsi %add3A_223, %jit3A_224 : i32
            %ne3A_242 = arith.constant 0 : i32
            %ne3A_243 = arith.cmpi ne, %rem3A_241, %ne3A_242 : i32
            %and3A_244 = arith.andi %ne3A_240, %ne3A_243 : i1
            %sub3A_245 = arith.constant 1 : i32
            %sub3A_246 = arith.subi %div3A_225, %sub3A_245 : i32
            %select_n3A_247 = arith.select %and3A_244, %sub3A_246, %div3A_225 : i32
            %mul3A_248 = arith.constant 256 : i32
            %mul3A_249 = arith.muli %add3A_217, %mul3A_248 : i32
            %while3A_250 = arith.constant 0 : i32
            %while3A_251 = arith.subi %select_n3A_247, %while3A_250 : i32
            %while3A_252 = arith.addi %while3A_250, %while3A_251 : i32
            %while3A_253 = arith.constant 1 : i32
            %while3A_254 = arith.divsi %while3A_251, %while3A_253 : i32
            %while3A_255 = arith.muli %while3A_254, %while3A_253 : i32
            %while3A_256 = arith.addi %while3A_250, %while3A_255 : i32
            %while3A_257 = arith.constant 1 : i32
            %while3A_258 = scf.for %while3A_261 = %while3A_250 to %while3A_256 step %while3A_257 iter_args(%while3A_262 = %while3A_211) -> (i32)  : i32 {
              %mul3A_263 = arith.constant 16 : i32
              %mul3A_264 = arith.muli %while3A_261, %mul3A_263 : i32
              %add3A_265 = vector.broadcast %mul3A_264 : i32 to vector<16xi32>
              %add3A_266 = arith.addi %iota3A, %add3A_265 : vector<16xi32>
              %lt3A = vector.broadcast %squeeze3A_221 : i32 to vector<16xi32>
              %lt3A_267 = arith.cmpi slt, %add3A_266, %lt3A : vector<16xi32>
              %mul3A_268 = arith.constant 16 : i32
              %mul3A_269 = arith.muli %while3A_261, %mul3A_268 : i32
              %add3A_270 = arith.addi %mul3A_249, %mul3A_269 : i32
              %get3A_271 = arith.index_cast %add3A_270 : i32 to index
              %get3A_272 = tpu.vector_load %arg26[%get3A_271] {strides = array<i32>} : memref<16384xi32, #tpu.memory_space<vmem>>, vector<16xi32>,
              %jit3A_273 = arith.constant 0 : i32
              %broadcast_in_dim3A_274 = vector.broadcast %jit3A_273 : i32 to vector<16xi32>
              %select_n3A_275 = arith.select %lt3A_267, %get3A_272, %broadcast_in_dim3A_274 : vector<16xi1>, vector<16xi32>
              %gather3A_276 = tpu.vector_load_idx %arg12[%select_n3A_275] : memref<4096xf32, #tpu.memory_space<vmem>>[vector<16xi32>], vector<16xf32>,
              %gather3A_277 = tpu.vector_load_idx %arg13[%select_n3A_275] : memref<4096xf32, #tpu.memory_space<vmem>>[vector<16xi32>], vector<16xf32>,
              %gather3A_278 = tpu.vector_load_idx %arg14[%select_n3A_275] : memref<4096xf32, #tpu.memory_space<vmem>>[vector<16xi32>], vector<16xf32>,
              %sub3A_279 = arith.subf %gather3A_276, %broadcast_in_dim3A : vector<16xf32>
              %sub3A_280 = arith.subf %gather3A_277, %broadcast_in_dim3A_36 : vector<16xf32>
              %sub3A_281 = arith.subf %gather3A_278, %broadcast_in_dim3A_41 : vector<16xf32>
              %mul3A_282 = arith.mulf %sub3A_279, %sub3A_279 : vector<16xf32>
              %mul3A_283 = arith.mulf %sub3A_280, %sub3A_280 : vector<16xf32>
              %add3A_284 = arith.addf %mul3A_282, %mul3A_283 : vector<16xf32>
              %mul3A_285 = arith.mulf %sub3A_281, %sub3A_281 : vector<16xf32>
              %add3A_286 = arith.addf %add3A_284, %mul3A_285 : vector<16xf32>
              %le3A = arith.constant 6.250000e-02 : f32
              %le3A_287 = vector.broadcast %le3A : f32 to vector<16xf32>
              %le3A_288 = arith.cmpf ole, %add3A_286, %le3A_287 : vector<16xf32>
              %and3A_289 = arith.andi %le3A_288, %lt3A_267 : vector<16xi1>
              %convert_element_type3A_290 = arith.extui %and3A_289 : vector<16xi1> to vector<16xi32>
              %broadcast_in_dim3A_291 = arith.constant true
              %broadcast_in_dim3A_292 = vector.broadcast %broadcast_in_dim3A_291 : i1 to vector<16xi1>
              %masked_cumsum3A = tpu.scan <sum>, %convert_element_type3A_290 masked %broadcast_in_dim3A_292 : vector<16xi32>, vector<16xi1> -> vector<16xi32>
              %sub3A_293 = arith.constant 1 : i32
              %sub3A_294 = arith.subi %while3A_262, %sub3A_293 : i32
              %add3A_295 = vector.broadcast %sub3A_294 : i32 to vector<16xi32>
              %add3A_296 = arith.addi %masked_cumsum3A, %add3A_295 : vector<16xi32>
              tpu.vector_store_idx %arg22[%add3A_296], %add3A_286 masked %and3A_289 : memref<4128xf32, #tpu.memory_space<vmem>>[vector<16xi32>], vector<16xf32>, vector<16xi1>
              tpu.vector_store_idx %arg23[%add3A_296], %select_n3A_275 masked %and3A_289 : memref<4128xi32, #tpu.memory_space<vmem>>[vector<16xi32>], vector<16xi32>, vector<16xi1>
              %slice3A_297 = vector.extract_strided_slice %masked_cumsum3A {offsets = [15], sizes = [1], strides = [1]} : vector<16xi32> to vector<1xi32>
              %squeeze3A_298 = vector.extract %slice3A_297[0] : i32 from vector<1xi32>
              %add3A_299 = arith.addi %while3A_262, %squeeze3A_298 : i32
              scf.yield %add3A_299 : i32
            }
            %while3A_259 = arith.constant 1 : i32
            %while3A_260 = scf.for %while3A_261 = %while3A_256 to %while3A_252 step %while3A_259 iter_args(%while3A_262 = %while3A_258) -> (i32)  : i32 {
              %mul3A_263 = arith.constant 16 : i32
              %mul3A_264 = arith.muli %while3A_261, %mul3A_263 : i32
              %add3A_265 = vector.broadcast %mul3A_264 : i32 to vector<16xi32>
              %add3A_266 = arith.addi %iota3A, %add3A_265 : vector<16xi32>
              %lt3A = vector.broadcast %squeeze3A_221 : i32 to vector<16xi32>
              %lt3A_267 = arith.cmpi slt, %add3A_266, %lt3A : vector<16xi32>
              %mul3A_268 = arith.constant 16 : i32
              %mul3A_269 = arith.muli %while3A_261, %mul3A_268 : i32
              %add3A_270 = arith.addi %mul3A_249, %mul3A_269 : i32
              %get3A_271 = arith.index_cast %add3A_270 : i32 to index
              %get3A_272 = tpu.vector_load %arg26[%get3A_271] {strides = array<i32>} : memref<16384xi32, #tpu.memory_space<vmem>>, vector<16xi32>,
              %jit3A_273 = arith.constant 0 : i32
              %broadcast_in_dim3A_274 = vector.broadcast %jit3A_273 : i32 to vector<16xi32>
              %select_n3A_275 = arith.select %lt3A_267, %get3A_272, %broadcast_in_dim3A_274 : vector<16xi1>, vector<16xi32>
              %gather3A_276 = tpu.vector_load_idx %arg12[%select_n3A_275] : memref<4096xf32, #tpu.memory_space<vmem>>[vector<16xi32>], vector<16xf32>,
              %gather3A_277 = tpu.vector_load_idx %arg13[%select_n3A_275] : memref<4096xf32, #tpu.memory_space<vmem>>[vector<16xi32>], vector<16xf32>,
              %gather3A_278 = tpu.vector_load_idx %arg14[%select_n3A_275] : memref<4096xf32, #tpu.memory_space<vmem>>[vector<16xi32>], vector<16xf32>,
              %sub3A_279 = arith.subf %gather3A_276, %broadcast_in_dim3A : vector<16xf32>
              %sub3A_280 = arith.subf %gather3A_277, %broadcast_in_dim3A_36 : vector<16xf32>
              %sub3A_281 = arith.subf %gather3A_278, %broadcast_in_dim3A_41 : vector<16xf32>
              %mul3A_282 = arith.mulf %sub3A_279, %sub3A_279 : vector<16xf32>
              %mul3A_283 = arith.mulf %sub3A_280, %sub3A_280 : vector<16xf32>
              %add3A_284 = arith.addf %mul3A_282, %mul3A_283 : vector<16xf32>
              %mul3A_285 = arith.mulf %sub3A_281, %sub3A_281 : vector<16xf32>
              %add3A_286 = arith.addf %add3A_284, %mul3A_285 : vector<16xf32>
              %le3A = arith.constant 6.250000e-02 : f32
              %le3A_287 = vector.broadcast %le3A : f32 to vector<16xf32>
              %le3A_288 = arith.cmpf ole, %add3A_286, %le3A_287 : vector<16xf32>
              %and3A_289 = arith.andi %le3A_288, %lt3A_267 : vector<16xi1>
              %convert_element_type3A_290 = arith.extui %and3A_289 : vector<16xi1> to vector<16xi32>
              %broadcast_in_dim3A_291 = arith.constant true
              %broadcast_in_dim3A_292 = vector.broadcast %broadcast_in_dim3A_291 : i1 to vector<16xi1>
              %masked_cumsum3A = tpu.scan <sum>, %convert_element_type3A_290 masked %broadcast_in_dim3A_292 : vector<16xi32>, vector<16xi1> -> vector<16xi32>
              %sub3A_293 = arith.constant 1 : i32
              %sub3A_294 = arith.subi %while3A_262, %sub3A_293 : i32
              %add3A_295 = vector.broadcast %sub3A_294 : i32 to vector<16xi32>
              %add3A_296 = arith.addi %masked_cumsum3A, %add3A_295 : vector<16xi32>
              tpu.vector_store_idx %arg22[%add3A_296], %add3A_286 masked %and3A_289 : memref<4128xf32, #tpu.memory_space<vmem>>[vector<16xi32>], vector<16xf32>, vector<16xi1>
              tpu.vector_store_idx %arg23[%add3A_296], %select_n3A_275 masked %and3A_289 : memref<4128xi32, #tpu.memory_space<vmem>>[vector<16xi32>], vector<16xi32>, vector<16xi1>
              %slice3A_297 = vector.extract_strided_slice %masked_cumsum3A {offsets = [15], sizes = [1], strides = [1]} : vector<16xi32> to vector<1xi32>
              %squeeze3A_298 = vector.extract %slice3A_297[0] : i32 from vector<1xi32>
              %add3A_299 = arith.addi %while3A_262, %squeeze3A_298 : i32
              scf.yield %add3A_299 : i32
            }
            scf.yield %while3A_260 : i32
          }
          %while3A_208 = arith.constant 1 : i32
          %while3A_209 = scf.for %while3A_210 = %while3A_205 to %while3A_201 step %while3A_208 iter_args(%while3A_211 = %while3A_207) -> (i32)  : i32 {
            %mul3A_212 = arith.constant 4 : i32
            %mul3A_213 = arith.muli %while3A_182, %mul3A_212 : i32
            %add3A_214 = arith.addi %mul3A_213, %while3A_196 : i32
            %mul3A_215 = arith.constant 4 : i32
            %mul3A_216 = arith.muli %add3A_214, %mul3A_215 : i32
            %add3A_217 = arith.addi %mul3A_216, %while3A_210 : i32
            %get3A_218 = arith.index_cast %add3A_217 : i32 to index
            %get3A_219 = tpu.vector_load %arg25[%get3A_218] {strides = array<i32>} : memref<80xi32, #tpu.memory_space<vmem>>, vector<16xi32>,
            %slice3A_220 = vector.extract_strided_slice %get3A_219 {offsets = [0], sizes = [1], strides = [1]} : vector<16xi32> to vector<1xi32>
            %squeeze3A_221 = vector.extract %slice3A_220[0] : i32 from vector<1xi32>
            %add3A_222 = arith.constant 15 : i32
            %add3A_223 = arith.addi %squeeze3A_221, %add3A_222 : i32
            %jit3A_224 = arith.constant 16 : i32
            %div3A_225 = arith.divsi %add3A_223, %jit3A_224 : i32
            %sign3A_226 = arith.constant 0 : i32
            %sign3A_227 = arith.cmpi sgt, %add3A_223, %sign3A_226 : i32
            %sign3A_228 = arith.extui %sign3A_227 : i1 to i32
            %sign3A_229 = arith.constant 0 : i32
            %sign3A_230 = arith.cmpi slt, %add3A_223, %sign3A_229 : i32
            %sign3A_231 = arith.extui %sign3A_230 : i1 to i32
            %sign3A_232 = arith.subi %sign3A_228, %sign3A_231 : i32
            %sign3A_233 = arith.constant 0 : i32
            %sign3A_234 = arith.cmpi sgt, %jit3A_224, %sign3A_233 : i32
            %sign3A_235 = arith.extui %sign3A_234 : i1 to i32
            %sign3A_236 = arith.constant 0 : i32
            %sign3A_237 = arith.cmpi slt, %jit3A_224, %sign3A_236 : i32
            %sign3A_238 = arith.extui %sign3A_237 : i1 to i32
            %sign3A_239 = arith.subi %sign3A_235, %sign3A_238 : i32
            %ne3A_240 = arith.cmpi ne, %sign3A_232, %sign3A_239 : i32
            %rem3A_241 = arith.remsi %add3A_223, %jit3A_224 : i32
            %ne3A_242 = arith.constant 0 : i32
            %ne3A_243 = arith.cmpi ne, %rem3A_241, %ne3A_242 : i32
            %and3A_244 = arith.andi %ne3A_240, %ne3A_243 : i1
            %sub3A_245 = arith.constant 1 : i32
            %sub3A_246 = arith.subi %div3A_225, %sub3A_245 : i32
            %select_n3A_247 = arith.select %and3A_244, %sub3A_246, %div3A_225 : i32
            %mul3A_248 = arith.constant 256 : i32
            %mul3A_249 = arith.muli %add3A_217, %mul3A_248 : i32
            %while3A_250 = arith.constant 0 : i32
            %while3A_251 = arith.subi %select_n3A_247, %while3A_250 : i32
            %while3A_252 = arith.addi %while3A_250, %while3A_251 : i32
            %while3A_253 = arith.constant 1 : i32
            %while3A_254 = arith.divsi %while3A_251, %while3A_253 : i32
            %while3A_255 = arith.muli %while3A_254, %while3A_253 : i32
            %while3A_256 = arith.addi %while3A_250, %while3A_255 : i32
            %while3A_257 = arith.constant 1 : i32
            %while3A_258 = scf.for %while3A_261 = %while3A_250 to %while3A_256 step %while3A_257 iter_args(%while3A_262 = %while3A_211) -> (i32)  : i32 {
              %mul3A_263 = arith.constant 16 : i32
              %mul3A_264 = arith.muli %while3A_261, %mul3A_263 : i32
              %add3A_265 = vector.broadcast %mul3A_264 : i32 to vector<16xi32>
              %add3A_266 = arith.addi %iota3A, %add3A_265 : vector<16xi32>
              %lt3A = vector.broadcast %squeeze3A_221 : i32 to vector<16xi32>
              %lt3A_267 = arith.cmpi slt, %add3A_266, %lt3A : vector<16xi32>
              %mul3A_268 = arith.constant 16 : i32
              %mul3A_269 = arith.muli %while3A_261, %mul3A_268 : i32
              %add3A_270 = arith.addi %mul3A_249, %mul3A_269 : i32
              %get3A_271 = arith.index_cast %add3A_270 : i32 to index
              %get3A_272 = tpu.vector_load %arg26[%get3A_271] {strides = array<i32>} : memref<16384xi32, #tpu.memory_space<vmem>>, vector<16xi32>,
              %jit3A_273 = arith.constant 0 : i32
              %broadcast_in_dim3A_274 = vector.broadcast %jit3A_273 : i32 to vector<16xi32>
              %select_n3A_275 = arith.select %lt3A_267, %get3A_272, %broadcast_in_dim3A_274 : vector<16xi1>, vector<16xi32>
              %gather3A_276 = tpu.vector_load_idx %arg12[%select_n3A_275] : memref<4096xf32, #tpu.memory_space<vmem>>[vector<16xi32>], vector<16xf32>,
              %gather3A_277 = tpu.vector_load_idx %arg13[%select_n3A_275] : memref<4096xf32, #tpu.memory_space<vmem>>[vector<16xi32>], vector<16xf32>,
              %gather3A_278 = tpu.vector_load_idx %arg14[%select_n3A_275] : memref<4096xf32, #tpu.memory_space<vmem>>[vector<16xi32>], vector<16xf32>,
              %sub3A_279 = arith.subf %gather3A_276, %broadcast_in_dim3A : vector<16xf32>
              %sub3A_280 = arith.subf %gather3A_277, %broadcast_in_dim3A_36 : vector<16xf32>
              %sub3A_281 = arith.subf %gather3A_278, %broadcast_in_dim3A_41 : vector<16xf32>
              %mul3A_282 = arith.mulf %sub3A_279, %sub3A_279 : vector<16xf32>
              %mul3A_283 = arith.mulf %sub3A_280, %sub3A_280 : vector<16xf32>
              %add3A_284 = arith.addf %mul3A_282, %mul3A_283 : vector<16xf32>
              %mul3A_285 = arith.mulf %sub3A_281, %sub3A_281 : vector<16xf32>
              %add3A_286 = arith.addf %add3A_284, %mul3A_285 : vector<16xf32>
              %le3A = arith.constant 6.250000e-02 : f32
              %le3A_287 = vector.broadcast %le3A : f32 to vector<16xf32>
              %le3A_288 = arith.cmpf ole, %add3A_286, %le3A_287 : vector<16xf32>
              %and3A_289 = arith.andi %le3A_288, %lt3A_267 : vector<16xi1>
              %convert_element_type3A_290 = arith.extui %and3A_289 : vector<16xi1> to vector<16xi32>
              %broadcast_in_dim3A_291 = arith.constant true
              %broadcast_in_dim3A_292 = vector.broadcast %broadcast_in_dim3A_291 : i1 to vector<16xi1>
              %masked_cumsum3A = tpu.scan <sum>, %convert_element_type3A_290 masked %broadcast_in_dim3A_292 : vector<16xi32>, vector<16xi1> -> vector<16xi32>
              %sub3A_293 = arith.constant 1 : i32
              %sub3A_294 = arith.subi %while3A_262, %sub3A_293 : i32
              %add3A_295 = vector.broadcast %sub3A_294 : i32 to vector<16xi32>
              %add3A_296 = arith.addi %masked_cumsum3A, %add3A_295 : vector<16xi32>
              tpu.vector_store_idx %arg22[%add3A_296], %add3A_286 masked %and3A_289 : memref<4128xf32, #tpu.memory_space<vmem>>[vector<16xi32>], vector<16xf32>, vector<16xi1>
              tpu.vector_store_idx %arg23[%add3A_296], %select_n3A_275 masked %and3A_289 : memref<4128xi32, #tpu.memory_space<vmem>>[vector<16xi32>], vector<16xi32>, vector<16xi1>
              %slice3A_297 = vector.extract_strided_slice %masked_cumsum3A {offsets = [15], sizes = [1], strides = [1]} : vector<16xi32> to vector<1xi32>
              %squeeze3A_298 = vector.extract %slice3A_297[0] : i32 from vector<1xi32>
              %add3A_299 = arith.addi %while3A_262, %squeeze3A_298 : i32
              scf.yield %add3A_299 : i32
            }
            %while3A_259 = arith.constant 1 : i32
            %while3A_260 = scf.for %while3A_261 = %while3A_256 to %while3A_252 step %while3A_259 iter_args(%while3A_262 = %while3A_258) -> (i32)  : i32 {
              %mul3A_263 = arith.constant 16 : i32
              %mul3A_264 = arith.muli %while3A_261, %mul3A_263 : i32
              %add3A_265 = vector.broadcast %mul3A_264 : i32 to vector<16xi32>
              %add3A_266 = arith.addi %iota3A, %add3A_265 : vector<16xi32>
              %lt3A = vector.broadcast %squeeze3A_221 : i32 to vector<16xi32>
              %lt3A_267 = arith.cmpi slt, %add3A_266, %lt3A : vector<16xi32>
              %mul3A_268 = arith.constant 16 : i32
              %mul3A_269 = arith.muli %while3A_261, %mul3A_268 : i32
              %add3A_270 = arith.addi %mul3A_249, %mul3A_269 : i32
              %get3A_271 = arith.index_cast %add3A_270 : i32 to index
              %get3A_272 = tpu.vector_load %arg26[%get3A_271] {strides = array<i32>} : memref<16384xi32, #tpu.memory_space<vmem>>, vector<16xi32>,
              %jit3A_273 = arith.constant 0 : i32
              %broadcast_in_dim3A_274 = vector.broadcast %jit3A_273 : i32 to vector<16xi32>
              %select_n3A_275 = arith.select %lt3A_267, %get3A_272, %broadcast_in_dim3A_274 : vector<16xi1>, vector<16xi32>
              %gather3A_276 = tpu.vector_load_idx %arg12[%select_n3A_275] : memref<4096xf32, #tpu.memory_space<vmem>>[vector<16xi32>], vector<16xf32>,
              %gather3A_277 = tpu.vector_load_idx %arg13[%select_n3A_275] : memref<4096xf32, #tpu.memory_space<vmem>>[vector<16xi32>], vector<16xf32>,
              %gather3A_278 = tpu.vector_load_idx %arg14[%select_n3A_275] : memref<4096xf32, #tpu.memory_space<vmem>>[vector<16xi32>], vector<16xf32>,
              %sub3A_279 = arith.subf %gather3A_276, %broadcast_in_dim3A : vector<16xf32>
              %sub3A_280 = arith.subf %gather3A_277, %broadcast_in_dim3A_36 : vector<16xf32>
              %sub3A_281 = arith.subf %gather3A_278, %broadcast_in_dim3A_41 : vector<16xf32>
              %mul3A_282 = arith.mulf %sub3A_279, %sub3A_279 : vector<16xf32>
              %mul3A_283 = arith.mulf %sub3A_280, %sub3A_280 : vector<16xf32>
              %add3A_284 = arith.addf %mul3A_282, %mul3A_283 : vector<16xf32>
              %mul3A_285 = arith.mulf %sub3A_281, %sub3A_281 : vector<16xf32>
              %add3A_286 = arith.addf %add3A_284, %mul3A_285 : vector<16xf32>
              %le3A = arith.constant 6.250000e-02 : f32
              %le3A_287 = vector.broadcast %le3A : f32 to vector<16xf32>
              %le3A_288 = arith.cmpf ole, %add3A_286, %le3A_287 : vector<16xf32>
              %and3A_289 = arith.andi %le3A_288, %lt3A_267 : vector<16xi1>
              %convert_element_type3A_290 = arith.extui %and3A_289 : vector<16xi1> to vector<16xi32>
              %broadcast_in_dim3A_291 = arith.constant true
              %broadcast_in_dim3A_292 = vector.broadcast %broadcast_in_dim3A_291 : i1 to vector<16xi1>
              %masked_cumsum3A = tpu.scan <sum>, %convert_element_type3A_290 masked %broadcast_in_dim3A_292 : vector<16xi32>, vector<16xi1> -> vector<16xi32>
              %sub3A_293 = arith.constant 1 : i32
              %sub3A_294 = arith.subi %while3A_262, %sub3A_293 : i32
              %add3A_295 = vector.broadcast %sub3A_294 : i32 to vector<16xi32>
              %add3A_296 = arith.addi %masked_cumsum3A, %add3A_295 : vector<16xi32>
              tpu.vector_store_idx %arg22[%add3A_296], %add3A_286 masked %and3A_289 : memref<4128xf32, #tpu.memory_space<vmem>>[vector<16xi32>], vector<16xf32>, vector<16xi1>
              tpu.vector_store_idx %arg23[%add3A_296], %select_n3A_275 masked %and3A_289 : memref<4128xi32, #tpu.memory_space<vmem>>[vector<16xi32>], vector<16xi32>, vector<16xi1>
              %slice3A_297 = vector.extract_strided_slice %masked_cumsum3A {offsets = [15], sizes = [1], strides = [1]} : vector<16xi32> to vector<1xi32>
              %squeeze3A_298 = vector.extract %slice3A_297[0] : i32 from vector<1xi32>
              %add3A_299 = arith.addi %while3A_262, %squeeze3A_298 : i32
              scf.yield %add3A_299 : i32
            }
            scf.yield %while3A_260 : i32
          }
          scf.yield %while3A_209 : i32
        }
        %while3A_194 = arith.constant 1 : i32
        %while3A_195 = scf.for %while3A_196 = %while3A_191 to %while3A_187 step %while3A_194 iter_args(%while3A_197 = %while3A_193) -> (i32)  : i32 {
          %add3A_198 = arith.constant 1 : i32
          %add3A_199 = arith.addi %min3A_96, %add3A_198 : i32
          %while3A_200 = arith.subi %add3A_199, %max3A_92 : i32
          %while3A_201 = arith.addi %max3A_92, %while3A_200 : i32
          %while3A_202 = arith.constant 1 : i32
          %while3A_203 = arith.divsi %while3A_200, %while3A_202 : i32
          %while3A_204 = arith.muli %while3A_203, %while3A_202 : i32
          %while3A_205 = arith.addi %max3A_92, %while3A_204 : i32
          %while3A_206 = arith.constant 1 : i32
          %while3A_207 = scf.for %while3A_210 = %max3A_92 to %while3A_205 step %while3A_206 iter_args(%while3A_211 = %while3A_197) -> (i32)  : i32 {
            %mul3A_212 = arith.constant 4 : i32
            %mul3A_213 = arith.muli %while3A_182, %mul3A_212 : i32
            %add3A_214 = arith.addi %mul3A_213, %while3A_196 : i32
            %mul3A_215 = arith.constant 4 : i32
            %mul3A_216 = arith.muli %add3A_214, %mul3A_215 : i32
            %add3A_217 = arith.addi %mul3A_216, %while3A_210 : i32
            %get3A_218 = arith.index_cast %add3A_217 : i32 to index
            %get3A_219 = tpu.vector_load %arg25[%get3A_218] {strides = array<i32>} : memref<80xi32, #tpu.memory_space<vmem>>, vector<16xi32>,
            %slice3A_220 = vector.extract_strided_slice %get3A_219 {offsets = [0], sizes = [1], strides = [1]} : vector<16xi32> to vector<1xi32>
            %squeeze3A_221 = vector.extract %slice3A_220[0] : i32 from vector<1xi32>
            %add3A_222 = arith.constant 15 : i32
            %add3A_223 = arith.addi %squeeze3A_221, %add3A_222 : i32
            %jit3A_224 = arith.constant 16 : i32
            %div3A_225 = arith.divsi %add3A_223, %jit3A_224 : i32
            %sign3A_226 = arith.constant 0 : i32
            %sign3A_227 = arith.cmpi sgt, %add3A_223, %sign3A_226 : i32
            %sign3A_228 = arith.extui %sign3A_227 : i1 to i32
            %sign3A_229 = arith.constant 0 : i32
            %sign3A_230 = arith.cmpi slt, %add3A_223, %sign3A_229 : i32
            %sign3A_231 = arith.extui %sign3A_230 : i1 to i32
            %sign3A_232 = arith.subi %sign3A_228, %sign3A_231 : i32
            %sign3A_233 = arith.constant 0 : i32
            %sign3A_234 = arith.cmpi sgt, %jit3A_224, %sign3A_233 : i32
            %sign3A_235 = arith.extui %sign3A_234 : i1 to i32
            %sign3A_236 = arith.constant 0 : i32
            %sign3A_237 = arith.cmpi slt, %jit3A_224, %sign3A_236 : i32
            %sign3A_238 = arith.extui %sign3A_237 : i1 to i32
            %sign3A_239 = arith.subi %sign3A_235, %sign3A_238 : i32
            %ne3A_240 = arith.cmpi ne, %sign3A_232, %sign3A_239 : i32
            %rem3A_241 = arith.remsi %add3A_223, %jit3A_224 : i32
            %ne3A_242 = arith.constant 0 : i32
            %ne3A_243 = arith.cmpi ne, %rem3A_241, %ne3A_242 : i32
            %and3A_244 = arith.andi %ne3A_240, %ne3A_243 : i1
            %sub3A_245 = arith.constant 1 : i32
            %sub3A_246 = arith.subi %div3A_225, %sub3A_245 : i32
            %select_n3A_247 = arith.select %and3A_244, %sub3A_246, %div3A_225 : i32
            %mul3A_248 = arith.constant 256 : i32
            %mul3A_249 = arith.muli %add3A_217, %mul3A_248 : i32
            %while3A_250 = arith.constant 0 : i32
            %while3A_251 = arith.subi %select_n3A_247, %while3A_250 : i32
            %while3A_252 = arith.addi %while3A_250, %while3A_251 : i32
            %while3A_253 = arith.constant 1 : i32
            %while3A_254 = arith.divsi %while3A_251, %while3A_253 : i32
            %while3A_255 = arith.muli %while3A_254, %while3A_253 : i32
            %while3A_256 = arith.addi %while3A_250, %while3A_255 : i32
            %while3A_257 = arith.constant 1 : i32
            %while3A_258 = scf.for %while3A_261 = %while3A_250 to %while3A_256 step %while3A_257 iter_args(%while3A_262 = %while3A_211) -> (i32)  : i32 {
              %mul3A_263 = arith.constant 16 : i32
              %mul3A_264 = arith.muli %while3A_261, %mul3A_263 : i32
              %add3A_265 = vector.broadcast %mul3A_264 : i32 to vector<16xi32>
              %add3A_266 = arith.addi %iota3A, %add3A_265 : vector<16xi32>
              %lt3A = vector.broadcast %squeeze3A_221 : i32 to vector<16xi32>
              %lt3A_267 = arith.cmpi slt, %add3A_266, %lt3A : vector<16xi32>
              %mul3A_268 = arith.constant 16 : i32
              %mul3A_269 = arith.muli %while3A_261, %mul3A_268 : i32
              %add3A_270 = arith.addi %mul3A_249, %mul3A_269 : i32
              %get3A_271 = arith.index_cast %add3A_270 : i32 to index
              %get3A_272 = tpu.vector_load %arg26[%get3A_271] {strides = array<i32>} : memref<16384xi32, #tpu.memory_space<vmem>>, vector<16xi32>,
              %jit3A_273 = arith.constant 0 : i32
              %broadcast_in_dim3A_274 = vector.broadcast %jit3A_273 : i32 to vector<16xi32>
              %select_n3A_275 = arith.select %lt3A_267, %get3A_272, %broadcast_in_dim3A_274 : vector<16xi1>, vector<16xi32>
              %gather3A_276 = tpu.vector_load_idx %arg12[%select_n3A_275] : memref<4096xf32, #tpu.memory_space<vmem>>[vector<16xi32>], vector<16xf32>,
              %gather3A_277 = tpu.vector_load_idx %arg13[%select_n3A_275] : memref<4096xf32, #tpu.memory_space<vmem>>[vector<16xi32>], vector<16xf32>,
              %gather3A_278 = tpu.vector_load_idx %arg14[%select_n3A_275] : memref<4096xf32, #tpu.memory_space<vmem>>[vector<16xi32>], vector<16xf32>,
              %sub3A_279 = arith.subf %gather3A_276, %broadcast_in_dim3A : vector<16xf32>
              %sub3A_280 = arith.subf %gather3A_277, %broadcast_in_dim3A_36 : vector<16xf32>
              %sub3A_281 = arith.subf %gather3A_278, %broadcast_in_dim3A_41 : vector<16xf32>
              %mul3A_282 = arith.mulf %sub3A_279, %sub3A_279 : vector<16xf32>
              %mul3A_283 = arith.mulf %sub3A_280, %sub3A_280 : vector<16xf32>
              %add3A_284 = arith.addf %mul3A_282, %mul3A_283 : vector<16xf32>
              %mul3A_285 = arith.mulf %sub3A_281, %sub3A_281 : vector<16xf32>
              %add3A_286 = arith.addf %add3A_284, %mul3A_285 : vector<16xf32>
              %le3A = arith.constant 6.250000e-02 : f32
              %le3A_287 = vector.broadcast %le3A : f32 to vector<16xf32>
              %le3A_288 = arith.cmpf ole, %add3A_286, %le3A_287 : vector<16xf32>
              %and3A_289 = arith.andi %le3A_288, %lt3A_267 : vector<16xi1>
              %convert_element_type3A_290 = arith.extui %and3A_289 : vector<16xi1> to vector<16xi32>
              %broadcast_in_dim3A_291 = arith.constant true
              %broadcast_in_dim3A_292 = vector.broadcast %broadcast_in_dim3A_291 : i1 to vector<16xi1>
              %masked_cumsum3A = tpu.scan <sum>, %convert_element_type3A_290 masked %broadcast_in_dim3A_292 : vector<16xi32>, vector<16xi1> -> vector<16xi32>
              %sub3A_293 = arith.constant 1 : i32
              %sub3A_294 = arith.subi %while3A_262, %sub3A_293 : i32
              %add3A_295 = vector.broadcast %sub3A_294 : i32 to vector<16xi32>
              %add3A_296 = arith.addi %masked_cumsum3A, %add3A_295 : vector<16xi32>
              tpu.vector_store_idx %arg22[%add3A_296], %add3A_286 masked %and3A_289 : memref<4128xf32, #tpu.memory_space<vmem>>[vector<16xi32>], vector<16xf32>, vector<16xi1>
              tpu.vector_store_idx %arg23[%add3A_296], %select_n3A_275 masked %and3A_289 : memref<4128xi32, #tpu.memory_space<vmem>>[vector<16xi32>], vector<16xi32>, vector<16xi1>
              %slice3A_297 = vector.extract_strided_slice %masked_cumsum3A {offsets = [15], sizes = [1], strides = [1]} : vector<16xi32> to vector<1xi32>
              %squeeze3A_298 = vector.extract %slice3A_297[0] : i32 from vector<1xi32>
              %add3A_299 = arith.addi %while3A_262, %squeeze3A_298 : i32
              scf.yield %add3A_299 : i32
            }
            %while3A_259 = arith.constant 1 : i32
            %while3A_260 = scf.for %while3A_261 = %while3A_256 to %while3A_252 step %while3A_259 iter_args(%while3A_262 = %while3A_258) -> (i32)  : i32 {
              %mul3A_263 = arith.constant 16 : i32
              %mul3A_264 = arith.muli %while3A_261, %mul3A_263 : i32
              %add3A_265 = vector.broadcast %mul3A_264 : i32 to vector<16xi32>
              %add3A_266 = arith.addi %iota3A, %add3A_265 : vector<16xi32>
              %lt3A = vector.broadcast %squeeze3A_221 : i32 to vector<16xi32>
              %lt3A_267 = arith.cmpi slt, %add3A_266, %lt3A : vector<16xi32>
              %mul3A_268 = arith.constant 16 : i32
              %mul3A_269 = arith.muli %while3A_261, %mul3A_268 : i32
              %add3A_270 = arith.addi %mul3A_249, %mul3A_269 : i32
              %get3A_271 = arith.index_cast %add3A_270 : i32 to index
              %get3A_272 = tpu.vector_load %arg26[%get3A_271] {strides = array<i32>} : memref<16384xi32, #tpu.memory_space<vmem>>, vector<16xi32>,
              %jit3A_273 = arith.constant 0 : i32
              %broadcast_in_dim3A_274 = vector.broadcast %jit3A_273 : i32 to vector<16xi32>
              %select_n3A_275 = arith.select %lt3A_267, %get3A_272, %broadcast_in_dim3A_274 : vector<16xi1>, vector<16xi32>
              %gather3A_276 = tpu.vector_load_idx %arg12[%select_n3A_275] : memref<4096xf32, #tpu.memory_space<vmem>>[vector<16xi32>], vector<16xf32>,
              %gather3A_277 = tpu.vector_load_idx %arg13[%select_n3A_275] : memref<4096xf32, #tpu.memory_space<vmem>>[vector<16xi32>], vector<16xf32>,
              %gather3A_278 = tpu.vector_load_idx %arg14[%select_n3A_275] : memref<4096xf32, #tpu.memory_space<vmem>>[vector<16xi32>], vector<16xf32>,
              %sub3A_279 = arith.subf %gather3A_276, %broadcast_in_dim3A : vector<16xf32>
              %sub3A_280 = arith.subf %gather3A_277, %broadcast_in_dim3A_36 : vector<16xf32>
              %sub3A_281 = arith.subf %gather3A_278, %broadcast_in_dim3A_41 : vector<16xf32>
              %mul3A_282 = arith.mulf %sub3A_279, %sub3A_279 : vector<16xf32>
              %mul3A_283 = arith.mulf %sub3A_280, %sub3A_280 : vector<16xf32>
              %add3A_284 = arith.addf %mul3A_282, %mul3A_283 : vector<16xf32>
              %mul3A_285 = arith.mulf %sub3A_281, %sub3A_281 : vector<16xf32>
              %add3A_286 = arith.addf %add3A_284, %mul3A_285 : vector<16xf32>
              %le3A = arith.constant 6.250000e-02 : f32
              %le3A_287 = vector.broadcast %le3A : f32 to vector<16xf32>
              %le3A_288 = arith.cmpf ole, %add3A_286, %le3A_287 : vector<16xf32>
              %and3A_289 = arith.andi %le3A_288, %lt3A_267 : vector<16xi1>
              %convert_element_type3A_290 = arith.extui %and3A_289 : vector<16xi1> to vector<16xi32>
              %broadcast_in_dim3A_291 = arith.constant true
              %broadcast_in_dim3A_292 = vector.broadcast %broadcast_in_dim3A_291 : i1 to vector<16xi1>
              %masked_cumsum3A = tpu.scan <sum>, %convert_element_type3A_290 masked %broadcast_in_dim3A_292 : vector<16xi32>, vector<16xi1> -> vector<16xi32>
              %sub3A_293 = arith.constant 1 : i32
              %sub3A_294 = arith.subi %while3A_262, %sub3A_293 : i32
              %add3A_295 = vector.broadcast %sub3A_294 : i32 to vector<16xi32>
              %add3A_296 = arith.addi %masked_cumsum3A, %add3A_295 : vector<16xi32>
              tpu.vector_store_idx %arg22[%add3A_296], %add3A_286 masked %and3A_289 : memref<4128xf32, #tpu.memory_space<vmem>>[vector<16xi32>], vector<16xf32>, vector<16xi1>
              tpu.vector_store_idx %arg23[%add3A_296], %select_n3A_275 masked %and3A_289 : memref<4128xi32, #tpu.memory_space<vmem>>[vector<16xi32>], vector<16xi32>, vector<16xi1>
              %slice3A_297 = vector.extract_strided_slice %masked_cumsum3A {offsets = [15], sizes = [1], strides = [1]} : vector<16xi32> to vector<1xi32>
              %squeeze3A_298 = vector.extract %slice3A_297[0] : i32 from vector<1xi32>
              %add3A_299 = arith.addi %while3A_262, %squeeze3A_298 : i32
              scf.yield %add3A_299 : i32
            }
            scf.yield %while3A_260 : i32
          }
          %while3A_208 = arith.constant 1 : i32
          %while3A_209 = scf.for %while3A_210 = %while3A_205 to %while3A_201 step %while3A_208 iter_args(%while3A_211 = %while3A_207) -> (i32)  : i32 {
            %mul3A_212 = arith.constant 4 : i32
            %mul3A_213 = arith.muli %while3A_182, %mul3A_212 : i32
            %add3A_214 = arith.addi %mul3A_213, %while3A_196 : i32
            %mul3A_215 = arith.constant 4 : i32
            %mul3A_216 = arith.muli %add3A_214, %mul3A_215 : i32
            %add3A_217 = arith.addi %mul3A_216, %while3A_210 : i32
            %get3A_218 = arith.index_cast %add3A_217 : i32 to index
            %get3A_219 = tpu.vector_load %arg25[%get3A_218] {strides = array<i32>} : memref<80xi32, #tpu.memory_space<vmem>>, vector<16xi32>,
            %slice3A_220 = vector.extract_strided_slice %get3A_219 {offsets = [0], sizes = [1], strides = [1]} : vector<16xi32> to vector<1xi32>
            %squeeze3A_221 = vector.extract %slice3A_220[0] : i32 from vector<1xi32>
            %add3A_222 = arith.constant 15 : i32
            %add3A_223 = arith.addi %squeeze3A_221, %add3A_222 : i32
            %jit3A_224 = arith.constant 16 : i32
            %div3A_225 = arith.divsi %add3A_223, %jit3A_224 : i32
            %sign3A_226 = arith.constant 0 : i32
            %sign3A_227 = arith.cmpi sgt, %add3A_223, %sign3A_226 : i32
            %sign3A_228 = arith.extui %sign3A_227 : i1 to i32
            %sign3A_229 = arith.constant 0 : i32
            %sign3A_230 = arith.cmpi slt, %add3A_223, %sign3A_229 : i32
            %sign3A_231 = arith.extui %sign3A_230 : i1 to i32
            %sign3A_232 = arith.subi %sign3A_228, %sign3A_231 : i32
            %sign3A_233 = arith.constant 0 : i32
            %sign3A_234 = arith.cmpi sgt, %jit3A_224, %sign3A_233 : i32
            %sign3A_235 = arith.extui %sign3A_234 : i1 to i32
            %sign3A_236 = arith.constant 0 : i32
            %sign3A_237 = arith.cmpi slt, %jit3A_224, %sign3A_236 : i32
            %sign3A_238 = arith.extui %sign3A_237 : i1 to i32
            %sign3A_239 = arith.subi %sign3A_235, %sign3A_238 : i32
            %ne3A_240 = arith.cmpi ne, %sign3A_232, %sign3A_239 : i32
            %rem3A_241 = arith.remsi %add3A_223, %jit3A_224 : i32
            %ne3A_242 = arith.constant 0 : i32
            %ne3A_243 = arith.cmpi ne, %rem3A_241, %ne3A_242 : i32
            %and3A_244 = arith.andi %ne3A_240, %ne3A_243 : i1
            %sub3A_245 = arith.constant 1 : i32
            %sub3A_246 = arith.subi %div3A_225, %sub3A_245 : i32
            %select_n3A_247 = arith.select %and3A_244, %sub3A_246, %div3A_225 : i32
            %mul3A_248 = arith.constant 256 : i32
            %mul3A_249 = arith.muli %add3A_217, %mul3A_248 : i32
            %while3A_250 = arith.constant 0 : i32
            %while3A_251 = arith.subi %select_n3A_247, %while3A_250 : i32
            %while3A_252 = arith.addi %while3A_250, %while3A_251 : i32
            %while3A_253 = arith.constant 1 : i32
            %while3A_254 = arith.divsi %while3A_251, %while3A_253 : i32
            %while3A_255 = arith.muli %while3A_254, %while3A_253 : i32
            %while3A_256 = arith.addi %while3A_250, %while3A_255 : i32
            %while3A_257 = arith.constant 1 : i32
            %while3A_258 = scf.for %while3A_261 = %while3A_250 to %while3A_256 step %while3A_257 iter_args(%while3A_262 = %while3A_211) -> (i32)  : i32 {
              %mul3A_263 = arith.constant 16 : i32
              %mul3A_264 = arith.muli %while3A_261, %mul3A_263 : i32
              %add3A_265 = vector.broadcast %mul3A_264 : i32 to vector<16xi32>
              %add3A_266 = arith.addi %iota3A, %add3A_265 : vector<16xi32>
              %lt3A = vector.broadcast %squeeze3A_221 : i32 to vector<16xi32>
              %lt3A_267 = arith.cmpi slt, %add3A_266, %lt3A : vector<16xi32>
              %mul3A_268 = arith.constant 16 : i32
              %mul3A_269 = arith.muli %while3A_261, %mul3A_268 : i32
              %add3A_270 = arith.addi %mul3A_249, %mul3A_269 : i32
              %get3A_271 = arith.index_cast %add3A_270 : i32 to index
              %get3A_272 = tpu.vector_load %arg26[%get3A_271] {strides = array<i32>} : memref<16384xi32, #tpu.memory_space<vmem>>, vector<16xi32>,
              %jit3A_273 = arith.constant 0 : i32
              %broadcast_in_dim3A_274 = vector.broadcast %jit3A_273 : i32 to vector<16xi32>
              %select_n3A_275 = arith.select %lt3A_267, %get3A_272, %broadcast_in_dim3A_274 : vector<16xi1>, vector<16xi32>
              %gather3A_276 = tpu.vector_load_idx %arg12[%select_n3A_275] : memref<4096xf32, #tpu.memory_space<vmem>>[vector<16xi32>], vector<16xf32>,
              %gather3A_277 = tpu.vector_load_idx %arg13[%select_n3A_275] : memref<4096xf32, #tpu.memory_space<vmem>>[vector<16xi32>], vector<16xf32>,
              %gather3A_278 = tpu.vector_load_idx %arg14[%select_n3A_275] : memref<4096xf32, #tpu.memory_space<vmem>>[vector<16xi32>], vector<16xf32>,
              %sub3A_279 = arith.subf %gather3A_276, %broadcast_in_dim3A : vector<16xf32>
              %sub3A_280 = arith.subf %gather3A_277, %broadcast_in_dim3A_36 : vector<16xf32>
              %sub3A_281 = arith.subf %gather3A_278, %broadcast_in_dim3A_41 : vector<16xf32>
              %mul3A_282 = arith.mulf %sub3A_279, %sub3A_279 : vector<16xf32>
              %mul3A_283 = arith.mulf %sub3A_280, %sub3A_280 : vector<16xf32>
              %add3A_284 = arith.addf %mul3A_282, %mul3A_283 : vector<16xf32>
              %mul3A_285 = arith.mulf %sub3A_281, %sub3A_281 : vector<16xf32>
              %add3A_286 = arith.addf %add3A_284, %mul3A_285 : vector<16xf32>
              %le3A = arith.constant 6.250000e-02 : f32
              %le3A_287 = vector.broadcast %le3A : f32 to vector<16xf32>
              %le3A_288 = arith.cmpf ole, %add3A_286, %le3A_287 : vector<16xf32>
              %and3A_289 = arith.andi %le3A_288, %lt3A_267 : vector<16xi1>
              %convert_element_type3A_290 = arith.extui %and3A_289 : vector<16xi1> to vector<16xi32>
              %broadcast_in_dim3A_291 = arith.constant true
              %broadcast_in_dim3A_292 = vector.broadcast %broadcast_in_dim3A_291 : i1 to vector<16xi1>
              %masked_cumsum3A = tpu.scan <sum>, %convert_element_type3A_290 masked %broadcast_in_dim3A_292 : vector<16xi32>, vector<16xi1> -> vector<16xi32>
              %sub3A_293 = arith.constant 1 : i32
              %sub3A_294 = arith.subi %while3A_262, %sub3A_293 : i32
              %add3A_295 = vector.broadcast %sub3A_294 : i32 to vector<16xi32>
              %add3A_296 = arith.addi %masked_cumsum3A, %add3A_295 : vector<16xi32>
              tpu.vector_store_idx %arg22[%add3A_296], %add3A_286 masked %and3A_289 : memref<4128xf32, #tpu.memory_space<vmem>>[vector<16xi32>], vector<16xf32>, vector<16xi1>
              tpu.vector_store_idx %arg23[%add3A_296], %select_n3A_275 masked %and3A_289 : memref<4128xi32, #tpu.memory_space<vmem>>[vector<16xi32>], vector<16xi32>, vector<16xi1>
              %slice3A_297 = vector.extract_strided_slice %masked_cumsum3A {offsets = [15], sizes = [1], strides = [1]} : vector<16xi32> to vector<1xi32>
              %squeeze3A_298 = vector.extract %slice3A_297[0] : i32 from vector<1xi32>
              %add3A_299 = arith.addi %while3A_262, %squeeze3A_298 : i32
              scf.yield %add3A_299 : i32
            }
            %while3A_259 = arith.constant 1 : i32
            %while3A_260 = scf.for %while3A_261 = %while3A_256 to %while3A_252 step %while3A_259 iter_args(%while3A_262 = %while3A_258) -> (i32)  : i32 {
              %mul3A_263 = arith.constant 16 : i32
              %mul3A_264 = arith.muli %while3A_261, %mul3A_263 : i32
              %add3A_265 = vector.broadcast %mul3A_264 : i32 to vector<16xi32>
              %add3A_266 = arith.addi %iota3A, %add3A_265 : vector<16xi32>
              %lt3A = vector.broadcast %squeeze3A_221 : i32 to vector<16xi32>
              %lt3A_267 = arith.cmpi slt, %add3A_266, %lt3A : vector<16xi32>
              %mul3A_268 = arith.constant 16 : i32
              %mul3A_269 = arith.muli %while3A_261, %mul3A_268 : i32
              %add3A_270 = arith.addi %mul3A_249, %mul3A_269 : i32
              %get3A_271 = arith.index_cast %add3A_270 : i32 to index
              %get3A_272 = tpu.vector_load %arg26[%get3A_271] {strides = array<i32>} : memref<16384xi32, #tpu.memory_space<vmem>>, vector<16xi32>,
              %jit3A_273 = arith.constant 0 : i32
              %broadcast_in_dim3A_274 = vector.broadcast %jit3A_273 : i32 to vector<16xi32>
              %select_n3A_275 = arith.select %lt3A_267, %get3A_272, %broadcast_in_dim3A_274 : vector<16xi1>, vector<16xi32>
              %gather3A_276 = tpu.vector_load_idx %arg12[%select_n3A_275] : memref<4096xf32, #tpu.memory_space<vmem>>[vector<16xi32>], vector<16xf32>,
              %gather3A_277 = tpu.vector_load_idx %arg13[%select_n3A_275] : memref<4096xf32, #tpu.memory_space<vmem>>[vector<16xi32>], vector<16xf32>,
              %gather3A_278 = tpu.vector_load_idx %arg14[%select_n3A_275] : memref<4096xf32, #tpu.memory_space<vmem>>[vector<16xi32>], vector<16xf32>,
              %sub3A_279 = arith.subf %gather3A_276, %broadcast_in_dim3A : vector<16xf32>
              %sub3A_280 = arith.subf %gather3A_277, %broadcast_in_dim3A_36 : vector<16xf32>
              %sub3A_281 = arith.subf %gather3A_278, %broadcast_in_dim3A_41 : vector<16xf32>
              %mul3A_282 = arith.mulf %sub3A_279, %sub3A_279 : vector<16xf32>
              %mul3A_283 = arith.mulf %sub3A_280, %sub3A_280 : vector<16xf32>
              %add3A_284 = arith.addf %mul3A_282, %mul3A_283 : vector<16xf32>
              %mul3A_285 = arith.mulf %sub3A_281, %sub3A_281 : vector<16xf32>
              %add3A_286 = arith.addf %add3A_284, %mul3A_285 : vector<16xf32>
              %le3A = arith.constant 6.250000e-02 : f32
              %le3A_287 = vector.broadcast %le3A : f32 to vector<16xf32>
              %le3A_288 = arith.cmpf ole, %add3A_286, %le3A_287 : vector<16xf32>
              %and3A_289 = arith.andi %le3A_288, %lt3A_267 : vector<16xi1>
              %convert_element_type3A_290 = arith.extui %and3A_289 : vector<16xi1> to vector<16xi32>
              %broadcast_in_dim3A_291 = arith.constant true
              %broadcast_in_dim3A_292 = vector.broadcast %broadcast_in_dim3A_291 : i1 to vector<16xi1>
              %masked_cumsum3A = tpu.scan <sum>, %convert_element_type3A_290 masked %broadcast_in_dim3A_292 : vector<16xi32>, vector<16xi1> -> vector<16xi32>
              %sub3A_293 = arith.constant 1 : i32
              %sub3A_294 = arith.subi %while3A_262, %sub3A_293 : i32
              %add3A_295 = vector.broadcast %sub3A_294 : i32 to vector<16xi32>
              %add3A_296 = arith.addi %masked_cumsum3A, %add3A_295 : vector<16xi32>
              tpu.vector_store_idx %arg22[%add3A_296], %add3A_286 masked %and3A_289 : memref<4128xf32, #tpu.memory_space<vmem>>[vector<16xi32>], vector<16xf32>, vector<16xi1>
              tpu.vector_store_idx %arg23[%add3A_296], %select_n3A_275 masked %and3A_289 : memref<4128xi32, #tpu.memory_space<vmem>>[vector<16xi32>], vector<16xi32>, vector<16xi1>
              %slice3A_297 = vector.extract_strided_slice %masked_cumsum3A {offsets = [15], sizes = [1], strides = [1]} : vector<16xi32> to vector<1xi32>
              %squeeze3A_298 = vector.extract %slice3A_297[0] : i32 from vector<1xi32>
              %add3A_299 = arith.addi %while3A_262, %squeeze3A_298 : i32
              scf.yield %add3A_299 : i32
            }
            scf.yield %while3A_260 : i32
          }
          scf.yield %while3A_209 : i32
        }
        scf.yield %while3A_195 : i32
      }
      %while3A_107 = arith.constant 1 : i32
      %while3A_108 = scf.for %while3A_182 = %while3A_104 to %while3A_100 step %while3A_107 iter_args(%while3A_183 = %while3A_106) -> (i32)  : i32 {
        %add3A_184 = arith.constant 1 : i32
        %add3A_185 = arith.addi %min3A_88, %add3A_184 : i32
        %while3A_186 = arith.subi %add3A_185, %max3A_84 : i32
        %while3A_187 = arith.addi %max3A_84, %while3A_186 : i32
        %while3A_188 = arith.constant 1 : i32
        %while3A_189 = arith.divsi %while3A_186, %while3A_188 : i32
        %while3A_190 = arith.muli %while3A_189, %while3A_188 : i32
        %while3A_191 = arith.addi %max3A_84, %while3A_190 : i32
        %while3A_192 = arith.constant 1 : i32
        %while3A_193 = scf.for %while3A_196 = %max3A_84 to %while3A_191 step %while3A_192 iter_args(%while3A_197 = %while3A_183) -> (i32)  : i32 {
          %add3A_198 = arith.constant 1 : i32
          %add3A_199 = arith.addi %min3A_96, %add3A_198 : i32
          %while3A_200 = arith.subi %add3A_199, %max3A_92 : i32
          %while3A_201 = arith.addi %max3A_92, %while3A_200 : i32
          %while3A_202 = arith.constant 1 : i32
          %while3A_203 = arith.divsi %while3A_200, %while3A_202 : i32
          %while3A_204 = arith.muli %while3A_203, %while3A_202 : i32
          %while3A_205 = arith.addi %max3A_92, %while3A_204 : i32
          %while3A_206 = arith.constant 1 : i32
          %while3A_207 = scf.for %while3A_210 = %max3A_92 to %while3A_205 step %while3A_206 iter_args(%while3A_211 = %while3A_197) -> (i32)  : i32 {
            %mul3A_212 = arith.constant 4 : i32
            %mul3A_213 = arith.muli %while3A_182, %mul3A_212 : i32
            %add3A_214 = arith.addi %mul3A_213, %while3A_196 : i32
            %mul3A_215 = arith.constant 4 : i32
            %mul3A_216 = arith.muli %add3A_214, %mul3A_215 : i32
            %add3A_217 = arith.addi %mul3A_216, %while3A_210 : i32
            %get3A_218 = arith.index_cast %add3A_217 : i32 to index
            %get3A_219 = tpu.vector_load %arg25[%get3A_218] {strides = array<i32>} : memref<80xi32, #tpu.memory_space<vmem>>, vector<16xi32>,
            %slice3A_220 = vector.extract_strided_slice %get3A_219 {offsets = [0], sizes = [1], strides = [1]} : vector<16xi32> to vector<1xi32>
            %squeeze3A_221 = vector.extract %slice3A_220[0] : i32 from vector<1xi32>
            %add3A_222 = arith.constant 15 : i32
            %add3A_223 = arith.addi %squeeze3A_221, %add3A_222 : i32
            %jit3A_224 = arith.constant 16 : i32
            %div3A_225 = arith.divsi %add3A_223, %jit3A_224 : i32
            %sign3A_226 = arith.constant 0 : i32
            %sign3A_227 = arith.cmpi sgt, %add3A_223, %sign3A_226 : i32
            %sign3A_228 = arith.extui %sign3A_227 : i1 to i32
            %sign3A_229 = arith.constant 0 : i32
            %sign3A_230 = arith.cmpi slt, %add3A_223, %sign3A_229 : i32
            %sign3A_231 = arith.extui %sign3A_230 : i1 to i32
            %sign3A_232 = arith.subi %sign3A_228, %sign3A_231 : i32
            %sign3A_233 = arith.constant 0 : i32
            %sign3A_234 = arith.cmpi sgt, %jit3A_224, %sign3A_233 : i32
            %sign3A_235 = arith.extui %sign3A_234 : i1 to i32
            %sign3A_236 = arith.constant 0 : i32
            %sign3A_237 = arith.cmpi slt, %jit3A_224, %sign3A_236 : i32
            %sign3A_238 = arith.extui %sign3A_237 : i1 to i32
            %sign3A_239 = arith.subi %sign3A_235, %sign3A_238 : i32
            %ne3A_240 = arith.cmpi ne, %sign3A_232, %sign3A_239 : i32
            %rem3A_241 = arith.remsi %add3A_223, %jit3A_224 : i32
            %ne3A_242 = arith.constant 0 : i32
            %ne3A_243 = arith.cmpi ne, %rem3A_241, %ne3A_242 : i32
            %and3A_244 = arith.andi %ne3A_240, %ne3A_243 : i1
            %sub3A_245 = arith.constant 1 : i32
            %sub3A_246 = arith.subi %div3A_225, %sub3A_245 : i32
            %select_n3A_247 = arith.select %and3A_244, %sub3A_246, %div3A_225 : i32
            %mul3A_248 = arith.constant 256 : i32
            %mul3A_249 = arith.muli %add3A_217, %mul3A_248 : i32
            %while3A_250 = arith.constant 0 : i32
            %while3A_251 = arith.subi %select_n3A_247, %while3A_250 : i32
            %while3A_252 = arith.addi %while3A_250, %while3A_251 : i32
            %while3A_253 = arith.constant 1 : i32
            %while3A_254 = arith.divsi %while3A_251, %while3A_253 : i32
            %while3A_255 = arith.muli %while3A_254, %while3A_253 : i32
            %while3A_256 = arith.addi %while3A_250, %while3A_255 : i32
            %while3A_257 = arith.constant 1 : i32
            %while3A_258 = scf.for %while3A_261 = %while3A_250 to %while3A_256 step %while3A_257 iter_args(%while3A_262 = %while3A_211) -> (i32)  : i32 {
              %mul3A_263 = arith.constant 16 : i32
              %mul3A_264 = arith.muli %while3A_261, %mul3A_263 : i32
              %add3A_265 = vector.broadcast %mul3A_264 : i32 to vector<16xi32>
              %add3A_266 = arith.addi %iota3A, %add3A_265 : vector<16xi32>
              %lt3A = vector.broadcast %squeeze3A_221 : i32 to vector<16xi32>
              %lt3A_267 = arith.cmpi slt, %add3A_266, %lt3A : vector<16xi32>
              %mul3A_268 = arith.constant 16 : i32
              %mul3A_269 = arith.muli %while3A_261, %mul3A_268 : i32
              %add3A_270 = arith.addi %mul3A_249, %mul3A_269 : i32
              %get3A_271 = arith.index_cast %add3A_270 : i32 to index
              %get3A_272 = tpu.vector_load %arg26[%get3A_271] {strides = array<i32>} : memref<16384xi32, #tpu.memory_space<vmem>>, vector<16xi32>,
              %jit3A_273 = arith.constant 0 : i32
              %broadcast_in_dim3A_274 = vector.broadcast %jit3A_273 : i32 to vector<16xi32>
              %select_n3A_275 = arith.select %lt3A_267, %get3A_272, %broadcast_in_dim3A_274 : vector<16xi1>, vector<16xi32>
              %gather3A_276 = tpu.vector_load_idx %arg12[%select_n3A_275] : memref<4096xf32, #tpu.memory_space<vmem>>[vector<16xi32>], vector<16xf32>,
              %gather3A_277 = tpu.vector_load_idx %arg13[%select_n3A_275] : memref<4096xf32, #tpu.memory_space<vmem>>[vector<16xi32>], vector<16xf32>,
              %gather3A_278 = tpu.vector_load_idx %arg14[%select_n3A_275] : memref<4096xf32, #tpu.memory_space<vmem>>[vector<16xi32>], vector<16xf32>,
              %sub3A_279 = arith.subf %gather3A_276, %broadcast_in_dim3A : vector<16xf32>
              %sub3A_280 = arith.subf %gather3A_277, %broadcast_in_dim3A_36 : vector<16xf32>
              %sub3A_281 = arith.subf %gather3A_278, %broadcast_in_dim3A_41 : vector<16xf32>
              %mul3A_282 = arith.mulf %sub3A_279, %sub3A_279 : vector<16xf32>
              %mul3A_283 = arith.mulf %sub3A_280, %sub3A_280 : vector<16xf32>
              %add3A_284 = arith.addf %mul3A_282, %mul3A_283 : vector<16xf32>
              %mul3A_285 = arith.mulf %sub3A_281, %sub3A_281 : vector<16xf32>
              %add3A_286 = arith.addf %add3A_284, %mul3A_285 : vector<16xf32>
              %le3A = arith.constant 6.250000e-02 : f32
              %le3A_287 = vector.broadcast %le3A : f32 to vector<16xf32>
              %le3A_288 = arith.cmpf ole, %add3A_286, %le3A_287 : vector<16xf32>
              %and3A_289 = arith.andi %le3A_288, %lt3A_267 : vector<16xi1>
              %convert_element_type3A_290 = arith.extui %and3A_289 : vector<16xi1> to vector<16xi32>
              %broadcast_in_dim3A_291 = arith.constant true
              %broadcast_in_dim3A_292 = vector.broadcast %broadcast_in_dim3A_291 : i1 to vector<16xi1>
              %masked_cumsum3A = tpu.scan <sum>, %convert_element_type3A_290 masked %broadcast_in_dim3A_292 : vector<16xi32>, vector<16xi1> -> vector<16xi32>
              %sub3A_293 = arith.constant 1 : i32
              %sub3A_294 = arith.subi %while3A_262, %sub3A_293 : i32
              %add3A_295 = vector.broadcast %sub3A_294 : i32 to vector<16xi32>
              %add3A_296 = arith.addi %masked_cumsum3A, %add3A_295 : vector<16xi32>
              tpu.vector_store_idx %arg22[%add3A_296], %add3A_286 masked %and3A_289 : memref<4128xf32, #tpu.memory_space<vmem>>[vector<16xi32>], vector<16xf32>, vector<16xi1>
              tpu.vector_store_idx %arg23[%add3A_296], %select_n3A_275 masked %and3A_289 : memref<4128xi32, #tpu.memory_space<vmem>>[vector<16xi32>], vector<16xi32>, vector<16xi1>
              %slice3A_297 = vector.extract_strided_slice %masked_cumsum3A {offsets = [15], sizes = [1], strides = [1]} : vector<16xi32> to vector<1xi32>
              %squeeze3A_298 = vector.extract %slice3A_297[0] : i32 from vector<1xi32>
              %add3A_299 = arith.addi %while3A_262, %squeeze3A_298 : i32
              scf.yield %add3A_299 : i32
            }
            %while3A_259 = arith.constant 1 : i32
            %while3A_260 = scf.for %while3A_261 = %while3A_256 to %while3A_252 step %while3A_259 iter_args(%while3A_262 = %while3A_258) -> (i32)  : i32 {
              %mul3A_263 = arith.constant 16 : i32
              %mul3A_264 = arith.muli %while3A_261, %mul3A_263 : i32
              %add3A_265 = vector.broadcast %mul3A_264 : i32 to vector<16xi32>
              %add3A_266 = arith.addi %iota3A, %add3A_265 : vector<16xi32>
              %lt3A = vector.broadcast %squeeze3A_221 : i32 to vector<16xi32>
              %lt3A_267 = arith.cmpi slt, %add3A_266, %lt3A : vector<16xi32>
              %mul3A_268 = arith.constant 16 : i32
              %mul3A_269 = arith.muli %while3A_261, %mul3A_268 : i32
              %add3A_270 = arith.addi %mul3A_249, %mul3A_269 : i32
              %get3A_271 = arith.index_cast %add3A_270 : i32 to index
              %get3A_272 = tpu.vector_load %arg26[%get3A_271] {strides = array<i32>} : memref<16384xi32, #tpu.memory_space<vmem>>, vector<16xi32>,
              %jit3A_273 = arith.constant 0 : i32
              %broadcast_in_dim3A_274 = vector.broadcast %jit3A_273 : i32 to vector<16xi32>
              %select_n3A_275 = arith.select %lt3A_267, %get3A_272, %broadcast_in_dim3A_274 : vector<16xi1>, vector<16xi32>
              %gather3A_276 = tpu.vector_load_idx %arg12[%select_n3A_275] : memref<4096xf32, #tpu.memory_space<vmem>>[vector<16xi32>], vector<16xf32>,
              %gather3A_277 = tpu.vector_load_idx %arg13[%select_n3A_275] : memref<4096xf32, #tpu.memory_space<vmem>>[vector<16xi32>], vector<16xf32>,
              %gather3A_278 = tpu.vector_load_idx %arg14[%select_n3A_275] : memref<4096xf32, #tpu.memory_space<vmem>>[vector<16xi32>], vector<16xf32>,
              %sub3A_279 = arith.subf %gather3A_276, %broadcast_in_dim3A : vector<16xf32>
              %sub3A_280 = arith.subf %gather3A_277, %broadcast_in_dim3A_36 : vector<16xf32>
              %sub3A_281 = arith.subf %gather3A_278, %broadcast_in_dim3A_41 : vector<16xf32>
              %mul3A_282 = arith.mulf %sub3A_279, %sub3A_279 : vector<16xf32>
              %mul3A_283 = arith.mulf %sub3A_280, %sub3A_280 : vector<16xf32>
              %add3A_284 = arith.addf %mul3A_282, %mul3A_283 : vector<16xf32>
              %mul3A_285 = arith.mulf %sub3A_281, %sub3A_281 : vector<16xf32>
              %add3A_286 = arith.addf %add3A_284, %mul3A_285 : vector<16xf32>
              %le3A = arith.constant 6.250000e-02 : f32
              %le3A_287 = vector.broadcast %le3A : f32 to vector<16xf32>
              %le3A_288 = arith.cmpf ole, %add3A_286, %le3A_287 : vector<16xf32>
              %and3A_289 = arith.andi %le3A_288, %lt3A_267 : vector<16xi1>
              %convert_element_type3A_290 = arith.extui %and3A_289 : vector<16xi1> to vector<16xi32>
              %broadcast_in_dim3A_291 = arith.constant true
              %broadcast_in_dim3A_292 = vector.broadcast %broadcast_in_dim3A_291 : i1 to vector<16xi1>
              %masked_cumsum3A = tpu.scan <sum>, %convert_element_type3A_290 masked %broadcast_in_dim3A_292 : vector<16xi32>, vector<16xi1> -> vector<16xi32>
              %sub3A_293 = arith.constant 1 : i32
              %sub3A_294 = arith.subi %while3A_262, %sub3A_293 : i32
              %add3A_295 = vector.broadcast %sub3A_294 : i32 to vector<16xi32>
              %add3A_296 = arith.addi %masked_cumsum3A, %add3A_295 : vector<16xi32>
              tpu.vector_store_idx %arg22[%add3A_296], %add3A_286 masked %and3A_289 : memref<4128xf32, #tpu.memory_space<vmem>>[vector<16xi32>], vector<16xf32>, vector<16xi1>
              tpu.vector_store_idx %arg23[%add3A_296], %select_n3A_275 masked %and3A_289 : memref<4128xi32, #tpu.memory_space<vmem>>[vector<16xi32>], vector<16xi32>, vector<16xi1>
              %slice3A_297 = vector.extract_strided_slice %masked_cumsum3A {offsets = [15], sizes = [1], strides = [1]} : vector<16xi32> to vector<1xi32>
              %squeeze3A_298 = vector.extract %slice3A_297[0] : i32 from vector<1xi32>
              %add3A_299 = arith.addi %while3A_262, %squeeze3A_298 : i32
              scf.yield %add3A_299 : i32
            }
            scf.yield %while3A_260 : i32
          }
          %while3A_208 = arith.constant 1 : i32
          %while3A_209 = scf.for %while3A_210 = %while3A_205 to %while3A_201 step %while3A_208 iter_args(%while3A_211 = %while3A_207) -> (i32)  : i32 {
            %mul3A_212 = arith.constant 4 : i32
            %mul3A_213 = arith.muli %while3A_182, %mul3A_212 : i32
            %add3A_214 = arith.addi %mul3A_213, %while3A_196 : i32
            %mul3A_215 = arith.constant 4 : i32
            %mul3A_216 = arith.muli %add3A_214, %mul3A_215 : i32
            %add3A_217 = arith.addi %mul3A_216, %while3A_210 : i32
            %get3A_218 = arith.index_cast %add3A_217 : i32 to index
            %get3A_219 = tpu.vector_load %arg25[%get3A_218] {strides = array<i32>} : memref<80xi32, #tpu.memory_space<vmem>>, vector<16xi32>,
            %slice3A_220 = vector.extract_strided_slice %get3A_219 {offsets = [0], sizes = [1], strides = [1]} : vector<16xi32> to vector<1xi32>
            %squeeze3A_221 = vector.extract %slice3A_220[0] : i32 from vector<1xi32>
            %add3A_222 = arith.constant 15 : i32
            %add3A_223 = arith.addi %squeeze3A_221, %add3A_222 : i32
            %jit3A_224 = arith.constant 16 : i32
            %div3A_225 = arith.divsi %add3A_223, %jit3A_224 : i32
            %sign3A_226 = arith.constant 0 : i32
            %sign3A_227 = arith.cmpi sgt, %add3A_223, %sign3A_226 : i32
            %sign3A_228 = arith.extui %sign3A_227 : i1 to i32
            %sign3A_229 = arith.constant 0 : i32
            %sign3A_230 = arith.cmpi slt, %add3A_223, %sign3A_229 : i32
            %sign3A_231 = arith.extui %sign3A_230 : i1 to i32
            %sign3A_232 = arith.subi %sign3A_228, %sign3A_231 : i32
            %sign3A_233 = arith.constant 0 : i32
            %sign3A_234 = arith.cmpi sgt, %jit3A_224, %sign3A_233 : i32
            %sign3A_235 = arith.extui %sign3A_234 : i1 to i32
            %sign3A_236 = arith.constant 0 : i32
            %sign3A_237 = arith.cmpi slt, %jit3A_224, %sign3A_236 : i32
            %sign3A_238 = arith.extui %sign3A_237 : i1 to i32
            %sign3A_239 = arith.subi %sign3A_235, %sign3A_238 : i32
            %ne3A_240 = arith.cmpi ne, %sign3A_232, %sign3A_239 : i32
            %rem3A_241 = arith.remsi %add3A_223, %jit3A_224 : i32
            %ne3A_242 = arith.constant 0 : i32
            %ne3A_243 = arith.cmpi ne, %rem3A_241, %ne3A_242 : i32
            %and3A_244 = arith.andi %ne3A_240, %ne3A_243 : i1
            %sub3A_245 = arith.constant 1 : i32
            %sub3A_246 = arith.subi %div3A_225, %sub3A_245 : i32
            %select_n3A_247 = arith.select %and3A_244, %sub3A_246, %div3A_225 : i32
            %mul3A_248 = arith.constant 256 : i32
            %mul3A_249 = arith.muli %add3A_217, %mul3A_248 : i32
            %while3A_250 = arith.constant 0 : i32
            %while3A_251 = arith.subi %select_n3A_247, %while3A_250 : i32
            %while3A_252 = arith.addi %while3A_250, %while3A_251 : i32
            %while3A_253 = arith.constant 1 : i32
            %while3A_254 = arith.divsi %while3A_251, %while3A_253 : i32
            %while3A_255 = arith.muli %while3A_254, %while3A_253 : i32
            %while3A_256 = arith.addi %while3A_250, %while3A_255 : i32
            %while3A_257 = arith.constant 1 : i32
            %while3A_258 = scf.for %while3A_261 = %while3A_250 to %while3A_256 step %while3A_257 iter_args(%while3A_262 = %while3A_211) -> (i32)  : i32 {
              %mul3A_263 = arith.constant 16 : i32
              %mul3A_264 = arith.muli %while3A_261, %mul3A_263 : i32
              %add3A_265 = vector.broadcast %mul3A_264 : i32 to vector<16xi32>
              %add3A_266 = arith.addi %iota3A, %add3A_265 : vector<16xi32>
              %lt3A = vector.broadcast %squeeze3A_221 : i32 to vector<16xi32>
              %lt3A_267 = arith.cmpi slt, %add3A_266, %lt3A : vector<16xi32>
              %mul3A_268 = arith.constant 16 : i32
              %mul3A_269 = arith.muli %while3A_261, %mul3A_268 : i32
              %add3A_270 = arith.addi %mul3A_249, %mul3A_269 : i32
              %get3A_271 = arith.index_cast %add3A_270 : i32 to index
              %get3A_272 = tpu.vector_load %arg26[%get3A_271] {strides = array<i32>} : memref<16384xi32, #tpu.memory_space<vmem>>, vector<16xi32>,
              %jit3A_273 = arith.constant 0 : i32
              %broadcast_in_dim3A_274 = vector.broadcast %jit3A_273 : i32 to vector<16xi32>
              %select_n3A_275 = arith.select %lt3A_267, %get3A_272, %broadcast_in_dim3A_274 : vector<16xi1>, vector<16xi32>
              %gather3A_276 = tpu.vector_load_idx %arg12[%select_n3A_275] : memref<4096xf32, #tpu.memory_space<vmem>>[vector<16xi32>], vector<16xf32>,
              %gather3A_277 = tpu.vector_load_idx %arg13[%select_n3A_275] : memref<4096xf32, #tpu.memory_space<vmem>>[vector<16xi32>], vector<16xf32>,
              %gather3A_278 = tpu.vector_load_idx %arg14[%select_n3A_275] : memref<4096xf32, #tpu.memory_space<vmem>>[vector<16xi32>], vector<16xf32>,
              %sub3A_279 = arith.subf %gather3A_276, %broadcast_in_dim3A : vector<16xf32>
              %sub3A_280 = arith.subf %gather3A_277, %broadcast_in_dim3A_36 : vector<16xf32>
              %sub3A_281 = arith.subf %gather3A_278, %broadcast_in_dim3A_41 : vector<16xf32>
              %mul3A_282 = arith.mulf %sub3A_279, %sub3A_279 : vector<16xf32>
              %mul3A_283 = arith.mulf %sub3A_280, %sub3A_280 : vector<16xf32>
              %add3A_284 = arith.addf %mul3A_282, %mul3A_283 : vector<16xf32>
              %mul3A_285 = arith.mulf %sub3A_281, %sub3A_281 : vector<16xf32>
              %add3A_286 = arith.addf %add3A_284, %mul3A_285 : vector<16xf32>
              %le3A = arith.constant 6.250000e-02 : f32
              %le3A_287 = vector.broadcast %le3A : f32 to vector<16xf32>
              %le3A_288 = arith.cmpf ole, %add3A_286, %le3A_287 : vector<16xf32>
              %and3A_289 = arith.andi %le3A_288, %lt3A_267 : vector<16xi1>
              %convert_element_type3A_290 = arith.extui %and3A_289 : vector<16xi1> to vector<16xi32>
              %broadcast_in_dim3A_291 = arith.constant true
              %broadcast_in_dim3A_292 = vector.broadcast %broadcast_in_dim3A_291 : i1 to vector<16xi1>
              %masked_cumsum3A = tpu.scan <sum>, %convert_element_type3A_290 masked %broadcast_in_dim3A_292 : vector<16xi32>, vector<16xi1> -> vector<16xi32>
              %sub3A_293 = arith.constant 1 : i32
              %sub3A_294 = arith.subi %while3A_262, %sub3A_293 : i32
              %add3A_295 = vector.broadcast %sub3A_294 : i32 to vector<16xi32>
              %add3A_296 = arith.addi %masked_cumsum3A, %add3A_295 : vector<16xi32>
              tpu.vector_store_idx %arg22[%add3A_296], %add3A_286 masked %and3A_289 : memref<4128xf32, #tpu.memory_space<vmem>>[vector<16xi32>], vector<16xf32>, vector<16xi1>
              tpu.vector_store_idx %arg23[%add3A_296], %select_n3A_275 masked %and3A_289 : memref<4128xi32, #tpu.memory_space<vmem>>[vector<16xi32>], vector<16xi32>, vector<16xi1>
              %slice3A_297 = vector.extract_strided_slice %masked_cumsum3A {offsets = [15], sizes = [1], strides = [1]} : vector<16xi32> to vector<1xi32>
              %squeeze3A_298 = vector.extract %slice3A_297[0] : i32 from vector<1xi32>
              %add3A_299 = arith.addi %while3A_262, %squeeze3A_298 : i32
              scf.yield %add3A_299 : i32
            }
            %while3A_259 = arith.constant 1 : i32
            %while3A_260 = scf.for %while3A_261 = %while3A_256 to %while3A_252 step %while3A_259 iter_args(%while3A_262 = %while3A_258) -> (i32)  : i32 {
              %mul3A_263 = arith.constant 16 : i32
              %mul3A_264 = arith.muli %while3A_261, %mul3A_263 : i32
              %add3A_265 = vector.broadcast %mul3A_264 : i32 to vector<16xi32>
              %add3A_266 = arith.addi %iota3A, %add3A_265 : vector<16xi32>
              %lt3A = vector.broadcast %squeeze3A_221 : i32 to vector<16xi32>
              %lt3A_267 = arith.cmpi slt, %add3A_266, %lt3A : vector<16xi32>
              %mul3A_268 = arith.constant 16 : i32
              %mul3A_269 = arith.muli %while3A_261, %mul3A_268 : i32
              %add3A_270 = arith.addi %mul3A_249, %mul3A_269 : i32
              %get3A_271 = arith.index_cast %add3A_270 : i32 to index
              %get3A_272 = tpu.vector_load %arg26[%get3A_271] {strides = array<i32>} : memref<16384xi32, #tpu.memory_space<vmem>>, vector<16xi32>,
              %jit3A_273 = arith.constant 0 : i32
              %broadcast_in_dim3A_274 = vector.broadcast %jit3A_273 : i32 to vector<16xi32>
              %select_n3A_275 = arith.select %lt3A_267, %get3A_272, %broadcast_in_dim3A_274 : vector<16xi1>, vector<16xi32>
              %gather3A_276 = tpu.vector_load_idx %arg12[%select_n3A_275] : memref<4096xf32, #tpu.memory_space<vmem>>[vector<16xi32>], vector<16xf32>,
              %gather3A_277 = tpu.vector_load_idx %arg13[%select_n3A_275] : memref<4096xf32, #tpu.memory_space<vmem>>[vector<16xi32>], vector<16xf32>,
              %gather3A_278 = tpu.vector_load_idx %arg14[%select_n3A_275] : memref<4096xf32, #tpu.memory_space<vmem>>[vector<16xi32>], vector<16xf32>,
              %sub3A_279 = arith.subf %gather3A_276, %broadcast_in_dim3A : vector<16xf32>
              %sub3A_280 = arith.subf %gather3A_277, %broadcast_in_dim3A_36 : vector<16xf32>
              %sub3A_281 = arith.subf %gather3A_278, %broadcast_in_dim3A_41 : vector<16xf32>
              %mul3A_282 = arith.mulf %sub3A_279, %sub3A_279 : vector<16xf32>
              %mul3A_283 = arith.mulf %sub3A_280, %sub3A_280 : vector<16xf32>
              %add3A_284 = arith.addf %mul3A_282, %mul3A_283 : vector<16xf32>
              %mul3A_285 = arith.mulf %sub3A_281, %sub3A_281 : vector<16xf32>
              %add3A_286 = arith.addf %add3A_284, %mul3A_285 : vector<16xf32>
              %le3A = arith.constant 6.250000e-02 : f32
              %le3A_287 = vector.broadcast %le3A : f32 to vector<16xf32>
              %le3A_288 = arith.cmpf ole, %add3A_286, %le3A_287 : vector<16xf32>
              %and3A_289 = arith.andi %le3A_288, %lt3A_267 : vector<16xi1>
              %convert_element_type3A_290 = arith.extui %and3A_289 : vector<16xi1> to vector<16xi32>
              %broadcast_in_dim3A_291 = arith.constant true
              %broadcast_in_dim3A_292 = vector.broadcast %broadcast_in_dim3A_291 : i1 to vector<16xi1>
              %masked_cumsum3A = tpu.scan <sum>, %convert_element_type3A_290 masked %broadcast_in_dim3A_292 : vector<16xi32>, vector<16xi1> -> vector<16xi32>
              %sub3A_293 = arith.constant 1 : i32
              %sub3A_294 = arith.subi %while3A_262, %sub3A_293 : i32
              %add3A_295 = vector.broadcast %sub3A_294 : i32 to vector<16xi32>
              %add3A_296 = arith.addi %masked_cumsum3A, %add3A_295 : vector<16xi32>
              tpu.vector_store_idx %arg22[%add3A_296], %add3A_286 masked %and3A_289 : memref<4128xf32, #tpu.memory_space<vmem>>[vector<16xi32>], vector<16xf32>, vector<16xi1>
              tpu.vector_store_idx %arg23[%add3A_296], %select_n3A_275 masked %and3A_289 : memref<4128xi32, #tpu.memory_space<vmem>>[vector<16xi32>], vector<16xi32>, vector<16xi1>
              %slice3A_297 = vector.extract_strided_slice %masked_cumsum3A {offsets = [15], sizes = [1], strides = [1]} : vector<16xi32> to vector<1xi32>
              %squeeze3A_298 = vector.extract %slice3A_297[0] : i32 from vector<1xi32>
              %add3A_299 = arith.addi %while3A_262, %squeeze3A_298 : i32
              scf.yield %add3A_299 : i32
            }
            scf.yield %while3A_260 : i32
          }
          scf.yield %while3A_209 : i32
        }
        %while3A_194 = arith.constant 1 : i32
        %while3A_195 = scf.for %while3A_196 = %while3A_191 to %while3A_187 step %while3A_194 iter_args(%while3A_197 = %while3A_193) -> (i32)  : i32 {
          %add3A_198 = arith.constant 1 : i32
          %add3A_199 = arith.addi %min3A_96, %add3A_198 : i32
          %while3A_200 = arith.subi %add3A_199, %max3A_92 : i32
          %while3A_201 = arith.addi %max3A_92, %while3A_200 : i32
          %while3A_202 = arith.constant 1 : i32
          %while3A_203 = arith.divsi %while3A_200, %while3A_202 : i32
          %while3A_204 = arith.muli %while3A_203, %while3A_202 : i32
          %while3A_205 = arith.addi %max3A_92, %while3A_204 : i32
          %while3A_206 = arith.constant 1 : i32
          %while3A_207 = scf.for %while3A_210 = %max3A_92 to %while3A_205 step %while3A_206 iter_args(%while3A_211 = %while3A_197) -> (i32)  : i32 {
            %mul3A_212 = arith.constant 4 : i32
            %mul3A_213 = arith.muli %while3A_182, %mul3A_212 : i32
            %add3A_214 = arith.addi %mul3A_213, %while3A_196 : i32
            %mul3A_215 = arith.constant 4 : i32
            %mul3A_216 = arith.muli %add3A_214, %mul3A_215 : i32
            %add3A_217 = arith.addi %mul3A_216, %while3A_210 : i32
            %get3A_218 = arith.index_cast %add3A_217 : i32 to index
            %get3A_219 = tpu.vector_load %arg25[%get3A_218] {strides = array<i32>} : memref<80xi32, #tpu.memory_space<vmem>>, vector<16xi32>,
            %slice3A_220 = vector.extract_strided_slice %get3A_219 {offsets = [0], sizes = [1], strides = [1]} : vector<16xi32> to vector<1xi32>
            %squeeze3A_221 = vector.extract %slice3A_220[0] : i32 from vector<1xi32>
            %add3A_222 = arith.constant 15 : i32
            %add3A_223 = arith.addi %squeeze3A_221, %add3A_222 : i32
            %jit3A_224 = arith.constant 16 : i32
            %div3A_225 = arith.divsi %add3A_223, %jit3A_224 : i32
            %sign3A_226 = arith.constant 0 : i32
            %sign3A_227 = arith.cmpi sgt, %add3A_223, %sign3A_226 : i32
            %sign3A_228 = arith.extui %sign3A_227 : i1 to i32
            %sign3A_229 = arith.constant 0 : i32
            %sign3A_230 = arith.cmpi slt, %add3A_223, %sign3A_229 : i32
            %sign3A_231 = arith.extui %sign3A_230 : i1 to i32
            %sign3A_232 = arith.subi %sign3A_228, %sign3A_231 : i32
            %sign3A_233 = arith.constant 0 : i32
            %sign3A_234 = arith.cmpi sgt, %jit3A_224, %sign3A_233 : i32
            %sign3A_235 = arith.extui %sign3A_234 : i1 to i32
            %sign3A_236 = arith.constant 0 : i32
            %sign3A_237 = arith.cmpi slt, %jit3A_224, %sign3A_236 : i32
            %sign3A_238 = arith.extui %sign3A_237 : i1 to i32
            %sign3A_239 = arith.subi %sign3A_235, %sign3A_238 : i32
            %ne3A_240 = arith.cmpi ne, %sign3A_232, %sign3A_239 : i32
            %rem3A_241 = arith.remsi %add3A_223, %jit3A_224 : i32
            %ne3A_242 = arith.constant 0 : i32
            %ne3A_243 = arith.cmpi ne, %rem3A_241, %ne3A_242 : i32
            %and3A_244 = arith.andi %ne3A_240, %ne3A_243 : i1
            %sub3A_245 = arith.constant 1 : i32
            %sub3A_246 = arith.subi %div3A_225, %sub3A_245 : i32
            %select_n3A_247 = arith.select %and3A_244, %sub3A_246, %div3A_225 : i32
            %mul3A_248 = arith.constant 256 : i32
            %mul3A_249 = arith.muli %add3A_217, %mul3A_248 : i32
            %while3A_250 = arith.constant 0 : i32
            %while3A_251 = arith.subi %select_n3A_247, %while3A_250 : i32
            %while3A_252 = arith.addi %while3A_250, %while3A_251 : i32
            %while3A_253 = arith.constant 1 : i32
            %while3A_254 = arith.divsi %while3A_251, %while3A_253 : i32
            %while3A_255 = arith.muli %while3A_254, %while3A_253 : i32
            %while3A_256 = arith.addi %while3A_250, %while3A_255 : i32
            %while3A_257 = arith.constant 1 : i32
            %while3A_258 = scf.for %while3A_261 = %while3A_250 to %while3A_256 step %while3A_257 iter_args(%while3A_262 = %while3A_211) -> (i32)  : i32 {
              %mul3A_263 = arith.constant 16 : i32
              %mul3A_264 = arith.muli %while3A_261, %mul3A_263 : i32
              %add3A_265 = vector.broadcast %mul3A_264 : i32 to vector<16xi32>
              %add3A_266 = arith.addi %iota3A, %add3A_265 : vector<16xi32>
              %lt3A = vector.broadcast %squeeze3A_221 : i32 to vector<16xi32>
              %lt3A_267 = arith.cmpi slt, %add3A_266, %lt3A : vector<16xi32>
              %mul3A_268 = arith.constant 16 : i32
              %mul3A_269 = arith.muli %while3A_261, %mul3A_268 : i32
              %add3A_270 = arith.addi %mul3A_249, %mul3A_269 : i32
              %get3A_271 = arith.index_cast %add3A_270 : i32 to index
              %get3A_272 = tpu.vector_load %arg26[%get3A_271] {strides = array<i32>} : memref<16384xi32, #tpu.memory_space<vmem>>, vector<16xi32>,
              %jit3A_273 = arith.constant 0 : i32
              %broadcast_in_dim3A_274 = vector.broadcast %jit3A_273 : i32 to vector<16xi32>
              %select_n3A_275 = arith.select %lt3A_267, %get3A_272, %broadcast_in_dim3A_274 : vector<16xi1>, vector<16xi32>
              %gather3A_276 = tpu.vector_load_idx %arg12[%select_n3A_275] : memref<4096xf32, #tpu.memory_space<vmem>>[vector<16xi32>], vector<16xf32>,
              %gather3A_277 = tpu.vector_load_idx %arg13[%select_n3A_275] : memref<4096xf32, #tpu.memory_space<vmem>>[vector<16xi32>], vector<16xf32>,
              %gather3A_278 = tpu.vector_load_idx %arg14[%select_n3A_275] : memref<4096xf32, #tpu.memory_space<vmem>>[vector<16xi32>], vector<16xf32>,
              %sub3A_279 = arith.subf %gather3A_276, %broadcast_in_dim3A : vector<16xf32>
              %sub3A_280 = arith.subf %gather3A_277, %broadcast_in_dim3A_36 : vector<16xf32>
              %sub3A_281 = arith.subf %gather3A_278, %broadcast_in_dim3A_41 : vector<16xf32>
              %mul3A_282 = arith.mulf %sub3A_279, %sub3A_279 : vector<16xf32>
              %mul3A_283 = arith.mulf %sub3A_280, %sub3A_280 : vector<16xf32>
              %add3A_284 = arith.addf %mul3A_282, %mul3A_283 : vector<16xf32>
              %mul3A_285 = arith.mulf %sub3A_281, %sub3A_281 : vector<16xf32>
              %add3A_286 = arith.addf %add3A_284, %mul3A_285 : vector<16xf32>
              %le3A = arith.constant 6.250000e-02 : f32
              %le3A_287 = vector.broadcast %le3A : f32 to vector<16xf32>
              %le3A_288 = arith.cmpf ole, %add3A_286, %le3A_287 : vector<16xf32>
              %and3A_289 = arith.andi %le3A_288, %lt3A_267 : vector<16xi1>
              %convert_element_type3A_290 = arith.extui %and3A_289 : vector<16xi1> to vector<16xi32>
              %broadcast_in_dim3A_291 = arith.constant true
              %broadcast_in_dim3A_292 = vector.broadcast %broadcast_in_dim3A_291 : i1 to vector<16xi1>
              %masked_cumsum3A = tpu.scan <sum>, %convert_element_type3A_290 masked %broadcast_in_dim3A_292 : vector<16xi32>, vector<16xi1> -> vector<16xi32>
              %sub3A_293 = arith.constant 1 : i32
              %sub3A_294 = arith.subi %while3A_262, %sub3A_293 : i32
              %add3A_295 = vector.broadcast %sub3A_294 : i32 to vector<16xi32>
              %add3A_296 = arith.addi %masked_cumsum3A, %add3A_295 : vector<16xi32>
              tpu.vector_store_idx %arg22[%add3A_296], %add3A_286 masked %and3A_289 : memref<4128xf32, #tpu.memory_space<vmem>>[vector<16xi32>], vector<16xf32>, vector<16xi1>
              tpu.vector_store_idx %arg23[%add3A_296], %select_n3A_275 masked %and3A_289 : memref<4128xi32, #tpu.memory_space<vmem>>[vector<16xi32>], vector<16xi32>, vector<16xi1>
              %slice3A_297 = vector.extract_strided_slice %masked_cumsum3A {offsets = [15], sizes = [1], strides = [1]} : vector<16xi32> to vector<1xi32>
              %squeeze3A_298 = vector.extract %slice3A_297[0] : i32 from vector<1xi32>
              %add3A_299 = arith.addi %while3A_262, %squeeze3A_298 : i32
              scf.yield %add3A_299 : i32
            }
            %while3A_259 = arith.constant 1 : i32
            %while3A_260 = scf.for %while3A_261 = %while3A_256 to %while3A_252 step %while3A_259 iter_args(%while3A_262 = %while3A_258) -> (i32)  : i32 {
              %mul3A_263 = arith.constant 16 : i32
              %mul3A_264 = arith.muli %while3A_261, %mul3A_263 : i32
              %add3A_265 = vector.broadcast %mul3A_264 : i32 to vector<16xi32>
              %add3A_266 = arith.addi %iota3A, %add3A_265 : vector<16xi32>
              %lt3A = vector.broadcast %squeeze3A_221 : i32 to vector<16xi32>
              %lt3A_267 = arith.cmpi slt, %add3A_266, %lt3A : vector<16xi32>
              %mul3A_268 = arith.constant 16 : i32
              %mul3A_269 = arith.muli %while3A_261, %mul3A_268 : i32
              %add3A_270 = arith.addi %mul3A_249, %mul3A_269 : i32
              %get3A_271 = arith.index_cast %add3A_270 : i32 to index
              %get3A_272 = tpu.vector_load %arg26[%get3A_271] {strides = array<i32>} : memref<16384xi32, #tpu.memory_space<vmem>>, vector<16xi32>,
              %jit3A_273 = arith.constant 0 : i32
              %broadcast_in_dim3A_274 = vector.broadcast %jit3A_273 : i32 to vector<16xi32>
              %select_n3A_275 = arith.select %lt3A_267, %get3A_272, %broadcast_in_dim3A_274 : vector<16xi1>, vector<16xi32>
              %gather3A_276 = tpu.vector_load_idx %arg12[%select_n3A_275] : memref<4096xf32, #tpu.memory_space<vmem>>[vector<16xi32>], vector<16xf32>,
              %gather3A_277 = tpu.vector_load_idx %arg13[%select_n3A_275] : memref<4096xf32, #tpu.memory_space<vmem>>[vector<16xi32>], vector<16xf32>,
              %gather3A_278 = tpu.vector_load_idx %arg14[%select_n3A_275] : memref<4096xf32, #tpu.memory_space<vmem>>[vector<16xi32>], vector<16xf32>,
              %sub3A_279 = arith.subf %gather3A_276, %broadcast_in_dim3A : vector<16xf32>
              %sub3A_280 = arith.subf %gather3A_277, %broadcast_in_dim3A_36 : vector<16xf32>
              %sub3A_281 = arith.subf %gather3A_278, %broadcast_in_dim3A_41 : vector<16xf32>
              %mul3A_282 = arith.mulf %sub3A_279, %sub3A_279 : vector<16xf32>
              %mul3A_283 = arith.mulf %sub3A_280, %sub3A_280 : vector<16xf32>
              %add3A_284 = arith.addf %mul3A_282, %mul3A_283 : vector<16xf32>
              %mul3A_285 = arith.mulf %sub3A_281, %sub3A_281 : vector<16xf32>
              %add3A_286 = arith.addf %add3A_284, %mul3A_285 : vector<16xf32>
              %le3A = arith.constant 6.250000e-02 : f32
              %le3A_287 = vector.broadcast %le3A : f32 to vector<16xf32>
              %le3A_288 = arith.cmpf ole, %add3A_286, %le3A_287 : vector<16xf32>
              %and3A_289 = arith.andi %le3A_288, %lt3A_267 : vector<16xi1>
              %convert_element_type3A_290 = arith.extui %and3A_289 : vector<16xi1> to vector<16xi32>
              %broadcast_in_dim3A_291 = arith.constant true
              %broadcast_in_dim3A_292 = vector.broadcast %broadcast_in_dim3A_291 : i1 to vector<16xi1>
              %masked_cumsum3A = tpu.scan <sum>, %convert_element_type3A_290 masked %broadcast_in_dim3A_292 : vector<16xi32>, vector<16xi1> -> vector<16xi32>
              %sub3A_293 = arith.constant 1 : i32
              %sub3A_294 = arith.subi %while3A_262, %sub3A_293 : i32
              %add3A_295 = vector.broadcast %sub3A_294 : i32 to vector<16xi32>
              %add3A_296 = arith.addi %masked_cumsum3A, %add3A_295 : vector<16xi32>
              tpu.vector_store_idx %arg22[%add3A_296], %add3A_286 masked %and3A_289 : memref<4128xf32, #tpu.memory_space<vmem>>[vector<16xi32>], vector<16xf32>, vector<16xi1>
              tpu.vector_store_idx %arg23[%add3A_296], %select_n3A_275 masked %and3A_289 : memref<4128xi32, #tpu.memory_space<vmem>>[vector<16xi32>], vector<16xi32>, vector<16xi1>
              %slice3A_297 = vector.extract_strided_slice %masked_cumsum3A {offsets = [15], sizes = [1], strides = [1]} : vector<16xi32> to vector<1xi32>
              %squeeze3A_298 = vector.extract %slice3A_297[0] : i32 from vector<1xi32>
              %add3A_299 = arith.addi %while3A_262, %squeeze3A_298 : i32
              scf.yield %add3A_299 : i32
            }
            scf.yield %while3A_260 : i32
          }
          %while3A_208 = arith.constant 1 : i32
          %while3A_209 = scf.for %while3A_210 = %while3A_205 to %while3A_201 step %while3A_208 iter_args(%while3A_211 = %while3A_207) -> (i32)  : i32 {
            %mul3A_212 = arith.constant 4 : i32
            %mul3A_213 = arith.muli %while3A_182, %mul3A_212 : i32
            %add3A_214 = arith.addi %mul3A_213, %while3A_196 : i32
            %mul3A_215 = arith.constant 4 : i32
            %mul3A_216 = arith.muli %add3A_214, %mul3A_215 : i32
            %add3A_217 = arith.addi %mul3A_216, %while3A_210 : i32
            %get3A_218 = arith.index_cast %add3A_217 : i32 to index
            %get3A_219 = tpu.vector_load %arg25[%get3A_218] {strides = array<i32>} : memref<80xi32, #tpu.memory_space<vmem>>, vector<16xi32>,
            %slice3A_220 = vector.extract_strided_slice %get3A_219 {offsets = [0], sizes = [1], strides = [1]} : vector<16xi32> to vector<1xi32>
            %squeeze3A_221 = vector.extract %slice3A_220[0] : i32 from vector<1xi32>
            %add3A_222 = arith.constant 15 : i32
            %add3A_223 = arith.addi %squeeze3A_221, %add3A_222 : i32
            %jit3A_224 = arith.constant 16 : i32
            %div3A_225 = arith.divsi %add3A_223, %jit3A_224 : i32
            %sign3A_226 = arith.constant 0 : i32
            %sign3A_227 = arith.cmpi sgt, %add3A_223, %sign3A_226 : i32
            %sign3A_228 = arith.extui %sign3A_227 : i1 to i32
            %sign3A_229 = arith.constant 0 : i32
            %sign3A_230 = arith.cmpi slt, %add3A_223, %sign3A_229 : i32
            %sign3A_231 = arith.extui %sign3A_230 : i1 to i32
            %sign3A_232 = arith.subi %sign3A_228, %sign3A_231 : i32
            %sign3A_233 = arith.constant 0 : i32
            %sign3A_234 = arith.cmpi sgt, %jit3A_224, %sign3A_233 : i32
            %sign3A_235 = arith.extui %sign3A_234 : i1 to i32
            %sign3A_236 = arith.constant 0 : i32
            %sign3A_237 = arith.cmpi slt, %jit3A_224, %sign3A_236 : i32
            %sign3A_238 = arith.extui %sign3A_237 : i1 to i32
            %sign3A_239 = arith.subi %sign3A_235, %sign3A_238 : i32
            %ne3A_240 = arith.cmpi ne, %sign3A_232, %sign3A_239 : i32
            %rem3A_241 = arith.remsi %add3A_223, %jit3A_224 : i32
            %ne3A_242 = arith.constant 0 : i32
            %ne3A_243 = arith.cmpi ne, %rem3A_241, %ne3A_242 : i32
            %and3A_244 = arith.andi %ne3A_240, %ne3A_243 : i1
            %sub3A_245 = arith.constant 1 : i32
            %sub3A_246 = arith.subi %div3A_225, %sub3A_245 : i32
            %select_n3A_247 = arith.select %and3A_244, %sub3A_246, %div3A_225 : i32
            %mul3A_248 = arith.constant 256 : i32
            %mul3A_249 = arith.muli %add3A_217, %mul3A_248 : i32
            %while3A_250 = arith.constant 0 : i32
            %while3A_251 = arith.subi %select_n3A_247, %while3A_250 : i32
            %while3A_252 = arith.addi %while3A_250, %while3A_251 : i32
            %while3A_253 = arith.constant 1 : i32
            %while3A_254 = arith.divsi %while3A_251, %while3A_253 : i32
            %while3A_255 = arith.muli %while3A_254, %while3A_253 : i32
            %while3A_256 = arith.addi %while3A_250, %while3A_255 : i32
            %while3A_257 = arith.constant 1 : i32
            %while3A_258 = scf.for %while3A_261 = %while3A_250 to %while3A_256 step %while3A_257 iter_args(%while3A_262 = %while3A_211) -> (i32)  : i32 {
              %mul3A_263 = arith.constant 16 : i32
              %mul3A_264 = arith.muli %while3A_261, %mul3A_263 : i32
              %add3A_265 = vector.broadcast %mul3A_264 : i32 to vector<16xi32>
              %add3A_266 = arith.addi %iota3A, %add3A_265 : vector<16xi32>
              %lt3A = vector.broadcast %squeeze3A_221 : i32 to vector<16xi32>
              %lt3A_267 = arith.cmpi slt, %add3A_266, %lt3A : vector<16xi32>
              %mul3A_268 = arith.constant 16 : i32
              %mul3A_269 = arith.muli %while3A_261, %mul3A_268 : i32
              %add3A_270 = arith.addi %mul3A_249, %mul3A_269 : i32
              %get3A_271 = arith.index_cast %add3A_270 : i32 to index
              %get3A_272 = tpu.vector_load %arg26[%get3A_271] {strides = array<i32>} : memref<16384xi32, #tpu.memory_space<vmem>>, vector<16xi32>,
              %jit3A_273 = arith.constant 0 : i32
              %broadcast_in_dim3A_274 = vector.broadcast %jit3A_273 : i32 to vector<16xi32>
              %select_n3A_275 = arith.select %lt3A_267, %get3A_272, %broadcast_in_dim3A_274 : vector<16xi1>, vector<16xi32>
              %gather3A_276 = tpu.vector_load_idx %arg12[%select_n3A_275] : memref<4096xf32, #tpu.memory_space<vmem>>[vector<16xi32>], vector<16xf32>,
              %gather3A_277 = tpu.vector_load_idx %arg13[%select_n3A_275] : memref<4096xf32, #tpu.memory_space<vmem>>[vector<16xi32>], vector<16xf32>,
              %gather3A_278 = tpu.vector_load_idx %arg14[%select_n3A_275] : memref<4096xf32, #tpu.memory_space<vmem>>[vector<16xi32>], vector<16xf32>,
              %sub3A_279 = arith.subf %gather3A_276, %broadcast_in_dim3A : vector<16xf32>
              %sub3A_280 = arith.subf %gather3A_277, %broadcast_in_dim3A_36 : vector<16xf32>
              %sub3A_281 = arith.subf %gather3A_278, %broadcast_in_dim3A_41 : vector<16xf32>
              %mul3A_282 = arith.mulf %sub3A_279, %sub3A_279 : vector<16xf32>
              %mul3A_283 = arith.mulf %sub3A_280, %sub3A_280 : vector<16xf32>
              %add3A_284 = arith.addf %mul3A_282, %mul3A_283 : vector<16xf32>
              %mul3A_285 = arith.mulf %sub3A_281, %sub3A_281 : vector<16xf32>
              %add3A_286 = arith.addf %add3A_284, %mul3A_285 : vector<16xf32>
              %le3A = arith.constant 6.250000e-02 : f32
              %le3A_287 = vector.broadcast %le3A : f32 to vector<16xf32>
              %le3A_288 = arith.cmpf ole, %add3A_286, %le3A_287 : vector<16xf32>
              %and3A_289 = arith.andi %le3A_288, %lt3A_267 : vector<16xi1>
              %convert_element_type3A_290 = arith.extui %and3A_289 : vector<16xi1> to vector<16xi32>
              %broadcast_in_dim3A_291 = arith.constant true
              %broadcast_in_dim3A_292 = vector.broadcast %broadcast_in_dim3A_291 : i1 to vector<16xi1>
              %masked_cumsum3A = tpu.scan <sum>, %convert_element_type3A_290 masked %broadcast_in_dim3A_292 : vector<16xi32>, vector<16xi1> -> vector<16xi32>
              %sub3A_293 = arith.constant 1 : i32
              %sub3A_294 = arith.subi %while3A_262, %sub3A_293 : i32
              %add3A_295 = vector.broadcast %sub3A_294 : i32 to vector<16xi32>
              %add3A_296 = arith.addi %masked_cumsum3A, %add3A_295 : vector<16xi32>
              tpu.vector_store_idx %arg22[%add3A_296], %add3A_286 masked %and3A_289 : memref<4128xf32, #tpu.memory_space<vmem>>[vector<16xi32>], vector<16xf32>, vector<16xi1>
              tpu.vector_store_idx %arg23[%add3A_296], %select_n3A_275 masked %and3A_289 : memref<4128xi32, #tpu.memory_space<vmem>>[vector<16xi32>], vector<16xi32>, vector<16xi1>
              %slice3A_297 = vector.extract_strided_slice %masked_cumsum3A {offsets = [15], sizes = [1], strides = [1]} : vector<16xi32> to vector<1xi32>
              %squeeze3A_298 = vector.extract %slice3A_297[0] : i32 from vector<1xi32>
              %add3A_299 = arith.addi %while3A_262, %squeeze3A_298 : i32
              scf.yield %add3A_299 : i32
            }
            %while3A_259 = arith.constant 1 : i32
            %while3A_260 = scf.for %while3A_261 = %while3A_256 to %while3A_252 step %while3A_259 iter_args(%while3A_262 = %while3A_258) -> (i32)  : i32 {
              %mul3A_263 = arith.constant 16 : i32
              %mul3A_264 = arith.muli %while3A_261, %mul3A_263 : i32
              %add3A_265 = vector.broadcast %mul3A_264 : i32 to vector<16xi32>
              %add3A_266 = arith.addi %iota3A, %add3A_265 : vector<16xi32>
              %lt3A = vector.broadcast %squeeze3A_221 : i32 to vector<16xi32>
              %lt3A_267 = arith.cmpi slt, %add3A_266, %lt3A : vector<16xi32>
              %mul3A_268 = arith.constant 16 : i32
              %mul3A_269 = arith.muli %while3A_261, %mul3A_268 : i32
              %add3A_270 = arith.addi %mul3A_249, %mul3A_269 : i32
              %get3A_271 = arith.index_cast %add3A_270 : i32 to index
              %get3A_272 = tpu.vector_load %arg26[%get3A_271] {strides = array<i32>} : memref<16384xi32, #tpu.memory_space<vmem>>, vector<16xi32>,
              %jit3A_273 = arith.constant 0 : i32
              %broadcast_in_dim3A_274 = vector.broadcast %jit3A_273 : i32 to vector<16xi32>
              %select_n3A_275 = arith.select %lt3A_267, %get3A_272, %broadcast_in_dim3A_274 : vector<16xi1>, vector<16xi32>
              %gather3A_276 = tpu.vector_load_idx %arg12[%select_n3A_275] : memref<4096xf32, #tpu.memory_space<vmem>>[vector<16xi32>], vector<16xf32>,
              %gather3A_277 = tpu.vector_load_idx %arg13[%select_n3A_275] : memref<4096xf32, #tpu.memory_space<vmem>>[vector<16xi32>], vector<16xf32>,
              %gather3A_278 = tpu.vector_load_idx %arg14[%select_n3A_275] : memref<4096xf32, #tpu.memory_space<vmem>>[vector<16xi32>], vector<16xf32>,
              %sub3A_279 = arith.subf %gather3A_276, %broadcast_in_dim3A : vector<16xf32>
              %sub3A_280 = arith.subf %gather3A_277, %broadcast_in_dim3A_36 : vector<16xf32>
              %sub3A_281 = arith.subf %gather3A_278, %broadcast_in_dim3A_41 : vector<16xf32>
              %mul3A_282 = arith.mulf %sub3A_279, %sub3A_279 : vector<16xf32>
              %mul3A_283 = arith.mulf %sub3A_280, %sub3A_280 : vector<16xf32>
              %add3A_284 = arith.addf %mul3A_282, %mul3A_283 : vector<16xf32>
              %mul3A_285 = arith.mulf %sub3A_281, %sub3A_281 : vector<16xf32>
              %add3A_286 = arith.addf %add3A_284, %mul3A_285 : vector<16xf32>
              %le3A = arith.constant 6.250000e-02 : f32
              %le3A_287 = vector.broadcast %le3A : f32 to vector<16xf32>
              %le3A_288 = arith.cmpf ole, %add3A_286, %le3A_287 : vector<16xf32>
              %and3A_289 = arith.andi %le3A_288, %lt3A_267 : vector<16xi1>
              %convert_element_type3A_290 = arith.extui %and3A_289 : vector<16xi1> to vector<16xi32>
              %broadcast_in_dim3A_291 = arith.constant true
              %broadcast_in_dim3A_292 = vector.broadcast %broadcast_in_dim3A_291 : i1 to vector<16xi1>
              %masked_cumsum3A = tpu.scan <sum>, %convert_element_type3A_290 masked %broadcast_in_dim3A_292 : vector<16xi32>, vector<16xi1> -> vector<16xi32>
              %sub3A_293 = arith.constant 1 : i32
              %sub3A_294 = arith.subi %while3A_262, %sub3A_293 : i32
              %add3A_295 = vector.broadcast %sub3A_294 : i32 to vector<16xi32>
              %add3A_296 = arith.addi %masked_cumsum3A, %add3A_295 : vector<16xi32>
              tpu.vector_store_idx %arg22[%add3A_296], %add3A_286 masked %and3A_289 : memref<4128xf32, #tpu.memory_space<vmem>>[vector<16xi32>], vector<16xf32>, vector<16xi1>
              tpu.vector_store_idx %arg23[%add3A_296], %select_n3A_275 masked %and3A_289 : memref<4128xi32, #tpu.memory_space<vmem>>[vector<16xi32>], vector<16xi32>, vector<16xi1>
              %slice3A_297 = vector.extract_strided_slice %masked_cumsum3A {offsets = [15], sizes = [1], strides = [1]} : vector<16xi32> to vector<1xi32>
              %squeeze3A_298 = vector.extract %slice3A_297[0] : i32 from vector<1xi32>
              %add3A_299 = arith.addi %while3A_262, %squeeze3A_298 : i32
              scf.yield %add3A_299 : i32
            }
            scf.yield %while3A_260 : i32
          }
          scf.yield %while3A_209 : i32
        }
        scf.yield %while3A_195 : i32
      }
      %broadcast_in_dim3A_109 = arith.constant 1.000000e+30 : f32
      %broadcast_in_dim3A_110 = vector.broadcast %broadcast_in_dim3A_109 : f32 to vector<16xf32>
      %swap3A = arith.index_cast %while3A_108 : i32 to index
      %swap3A_111 = tpu.vector_load %arg22[%swap3A] {strides = array<i32>} : memref<4128xf32, #tpu.memory_space<vmem>>, vector<16xf32>,
      tpu.vector_store %arg22[%swap3A], %broadcast_in_dim3A_110 {strides = array<i32>} : memref<4128xf32, #tpu.memory_space<vmem>>, vector<16xf32>,
      %broadcast_in_dim3A_112 = arith.constant 0 : i32
      %broadcast_in_dim3A_113 = vector.broadcast %broadcast_in_dim3A_112 : i32 to vector<16xi32>
      %swap3A_114 = arith.index_cast %while3A_108 : i32 to index
      %swap3A_115 = tpu.vector_load %arg23[%swap3A_114] {strides = array<i32>} : memref<4128xi32, #tpu.memory_space<vmem>>, vector<16xi32>,
      tpu.vector_store %arg23[%swap3A_114], %broadcast_in_dim3A_113 {strides = array<i32>} : memref<4128xi32, #tpu.memory_space<vmem>>, vector<16xi32>,
      %add3A_116 = arith.constant 15 : i32
      %add3A_117 = arith.addi %while3A_108, %add3A_116 : i32
      %jit3A_118 = arith.constant 16 : i32
      %div3A = arith.divsi %add3A_117, %jit3A_118 : i32
      %sign3A = arith.constant 0 : i32
      %sign3A_119 = arith.cmpi sgt, %add3A_117, %sign3A : i32
      %sign3A_120 = arith.extui %sign3A_119 : i1 to i32
      %sign3A_121 = arith.constant 0 : i32
      %sign3A_122 = arith.cmpi slt, %add3A_117, %sign3A_121 : i32
      %sign3A_123 = arith.extui %sign3A_122 : i1 to i32
      %sign3A_124 = arith.subi %sign3A_120, %sign3A_123 : i32
      %sign3A_125 = arith.constant 0 : i32
      %sign3A_126 = arith.cmpi sgt, %jit3A_118, %sign3A_125 : i32
      %sign3A_127 = arith.extui %sign3A_126 : i1 to i32
      %sign3A_128 = arith.constant 0 : i32
      %sign3A_129 = arith.cmpi slt, %jit3A_118, %sign3A_128 : i32
      %sign3A_130 = arith.extui %sign3A_129 : i1 to i32
      %sign3A_131 = arith.subi %sign3A_127, %sign3A_130 : i32
      %ne3A = arith.cmpi ne, %sign3A_124, %sign3A_131 : i32
      %rem3A = arith.remsi %add3A_117, %jit3A_118 : i32
      %ne3A_132 = arith.constant 0 : i32
      %ne3A_133 = arith.cmpi ne, %rem3A, %ne3A_132 : i32
      %and3A = arith.andi %ne3A, %ne3A_133 : i1
      %sub3A_134 = arith.constant 1 : i32
      %sub3A_135 = arith.subi %div3A, %sub3A_134 : i32
      %select_n3A = arith.select %and3A, %sub3A_135, %div3A : i32
      %broadcast_in_dim3A_136 = arith.constant 1.000000e+30 : f32
      %broadcast_in_dim3A_137 = vector.broadcast %broadcast_in_dim3A_136 : f32 to vector<16xf32>
      %broadcast_in_dim3A_138 = arith.constant 0 : i32
      %broadcast_in_dim3A_139 = vector.broadcast %broadcast_in_dim3A_138 : i32 to vector<16xi32>
      %broadcast_in_dim3A_140 = arith.constant 1.000000e+30 : f32
      %broadcast_in_dim3A_141 = vector.broadcast %broadcast_in_dim3A_140 : f32 to vector<16xf32>
      %broadcast_in_dim3A_142 = arith.constant 0 : i32
      %broadcast_in_dim3A_143 = vector.broadcast %broadcast_in_dim3A_142 : i32 to vector<16xi32>
      %while3A_144 = arith.constant 0 : i32
      %while3A_145 = arith.subi %select_n3A, %while3A_144 : i32
      %while3A_146 = arith.addi %while3A_144, %while3A_145 : i32
      %while3A_147 = arith.constant 1 : i32
      %while3A_148 = arith.divsi %while3A_145, %while3A_147 : i32
      %while3A_149 = arith.muli %while3A_148, %while3A_147 : i32
      %while3A_150 = arith.addi %while3A_144, %while3A_149 : i32
      %while3A_151 = arith.constant 1 : i32
      %while3A_152:4 = scf.for %while3A_182 = %while3A_144 to %while3A_150 step %while3A_151 iter_args(%while3A_183 = %broadcast_in_dim3A_137, %while3A_184 = %broadcast_in_dim3A_139, %while3A_185 = %broadcast_in_dim3A_141, %while3A_186 = %broadcast_in_dim3A_143) -> (vector<16xf32>, vector<16xi32>, vector<16xf32>, vector<16xi32>)  : i32 {
        %mul3A_187 = arith.constant 16 : i32
        %mul3A_188 = arith.muli %while3A_182, %mul3A_187 : i32
        %get3A_189 = arith.index_cast %mul3A_188 : i32 to index
        %get3A_190 = tpu.vector_load %arg22[%get3A_189] {strides = array<i32>} : memref<4128xf32, #tpu.memory_space<vmem>>, vector<16xf32>,
        %mul3A_191 = arith.constant 16 : i32
        %mul3A_192 = arith.muli %while3A_182, %mul3A_191 : i32
        %get3A_193 = arith.index_cast %mul3A_192 : i32 to index
        %get3A_194 = tpu.vector_load %arg23[%get3A_193] {strides = array<i32>} : memref<4128xi32, #tpu.memory_space<vmem>>, vector<16xi32>,
        %masked_sort3A = arith.constant dense<true> : vector<16xi1>
        %masked_sort3A_195, %masked_sort3A_196, %masked_sort3A_197 = tpu.sort %get3A_190, %get3A_194 masked %masked_sort3A : (vector<16xf32>, vector<16xi32>, vector<16xi1>) -> (vector<16xi1>, vector<16xf32>, vector<16xi32>)
        %rev3A = arith.constant 15 : i32
        %rev3A_198 = vector.broadcast %rev3A : i32 to vector<16xi32>
        %rev3A_199 = tpu.iota {dimensions = array<i32: 0>} : vector<16xi32>
        %rev3A_200 = arith.subi %rev3A_198, %rev3A_199 : vector<16xi32>
        %rev3A_201 = tpu.dynamic_gather %masked_sort3A_196[%rev3A_200] in [0] : vector<16xf32>, vector<16xi32> -> vector<16xf32>
        %rev3A_202 = arith.constant 15 : i32
        %rev3A_203 = vector.broadcast %rev3A_202 : i32 to vector<16xi32>
        %rev3A_204 = tpu.iota {dimensions = array<i32: 0>} : vector<16xi32>
        %rev3A_205 = arith.subi %rev3A_203, %rev3A_204 : vector<16xi32>
        %rev3A_206 = tpu.dynamic_gather %masked_sort3A_197[%rev3A_205] in [0] : vector<16xi32>, vector<16xi32> -> vector<16xi32>
        %le3A = arith.cmpf ole, %while3A_185, %rev3A_201 : vector<16xf32>
        %select_n3A_207 = arith.select %le3A, %while3A_185, %rev3A_201 : vector<16xi1>, vector<16xf32>
        %select_n3A_208 = arith.select %le3A, %while3A_186, %rev3A_206 : vector<16xi1>, vector<16xi32>
        %masked_sort3A_209 = arith.constant dense<true> : vector<16xi1>
        %masked_sort3A_210, %masked_sort3A_211, %masked_sort3A_212 = tpu.sort %select_n3A_207, %select_n3A_208 masked %masked_sort3A_209 : (vector<16xf32>, vector<16xi32>, vector<16xi1>) -> (vector<16xi1>, vector<16xf32>, vector<16xi32>)
        %rev3A_213 = arith.constant 15 : i32
        %rev3A_214 = vector.broadcast %rev3A_213 : i32 to vector<16xi32>
        %rev3A_215 = tpu.iota {dimensions = array<i32: 0>} : vector<16xi32>
        %rev3A_216 = arith.subi %rev3A_214, %rev3A_215 : vector<16xi32>
        %rev3A_217 = tpu.dynamic_gather %masked_sort3A_211[%rev3A_216] in [0] : vector<16xf32>, vector<16xi32> -> vector<16xf32>
        %rev3A_218 = arith.constant 15 : i32
        %rev3A_219 = vector.broadcast %rev3A_218 : i32 to vector<16xi32>
        %rev3A_220 = tpu.iota {dimensions = array<i32: 0>} : vector<16xi32>
        %rev3A_221 = arith.subi %rev3A_219, %rev3A_220 : vector<16xi32>
        %rev3A_222 = tpu.dynamic_gather %masked_sort3A_212[%rev3A_221] in [0] : vector<16xi32>, vector<16xi32> -> vector<16xi32>
        %le3A_223 = arith.cmpf ole, %while3A_183, %rev3A_217 : vector<16xf32>
        %select_n3A_224 = arith.select %le3A_223, %while3A_183, %rev3A_217 : vector<16xi1>, vector<16xf32>
        %select_n3A_225 = arith.select %le3A_223, %while3A_184, %rev3A_222 : vector<16xi1>, vector<16xi32>
        %select_n3A_226 = arith.select %le3A_223, %rev3A_217, %while3A_183 : vector<16xi1>, vector<16xf32>
        %select_n3A_227 = arith.select %le3A_223, %rev3A_222, %while3A_184 : vector<16xi1>, vector<16xi32>
        %masked_sort3A_228 = arith.constant dense<true> : vector<16xi1>
        %masked_sort3A_229, %masked_sort3A_230, %masked_sort3A_231 = tpu.sort %select_n3A_224, %select_n3A_225 masked %masked_sort3A_228 : (vector<16xf32>, vector<16xi32>, vector<16xi1>) -> (vector<16xi1>, vector<16xf32>, vector<16xi32>)
        %masked_sort3A_232 = arith.constant dense<true> : vector<16xi1>
        %masked_sort3A_233, %masked_sort3A_234, %masked_sort3A_235 = tpu.sort %select_n3A_226, %select_n3A_227 masked %masked_sort3A_232 : (vector<16xf32>, vector<16xi32>, vector<16xi1>) -> (vector<16xi1>, vector<16xf32>, vector<16xi32>)
        scf.yield %masked_sort3A_230, %masked_sort3A_231, %masked_sort3A_234, %masked_sort3A_235 : vector<16xf32>, vector<16xi32>, vector<16xf32>, vector<16xi32>
      }
      %while3A_153 = arith.constant 1 : i32
      %while3A_154:4 = scf.for %while3A_182 = %while3A_150 to %while3A_146 step %while3A_153 iter_args(%while3A_183 = %while3A_152#0, %while3A_184 = %while3A_152#1, %while3A_185 = %while3A_152#2, %while3A_186 = %while3A_152#3) -> (vector<16xf32>, vector<16xi32>, vector<16xf32>, vector<16xi32>)  : i32 {
        %mul3A_187 = arith.constant 16 : i32
        %mul3A_188 = arith.muli %while3A_182, %mul3A_187 : i32
        %get3A_189 = arith.index_cast %mul3A_188 : i32 to index
        %get3A_190 = tpu.vector_load %arg22[%get3A_189] {strides = array<i32>} : memref<4128xf32, #tpu.memory_space<vmem>>, vector<16xf32>,
        %mul3A_191 = arith.constant 16 : i32
        %mul3A_192 = arith.muli %while3A_182, %mul3A_191 : i32
        %get3A_193 = arith.index_cast %mul3A_192 : i32 to index
        %get3A_194 = tpu.vector_load %arg23[%get3A_193] {strides = array<i32>} : memref<4128xi32, #tpu.memory_space<vmem>>, vector<16xi32>,
        %masked_sort3A = arith.constant dense<true> : vector<16xi1>
        %masked_sort3A_195, %masked_sort3A_196, %masked_sort3A_197 = tpu.sort %get3A_190, %get3A_194 masked %masked_sort3A : (vector<16xf32>, vector<16xi32>, vector<16xi1>) -> (vector<16xi1>, vector<16xf32>, vector<16xi32>)
        %rev3A = arith.constant 15 : i32
        %rev3A_198 = vector.broadcast %rev3A : i32 to vector<16xi32>
        %rev3A_199 = tpu.iota {dimensions = array<i32: 0>} : vector<16xi32>
        %rev3A_200 = arith.subi %rev3A_198, %rev3A_199 : vector<16xi32>
        %rev3A_201 = tpu.dynamic_gather %masked_sort3A_196[%rev3A_200] in [0] : vector<16xf32>, vector<16xi32> -> vector<16xf32>
        %rev3A_202 = arith.constant 15 : i32
        %rev3A_203 = vector.broadcast %rev3A_202 : i32 to vector<16xi32>
        %rev3A_204 = tpu.iota {dimensions = array<i32: 0>} : vector<16xi32>
        %rev3A_205 = arith.subi %rev3A_203, %rev3A_204 : vector<16xi32>
        %rev3A_206 = tpu.dynamic_gather %masked_sort3A_197[%rev3A_205] in [0] : vector<16xi32>, vector<16xi32> -> vector<16xi32>
        %le3A = arith.cmpf ole, %while3A_185, %rev3A_201 : vector<16xf32>
        %select_n3A_207 = arith.select %le3A, %while3A_185, %rev3A_201 : vector<16xi1>, vector<16xf32>
        %select_n3A_208 = arith.select %le3A, %while3A_186, %rev3A_206 : vector<16xi1>, vector<16xi32>
        %masked_sort3A_209 = arith.constant dense<true> : vector<16xi1>
        %masked_sort3A_210, %masked_sort3A_211, %masked_sort3A_212 = tpu.sort %select_n3A_207, %select_n3A_208 masked %masked_sort3A_209 : (vector<16xf32>, vector<16xi32>, vector<16xi1>) -> (vector<16xi1>, vector<16xf32>, vector<16xi32>)
        %rev3A_213 = arith.constant 15 : i32
        %rev3A_214 = vector.broadcast %rev3A_213 : i32 to vector<16xi32>
        %rev3A_215 = tpu.iota {dimensions = array<i32: 0>} : vector<16xi32>
        %rev3A_216 = arith.subi %rev3A_214, %rev3A_215 : vector<16xi32>
        %rev3A_217 = tpu.dynamic_gather %masked_sort3A_211[%rev3A_216] in [0] : vector<16xf32>, vector<16xi32> -> vector<16xf32>
        %rev3A_218 = arith.constant 15 : i32
        %rev3A_219 = vector.broadcast %rev3A_218 : i32 to vector<16xi32>
        %rev3A_220 = tpu.iota {dimensions = array<i32: 0>} : vector<16xi32>
        %rev3A_221 = arith.subi %rev3A_219, %rev3A_220 : vector<16xi32>
        %rev3A_222 = tpu.dynamic_gather %masked_sort3A_212[%rev3A_221] in [0] : vector<16xi32>, vector<16xi32> -> vector<16xi32>
        %le3A_223 = arith.cmpf ole, %while3A_183, %rev3A_217 : vector<16xf32>
        %select_n3A_224 = arith.select %le3A_223, %while3A_183, %rev3A_217 : vector<16xi1>, vector<16xf32>
        %select_n3A_225 = arith.select %le3A_223, %while3A_184, %rev3A_222 : vector<16xi1>, vector<16xi32>
        %select_n3A_226 = arith.select %le3A_223, %rev3A_217, %while3A_183 : vector<16xi1>, vector<16xf32>
        %select_n3A_227 = arith.select %le3A_223, %rev3A_222, %while3A_184 : vector<16xi1>, vector<16xi32>
        %masked_sort3A_228 = arith.constant dense<true> : vector<16xi1>
        %masked_sort3A_229, %masked_sort3A_230, %masked_sort3A_231 = tpu.sort %select_n3A_224, %select_n3A_225 masked %masked_sort3A_228 : (vector<16xf32>, vector<16xi32>, vector<16xi1>) -> (vector<16xi1>, vector<16xf32>, vector<16xi32>)
        %masked_sort3A_232 = arith.constant dense<true> : vector<16xi1>
        %masked_sort3A_233, %masked_sort3A_234, %masked_sort3A_235 = tpu.sort %select_n3A_226, %select_n3A_227 masked %masked_sort3A_232 : (vector<16xf32>, vector<16xi32>, vector<16xi1>) -> (vector<16xi1>, vector<16xf32>, vector<16xi32>)
        scf.yield %masked_sort3A_230, %masked_sort3A_231, %masked_sort3A_234, %masked_sort3A_235 : vector<16xf32>, vector<16xi32>, vector<16xf32>, vector<16xi32>
      }
      %mul3A_155 = arith.constant 32 : i32
      %mul3A_156 = arith.muli %scan3A_30, %mul3A_155 : i32
      %mul3A_157 = arith.constant 32 : i32
      %mul3A_158 = arith.muli %scan3A_30, %mul3A_157 : i32
      %add3A_159 = arith.constant 16 : i32
      %add3A_160 = arith.addi %mul3A_158, %add3A_159 : i32
      %gather3A = tpu.vector_load_idx %arg12[%while3A_154#1] : memref<4096xf32, #tpu.memory_space<vmem>>[vector<16xi32>], vector<16xf32>,
      %swap3A_161 = arith.index_cast %mul3A_156 : i32 to index
      %swap3A_162 = tpu.vector_load %arg18[%swap3A_161] {strides = array<i32>} : memref<12288xf32, #tpu.memory_space<vmem>>, vector<16xf32>,
      tpu.vector_store %arg18[%swap3A_161], %gather3A {strides = array<i32>} : memref<12288xf32, #tpu.memory_space<vmem>>, vector<16xf32>,
      %gather3A_163 = tpu.vector_load_idx %arg12[%while3A_154#3] : memref<4096xf32, #tpu.memory_space<vmem>>[vector<16xi32>], vector<16xf32>,
      %swap3A_164 = arith.index_cast %add3A_160 : i32 to index
      %swap3A_165 = tpu.vector_load %arg18[%swap3A_164] {strides = array<i32>} : memref<12288xf32, #tpu.memory_space<vmem>>, vector<16xf32>,
      tpu.vector_store %arg18[%swap3A_164], %gather3A_163 {strides = array<i32>} : memref<12288xf32, #tpu.memory_space<vmem>>, vector<16xf32>,
      %gather3A_166 = tpu.vector_load_idx %arg13[%while3A_154#1] : memref<4096xf32, #tpu.memory_space<vmem>>[vector<16xi32>], vector<16xf32>,
      %swap3A_167 = arith.index_cast %mul3A_156 : i32 to index
      %swap3A_168 = tpu.vector_load %arg19[%swap3A_167] {strides = array<i32>} : memref<12288xf32, #tpu.memory_space<vmem>>, vector<16xf32>,
      tpu.vector_store %arg19[%swap3A_167], %gather3A_166 {strides = array<i32>} : memref<12288xf32, #tpu.memory_space<vmem>>, vector<16xf32>,
      %gather3A_169 = tpu.vector_load_idx %arg13[%while3A_154#3] : memref<4096xf32, #tpu.memory_space<vmem>>[vector<16xi32>], vector<16xf32>,
      %swap3A_170 = arith.index_cast %add3A_160 : i32 to index
      %swap3A_171 = tpu.vector_load %arg19[%swap3A_170] {strides = array<i32>} : memref<12288xf32, #tpu.memory_space<vmem>>, vector<16xf32>,
      tpu.vector_store %arg19[%swap3A_170], %gather3A_169 {strides = array<i32>} : memref<12288xf32, #tpu.memory_space<vmem>>, vector<16xf32>,
      %gather3A_172 = tpu.vector_load_idx %arg14[%while3A_154#1] : memref<4096xf32, #tpu.memory_space<vmem>>[vector<16xi32>], vector<16xf32>,
      %swap3A_173 = arith.index_cast %mul3A_156 : i32 to index
      %swap3A_174 = tpu.vector_load %arg20[%swap3A_173] {strides = array<i32>} : memref<12288xf32, #tpu.memory_space<vmem>>, vector<16xf32>,
      tpu.vector_store %arg20[%swap3A_173], %gather3A_172 {strides = array<i32>} : memref<12288xf32, #tpu.memory_space<vmem>>, vector<16xf32>,
      %gather3A_175 = tpu.vector_load_idx %arg14[%while3A_154#3] : memref<4096xf32, #tpu.memory_space<vmem>>[vector<16xi32>], vector<16xf32>,
      %swap3A_176 = arith.index_cast %add3A_160 : i32 to index
      %swap3A_177 = tpu.vector_load %arg20[%swap3A_176] {strides = array<i32>} : memref<12288xf32, #tpu.memory_space<vmem>>, vector<16xf32>,
      tpu.vector_store %arg20[%swap3A_176], %gather3A_175 {strides = array<i32>} : memref<12288xf32, #tpu.memory_space<vmem>>, vector<16xf32>,
      %swap3A_178 = arith.index_cast %mul3A_156 : i32 to index
      %swap3A_179 = tpu.vector_load %arg21[%swap3A_178] {strides = array<i32>} : memref<12288xf32, #tpu.memory_space<vmem>>, vector<16xf32>,
      tpu.vector_store %arg21[%swap3A_178], %while3A_154#0 {strides = array<i32>} : memref<12288xf32, #tpu.memory_space<vmem>>, vector<16xf32>,
      %swap3A_180 = arith.index_cast %add3A_160 : i32 to index
      %swap3A_181 = tpu.vector_load %arg21[%swap3A_180] {strides = array<i32>} : memref<12288xf32, #tpu.memory_space<vmem>>, vector<16xf32>,
      tpu.vector_store %arg21[%swap3A_180], %while3A_154#2 {strides = array<i32>} : memref<12288xf32, #tpu.memory_space<vmem>>, vector<16xf32>,
    }
    %scan3A_27 = arith.constant 384 : i32
    %mul3A_28 = arith.constant 32 : i32
    %mul3A_29 = arith.muli %mul3A_2, %mul3A_28 : i32
    "tpu.region"() ({
      %run_scoped3A = tpu.sem_alloc : memref<!tpu.dma_semaphore, #tpu.memory_space<semaphore_mem>>
      %dma_start3A = tpu.memref_slice %arg8[%mul3A_29] : memref<393216xf32, #tpu.memory_space<hbm>> -> memref<12288xf32, #tpu.memory_space<hbm>>
      %dma_start3A_30 = tpu.memref_slice %arg8[%mul3A_29] : memref<393216xf32, #tpu.memory_space<hbm>> -> memref<12288xf32, #tpu.memory_space<hbm>>
      tpu.enqueue_dma source(%arg18 : memref<12288xf32, #tpu.memory_space<vmem>>) target(%dma_start3A_30 : memref<12288xf32, #tpu.memory_space<hbm>>) target_semaphore(%run_scoped3A : memref<!tpu.dma_semaphore, #tpu.memory_space<semaphore_mem>>)
      %dma_wait3A = tpu.memref_slice %arg8[%mul3A_29] : memref<393216xf32, #tpu.memory_space<hbm>> -> memref<12288xf32, #tpu.memory_space<hbm>>
      %dma_wait3A_31 = tpu.memref_slice %arg8[%mul3A_29] : memref<393216xf32, #tpu.memory_space<hbm>> -> memref<12288xf32, #tpu.memory_space<hbm>>
      tpu.wait_dma2 semaphore(%run_scoped3A : memref<!tpu.dma_semaphore, #tpu.memory_space<semaphore_mem>>) src(%arg18 : memref<12288xf32, #tpu.memory_space<vmem>>) dst(%dma_wait3A_31 : memref<12288xf32, #tpu.memory_space<hbm>>)
      tpu.yield
    }) : () -> ()
    "tpu.region"() ({
      %run_scoped3A = tpu.sem_alloc : memref<!tpu.dma_semaphore, #tpu.memory_space<semaphore_mem>>
      %dma_start3A = tpu.memref_slice %arg9[%mul3A_29] : memref<393216xf32, #tpu.memory_space<hbm>> -> memref<12288xf32, #tpu.memory_space<hbm>>
      %dma_start3A_30 = tpu.memref_slice %arg9[%mul3A_29] : memref<393216xf32, #tpu.memory_space<hbm>> -> memref<12288xf32, #tpu.memory_space<hbm>>
      tpu.enqueue_dma source(%arg19 : memref<12288xf32, #tpu.memory_space<vmem>>) target(%dma_start3A_30 : memref<12288xf32, #tpu.memory_space<hbm>>) target_semaphore(%run_scoped3A : memref<!tpu.dma_semaphore, #tpu.memory_space<semaphore_mem>>)
      %dma_wait3A = tpu.memref_slice %arg9[%mul3A_29] : memref<393216xf32, #tpu.memory_space<hbm>> -> memref<12288xf32, #tpu.memory_space<hbm>>
      %dma_wait3A_31 = tpu.memref_slice %arg9[%mul3A_29] : memref<393216xf32, #tpu.memory_space<hbm>> -> memref<12288xf32, #tpu.memory_space<hbm>>
      tpu.wait_dma2 semaphore(%run_scoped3A : memref<!tpu.dma_semaphore, #tpu.memory_space<semaphore_mem>>) src(%arg19 : memref<12288xf32, #tpu.memory_space<vmem>>) dst(%dma_wait3A_31 : memref<12288xf32, #tpu.memory_space<hbm>>)
      tpu.yield
    }) : () -> ()
    "tpu.region"() ({
      %run_scoped3A = tpu.sem_alloc : memref<!tpu.dma_semaphore, #tpu.memory_space<semaphore_mem>>
      %dma_start3A = tpu.memref_slice %arg10[%mul3A_29] : memref<393216xf32, #tpu.memory_space<hbm>> -> memref<12288xf32, #tpu.memory_space<hbm>>
      %dma_start3A_30 = tpu.memref_slice %arg10[%mul3A_29] : memref<393216xf32, #tpu.memory_space<hbm>> -> memref<12288xf32, #tpu.memory_space<hbm>>
      tpu.enqueue_dma source(%arg20 : memref<12288xf32, #tpu.memory_space<vmem>>) target(%dma_start3A_30 : memref<12288xf32, #tpu.memory_space<hbm>>) target_semaphore(%run_scoped3A : memref<!tpu.dma_semaphore, #tpu.memory_space<semaphore_mem>>)
      %dma_wait3A = tpu.memref_slice %arg10[%mul3A_29] : memref<393216xf32, #tpu.memory_space<hbm>> -> memref<12288xf32, #tpu.memory_space<hbm>>
      %dma_wait3A_31 = tpu.memref_slice %arg10[%mul3A_29] : memref<393216xf32, #tpu.memory_space<hbm>> -> memref<12288xf32, #tpu.memory_space<hbm>>
      tpu.wait_dma2 semaphore(%run_scoped3A : memref<!tpu.dma_semaphore, #tpu.memory_space<semaphore_mem>>) src(%arg20 : memref<12288xf32, #tpu.memory_space<vmem>>) dst(%dma_wait3A_31 : memref<12288xf32, #tpu.memory_space<hbm>>)
      tpu.yield
    }) : () -> ()
    "tpu.region"() ({
      %run_scoped3A = tpu.sem_alloc : memref<!tpu.dma_semaphore, #tpu.memory_space<semaphore_mem>>
      %dma_start3A = tpu.memref_slice %arg11[%mul3A_29] : memref<393216xf32, #tpu.memory_space<hbm>> -> memref<12288xf32, #tpu.memory_space<hbm>>
      %dma_start3A_30 = tpu.memref_slice %arg11[%mul3A_29] : memref<393216xf32, #tpu.memory_space<hbm>> -> memref<12288xf32, #tpu.memory_space<hbm>>
      tpu.enqueue_dma source(%arg21 : memref<12288xf32, #tpu.memory_space<vmem>>) target(%dma_start3A_30 : memref<12288xf32, #tpu.memory_space<hbm>>) target_semaphore(%run_scoped3A : memref<!tpu.dma_semaphore, #tpu.memory_space<semaphore_mem>>)
      %dma_wait3A = tpu.memref_slice %arg11[%mul3A_29] : memref<393216xf32, #tpu.memory_space<hbm>> -> memref<12288xf32, #tpu.memory_space<hbm>>
      %dma_wait3A_31 = tpu.memref_slice %arg11[%mul3A_29] : memref<393216xf32, #tpu.memory_space<hbm>> -> memref<12288xf32, #tpu.memory_space<hbm>>
      tpu.wait_dma2 semaphore(%run_scoped3A : memref<!tpu.dma_semaphore, #tpu.memory_space<semaphore_mem>>) src(%arg21 : memref<12288xf32, #tpu.memory_space<vmem>>) dst(%dma_wait3A_31 : memref<12288xf32, #tpu.memory_space<hbm>>)
      tpu.yield
    }) : () -> ()
    return
  }
}

module attributes {stable_mosaic.version = 14 : i64} {
  func.func @_ctx_body(%arg0: i32, %arg1: memref<512x3xf32, #tpu.memory_space<vmem>>, %arg2: memref<8x2xf32, #tpu.memory_space<vmem>>, %arg3: memref<64x256xf32, #tpu.memory_space<vmem>>, %arg4: memref<2x256xf32, #tpu.memory_space<vmem>>, %arg5: memref<1x256xf32, #tpu.memory_space<vmem>>, %arg6: memref<1x256xf32, #tpu.memory_space<vmem>>) attributes {dimension_semantics = [#tpu.dimension_semantics<arbitrary>], iteration_bounds = array<i64: 8>, scalar_prefetch = 0 : i64, scratch_operands = 1 : i64, tpu.core_type = #tpu.core_type<tc>, window_params = [{transform_indices = @transform_0, window_bounds = array<i64: 512, 3>}, {pipeline_mode = #tpu.pipeline_mode<synchronous>, transform_indices = @transform_1, window_bounds = array<i64: 8, 2>}, {pipeline_mode = #tpu.pipeline_mode<synchronous>, transform_indices = @transform_2, window_bounds = array<i64: 64, 256>}, {pipeline_mode = #tpu.pipeline_mode<synchronous>, transform_indices = @transform_3, window_bounds = array<i64: 2, 256>}, {pipeline_mode = #tpu.pipeline_mode<synchronous>, transform_indices = @transform_4, window_bounds = array<i64: 1, 256>}]} {
    %eq3A = arith.constant 0 : i32
    %eq3A_0 = arith.cmpi eq, %arg0, %eq3A : i32
    %convert_element_type3A = arith.extui %eq3A_0 : i1 to i32
    %cond3A = arith.constant 0 : i32
    %cond3A_1 = arith.cmpi ne, %convert_element_type3A, %cond3A : i32
    scf.if %cond3A_1 {
      %get3A_44 = arith.constant 0 : index
      %get3A_45 = arith.constant 0 : index
      %get3A_46 = vector.load %arg2[%get3A_44, %get3A_45] : memref<8x2xf32, #tpu.memory_space<vmem>>, vector<8x2xf32>
      %get3A_47 = arith.constant 0 : index
      %get3A_48 = arith.constant 0 : index
      %get3A_49 = vector.load %arg4[%get3A_47, %get3A_48] : memref<2x256xf32, #tpu.memory_space<vmem>>, vector<2x256xf32>
      %dot_general3A_50 = arith.constant dense<0.000000e+00> : vector<8x256xf32>
      %dot_general3A_51 = tpu.matmul %get3A_46, %get3A_49, %dot_general3A_50 {dimension_numbers = #tpu.dot_dimension_numbers<[1], [0], [0], [1], [0, 0, 1, 1], [], []>, transpose_lhs_hint = false} : vector<8x2xf32>, vector<2x256xf32>, vector<8x256xf32> -> vector<8x256xf32>
      %max3A = arith.constant 0.000000e+00 : f32
      %max3A_52 = vector.broadcast %max3A : f32 to vector<8x256xf32>
      %max3A_53 = arith.maximumf %dot_general3A_51, %max3A_52 : vector<8x256xf32>
      %reduce_sum3A_54 = arith.constant dense<0.000000e+00> : vector<256xf32>
      %reduce_sum3A_55 = vector.multi_reduction <add>, %max3A_53, %reduce_sum3A_54 [0] : vector<8x256xf32> to vector<256xf32>
      %broadcast_in_dim3A_56 = vector.shape_cast %reduce_sum3A_55 : vector<256xf32> to vector<1x256xf32>
      %mul3A_57 = arith.constant 2.500000e-01 : f32
      %mul3A_58 = vector.broadcast %mul3A_57 : f32 to vector<1x256xf32>
      %mul3A_59 = arith.mulf %broadcast_in_dim3A_56, %mul3A_58 : vector<1x256xf32>
      %swap3A_60 = arith.constant 0 : index
      %swap3A_61 = arith.constant 0 : index
      %swap3A_62 = vector.load %arg6[%swap3A_60, %swap3A_61] : memref<1x256xf32, #tpu.memory_space<vmem>>, vector<1x256xf32>
      tpu.vector_store %arg6[%swap3A_60, %swap3A_61], %mul3A_59 {strides = array<i32>} : memref<1x256xf32, #tpu.memory_space<vmem>>, vector<1x256xf32>,
    } else {
    }
    %get3A = arith.constant 0 : index
    %get3A_2 = arith.constant 0 : index
    %get3A_3 = vector.load %arg1[%get3A, %get3A_2] : memref<512x3xf32, #tpu.memory_space<vmem>>, vector<512x3xf32>
    %iota3A = tpu.iota {dimensions = array<i32: 1>} : vector<1x8xi32>
    %shift_left3A = arith.constant 1 : i32
    %shift_left3A_4 = vector.broadcast %shift_left3A : i32 to vector<1x8xi32>
    %shift_left3A_5 = arith.shli %shift_left3A_4, %iota3A : vector<1x8xi32>
    %convert_element_type3A_6 = arith.sitofp %shift_left3A_5 : vector<1x8xi32> to vector<1x8xf32>
    %mul3A = arith.constant 3.14159274 : f32
    %mul3A_7 = vector.broadcast %mul3A : f32 to vector<1x8xf32>
    %mul3A_8 = arith.mulf %convert_element_type3A_6, %mul3A_7 : vector<1x8xf32>
    %slice3A = vector.extract_strided_slice %get3A_3 {offsets = [0, 0], sizes = [512, 1], strides = [1, 1]} : vector<512x3xf32> to vector<512x1xf32>
    %mul3A_9 = vector.broadcast %slice3A : vector<512x1xf32> to vector<512x8xf32>
    %mul3A_10 = vector.broadcast %mul3A_8 : vector<1x8xf32> to vector<512x8xf32>
    %mul3A_11 = arith.mulf %mul3A_9, %mul3A_10 : vector<512x8xf32>
    %sin3A = math.sin %mul3A_11 : vector<512x8xf32>
    %cos3A = math.cos %mul3A_11 : vector<512x8xf32>
    %slice3A_12 = vector.extract_strided_slice %get3A_3 {offsets = [0, 1], sizes = [512, 1], strides = [1, 1]} : vector<512x3xf32> to vector<512x1xf32>
    %mul3A_13 = vector.broadcast %slice3A_12 : vector<512x1xf32> to vector<512x8xf32>
    %mul3A_14 = vector.broadcast %mul3A_8 : vector<1x8xf32> to vector<512x8xf32>
    %mul3A_15 = arith.mulf %mul3A_13, %mul3A_14 : vector<512x8xf32>
    %sin3A_16 = math.sin %mul3A_15 : vector<512x8xf32>
    %cos3A_17 = math.cos %mul3A_15 : vector<512x8xf32>
    %slice3A_18 = vector.extract_strided_slice %get3A_3 {offsets = [0, 2], sizes = [512, 1], strides = [1, 1]} : vector<512x3xf32> to vector<512x1xf32>
    %mul3A_19 = vector.broadcast %slice3A_18 : vector<512x1xf32> to vector<512x8xf32>
    %mul3A_20 = vector.broadcast %mul3A_8 : vector<1x8xf32> to vector<512x8xf32>
    %mul3A_21 = arith.mulf %mul3A_19, %mul3A_20 : vector<512x8xf32>
    %sin3A_22 = math.sin %mul3A_21 : vector<512x8xf32>
    %cos3A_23 = math.cos %mul3A_21 : vector<512x8xf32>
    %broadcast_in_dim3A = arith.constant 0.000000e+00 : f32
    %broadcast_in_dim3A_24 = vector.broadcast %broadcast_in_dim3A : f32 to vector<512x13xf32>
    %concatenate3A = tpu.concatenate %get3A_3, %sin3A, %cos3A, %sin3A_16, %cos3A_17, %sin3A_22, %cos3A_23, %broadcast_in_dim3A_24 in 1 : vector<512x3xf32>, vector<512x8xf32>, vector<512x8xf32>, vector<512x8xf32>, vector<512x8xf32>, vector<512x8xf32>, vector<512x8xf32>, vector<512x13xf32> -> vector<512x64xf32>
    %get3A_25 = arith.constant 0 : index
    %get3A_26 = arith.constant 0 : index
    %get3A_27 = vector.load %arg3[%get3A_25, %get3A_26] : memref<64x256xf32, #tpu.memory_space<vmem>>, vector<64x256xf32>
    %dot_general3A = arith.constant dense<0.000000e+00> : vector<512x256xf32>
    %dot_general3A_28 = tpu.matmul %concatenate3A, %get3A_27, %dot_general3A {dimension_numbers = #tpu.dot_dimension_numbers<[1], [0], [0], [1], [0, 0, 1, 1], [], []>, transpose_lhs_hint = false} : vector<512x64xf32>, vector<64x256xf32>, vector<512x256xf32> -> vector<512x256xf32>
    %get3A_29 = arith.constant 0 : index
    %get3A_30 = arith.constant 0 : index
    %get3A_31 = vector.load %arg6[%get3A_29, %get3A_30] : memref<1x256xf32, #tpu.memory_space<vmem>>, vector<1x256xf32>
    %reduce_sum3A = arith.constant dense<0.000000e+00> : vector<256xf32>
    %reduce_sum3A_32 = vector.multi_reduction <add>, %dot_general3A_28, %reduce_sum3A [0] : vector<512x256xf32> to vector<256xf32>
    %broadcast_in_dim3A_33 = vector.shape_cast %reduce_sum3A_32 : vector<256xf32> to vector<1x256xf32>
    %mul3A_34 = arith.constant 2.44140625E-4 : f32
    %mul3A_35 = vector.broadcast %mul3A_34 : f32 to vector<1x256xf32>
    %mul3A_36 = arith.mulf %broadcast_in_dim3A_33, %mul3A_35 : vector<1x256xf32>
    %add3A = arith.addf %get3A_31, %mul3A_36 : vector<1x256xf32>
    %swap3A = arith.constant 0 : index
    %swap3A_37 = arith.constant 0 : index
    %swap3A_38 = vector.load %arg6[%swap3A, %swap3A_37] : memref<1x256xf32, #tpu.memory_space<vmem>>, vector<1x256xf32>
    tpu.vector_store %arg6[%swap3A, %swap3A_37], %add3A {strides = array<i32>} : memref<1x256xf32, #tpu.memory_space<vmem>>, vector<1x256xf32>,
    %eq3A_39 = arith.constant 7 : i32
    %eq3A_40 = arith.cmpi eq, %arg0, %eq3A_39 : i32
    %convert_element_type3A_41 = arith.extui %eq3A_40 : i1 to i32
    %cond3A_42 = arith.constant 0 : i32
    %cond3A_43 = arith.cmpi ne, %convert_element_type3A_41, %cond3A_42 : i32
    scf.if %cond3A_43 {
      %get3A_44 = arith.constant 0 : index
      %get3A_45 = arith.constant 0 : index
      %get3A_46 = vector.load %arg6[%get3A_44, %get3A_45] : memref<1x256xf32, #tpu.memory_space<vmem>>, vector<1x256xf32>
      %swap3A_47 = arith.constant 0 : index
      %swap3A_48 = arith.constant 0 : index
      %swap3A_49 = vector.load %arg5[%swap3A_47, %swap3A_48] : memref<1x256xf32, #tpu.memory_space<vmem>>, vector<1x256xf32>
      tpu.vector_store %arg5[%swap3A_47, %swap3A_48], %get3A_46 {strides = array<i32>} : memref<1x256xf32, #tpu.memory_space<vmem>>, vector<1x256xf32>,
    } else {
    }
    return
  }
  func.func @transform_0(%arg0: i32) -> (i32, i32) {
    %c0_i32 = arith.constant 0 : i32
    %c0_i32_0 = arith.constant 0 : i32
    return %arg0, %c0_i32 : i32, i32
  }
  func.func @transform_1(%arg0: i32) -> (i32, i32) {
    %c0_i32 = arith.constant 0 : i32
    %c0_i32_0 = arith.constant 0 : i32
    %c0_i32_1 = arith.constant 0 : i32
    return %c0_i32, %c0_i32_0 : i32, i32
  }
  func.func @transform_2(%arg0: i32) -> (i32, i32) {
    %c0_i32 = arith.constant 0 : i32
    %c0_i32_0 = arith.constant 0 : i32
    %c0_i32_1 = arith.constant 0 : i32
    return %c0_i32, %c0_i32_0 : i32, i32
  }
  func.func @transform_3(%arg0: i32) -> (i32, i32) {
    %c0_i32 = arith.constant 0 : i32
    %c0_i32_0 = arith.constant 0 : i32
    %c0_i32_1 = arith.constant 0 : i32
    return %c0_i32, %c0_i32_0 : i32, i32
  }
  func.func @transform_4(%arg0: i32) -> (i32, i32) {
    %c0_i32 = arith.constant 0 : i32
    %c0_i32_0 = arith.constant 0 : i32
    %c0_i32_1 = arith.constant 0 : i32
    return %c0_i32, %c0_i32_0 : i32, i32
  }
}

module attributes {stable_mosaic.version = 14 : i64} {
  func.func @_trunk_body(%arg0: i32, %arg1: memref<256x3xf32, #tpu.memory_space<vmem>>, %arg2: memref<256x32xf32, #tpu.memory_space<vmem>>, %arg3: memref<256x32xf32, #tpu.memory_space<vmem>>, %arg4: memref<256x32xf32, #tpu.memory_space<vmem>>, %arg5: memref<256x32xf32, #tpu.memory_space<vmem>>, %arg6: memref<1x256xf32, #tpu.memory_space<vmem>>, %arg7: memref<128x4096xf32, #tpu.memory_space<vmem>>, %arg8: memref<128x256xf32, #tpu.memory_space<vmem>>, %arg9: memref<64x256xf32, #tpu.memory_space<vmem>>, %arg10: memref<4x256x256xf32, #tpu.memory_space<vmem>>, %arg11: memref<4x256x256xf32, #tpu.memory_space<vmem>>, %arg12: memref<256x5xf32, #tpu.memory_space<vmem>>, %arg13: memref<1x5xf32, #tpu.memory_space<vmem>>, %arg14: memref<256x4xf32, #tpu.memory_space<vmem>>, %arg15: memref<1x4xf32, #tpu.memory_space<vmem>>, %arg16: memref<256x5xf32, #tpu.memory_space<vmem>>, %arg17: memref<256x4xf32, #tpu.memory_space<vmem>>) attributes {dimension_semantics = [#tpu.dimension_semantics<parallel>], iteration_bounds = array<i64: 48>, scalar_prefetch = 0 : i64, scratch_operands = 0 : i64, tpu.core_type = #tpu.core_type<tc>, window_params = [{transform_indices = @transform_0, window_bounds = array<i64: 256, 3>}, {transform_indices = @transform_1, window_bounds = array<i64: 256, 32>}, {transform_indices = @transform_2, window_bounds = array<i64: 256, 32>}, {transform_indices = @transform_3, window_bounds = array<i64: 256, 32>}, {transform_indices = @transform_4, window_bounds = array<i64: 256, 32>}, {pipeline_mode = #tpu.pipeline_mode<synchronous>, transform_indices = @transform_5, window_bounds = array<i64: 1, 256>}, {pipeline_mode = #tpu.pipeline_mode<synchronous>, transform_indices = @transform_6, window_bounds = array<i64: 128, 4096>}, {pipeline_mode = #tpu.pipeline_mode<synchronous>, transform_indices = @transform_7, window_bounds = array<i64: 128, 256>}, {pipeline_mode = #tpu.pipeline_mode<synchronous>, transform_indices = @transform_8, window_bounds = array<i64: 64, 256>}, {pipeline_mode = #tpu.pipeline_mode<synchronous>, transform_indices = @transform_9, window_bounds = array<i64: 4, 256, 256>}, {pipeline_mode = #tpu.pipeline_mode<synchronous>, transform_indices = @transform_10, window_bounds = array<i64: 4, 256, 256>}, {pipeline_mode = #tpu.pipeline_mode<synchronous>, transform_indices = @transform_11, window_bounds = array<i64: 256, 5>}, {pipeline_mode = #tpu.pipeline_mode<synchronous>, transform_indices = @transform_12, window_bounds = array<i64: 1, 5>}, {pipeline_mode = #tpu.pipeline_mode<synchronous>, transform_indices = @transform_13, window_bounds = array<i64: 256, 4>}, {pipeline_mode = #tpu.pipeline_mode<synchronous>, transform_indices = @transform_14, window_bounds = array<i64: 1, 4>}, {transform_indices = @transform_15, window_bounds = array<i64: 256, 5>}, {transform_indices = @transform_16, window_bounds = array<i64: 256, 4>}]} {
    %get3A = arith.constant 0 : index
    %get3A_0 = arith.constant 0 : index
    %get3A_1 = vector.load %arg1[%get3A, %get3A_0] : memref<256x3xf32, #tpu.memory_space<vmem>>, vector<256x3xf32>
    %get3A_2 = arith.constant 0 : index
    %get3A_3 = arith.constant 0 : index
    %get3A_4 = vector.load %arg2[%get3A_2, %get3A_3] : memref<256x32xf32, #tpu.memory_space<vmem>>, vector<256x32xf32>
    %slice3A = vector.extract_strided_slice %get3A_1 {offsets = [0, 0], sizes = [256, 1], strides = [1, 1]} : vector<256x3xf32> to vector<256x1xf32>
    %sub3A = vector.broadcast %slice3A : vector<256x1xf32> to vector<256x32xf32>
    %sub3A_5 = arith.subf %get3A_4, %sub3A : vector<256x32xf32>
    %get3A_6 = arith.constant 0 : index
    %get3A_7 = arith.constant 0 : index
    %get3A_8 = vector.load %arg3[%get3A_6, %get3A_7] : memref<256x32xf32, #tpu.memory_space<vmem>>, vector<256x32xf32>
    %slice3A_9 = vector.extract_strided_slice %get3A_1 {offsets = [0, 1], sizes = [256, 1], strides = [1, 1]} : vector<256x3xf32> to vector<256x1xf32>
    %sub3A_10 = vector.broadcast %slice3A_9 : vector<256x1xf32> to vector<256x32xf32>
    %sub3A_11 = arith.subf %get3A_8, %sub3A_10 : vector<256x32xf32>
    %get3A_12 = arith.constant 0 : index
    %get3A_13 = arith.constant 0 : index
    %get3A_14 = vector.load %arg4[%get3A_12, %get3A_13] : memref<256x32xf32, #tpu.memory_space<vmem>>, vector<256x32xf32>
    %slice3A_15 = vector.extract_strided_slice %get3A_1 {offsets = [0, 2], sizes = [256, 1], strides = [1, 1]} : vector<256x3xf32> to vector<256x1xf32>
    %sub3A_16 = vector.broadcast %slice3A_15 : vector<256x1xf32> to vector<256x32xf32>
    %sub3A_17 = arith.subf %get3A_14, %sub3A_16 : vector<256x32xf32>
    %get3A_18 = arith.constant 0 : index
    %get3A_19 = arith.constant 0 : index
    %get3A_20 = vector.load %arg5[%get3A_18, %get3A_19] : memref<256x32xf32, #tpu.memory_space<vmem>>, vector<256x32xf32>
    %sqrt3A = math.sqrt %get3A_20 : vector<256x32xf32>
    %le3A = arith.constant 5.000000e-02 : f32
    %le3A_21 = vector.broadcast %le3A : f32 to vector<256x32xf32>
    %le3A_22 = arith.cmpf ole, %sqrt3A, %le3A_21 : vector<256x32xf32>
    %le3A_23 = arith.constant 2.500000e-01 : f32
    %le3A_24 = vector.broadcast %le3A_23 : f32 to vector<256x32xf32>
    %le3A_25 = arith.cmpf ole, %sqrt3A, %le3A_24 : vector<256x32xf32>
    %concatenate3A = tpu.concatenate %sub3A_5, %sub3A_11, %sub3A_17, %sqrt3A in 1 : vector<256x32xf32>, vector<256x32xf32>, vector<256x32xf32>, vector<256x32xf32> -> vector<256x128xf32>
    %get3A_26 = arith.constant 0 : index
    %get3A_27 = arith.constant 0 : index
    %get3A_28 = vector.load %arg7[%get3A_26, %get3A_27] : memref<128x4096xf32, #tpu.memory_space<vmem>>, vector<128x4096xf32>
    %dot_general3A = arith.constant dense<0.000000e+00> : vector<256x4096xf32>
    %dot_general3A_29 = tpu.matmul %concatenate3A, %get3A_28, %dot_general3A {dimension_numbers = #tpu.dot_dimension_numbers<[1], [0], [0], [1], [0, 0, 1, 1], [], []>, transpose_lhs_hint = false} : vector<256x128xf32>, vector<128x4096xf32>, vector<256x4096xf32> -> vector<256x4096xf32>
    %max3A = arith.constant 0.000000e+00 : f32
    %max3A_30 = vector.broadcast %max3A : f32 to vector<256x4096xf32>
    %max3A_31 = arith.maximumf %dot_general3A_29, %max3A_30 : vector<256x4096xf32>
    %broadcast_in_dim3A = arith.constant 0.000000e+00 : f32
    %broadcast_in_dim3A_32 = vector.broadcast %broadcast_in_dim3A : f32 to vector<256x64xf32>
    %broadcast_in_dim3A_33 = arith.constant 0.000000e+00 : f32
    %broadcast_in_dim3A_34 = vector.broadcast %broadcast_in_dim3A_33 : f32 to vector<256x64xf32>
    %slice3A_35 = vector.extract_strided_slice %max3A_31 {offsets = [0, 0], sizes = [256, 128], strides = [1, 1]} : vector<256x4096xf32> to vector<256x128xf32>
    %slice3A_36 = vector.extract_strided_slice %le3A_25 {offsets = [0, 0], sizes = [256, 1], strides = [1, 1]} : vector<256x32xi1> to vector<256x1xi1>
    %broadcast_in_dim3A_37 = vector.shape_cast %slice3A_36 : vector<256x1xi1> to vector<256x1xi1>
    %broadcast_in_dim3A_38 = vector.broadcast %broadcast_in_dim3A_37 : vector<256x1xi1> to vector<256x64xi1>
    %slice3A_39 = vector.extract_strided_slice %slice3A_35 {offsets = [0, 64], sizes = [256, 64], strides = [1, 1]} : vector<256x128xf32> to vector<256x64xf32>
    %jit3A = arith.constant 0.000000e+00 : f32
    %broadcast_in_dim3A_40 = vector.broadcast %jit3A : f32 to vector<256x64xf32>
    %select_n3A = arith.select %broadcast_in_dim3A_38, %slice3A_39, %broadcast_in_dim3A_40 : vector<256x64xi1>, vector<256x64xf32>
    %max3A_41 = arith.maximumf %broadcast_in_dim3A_34, %select_n3A : vector<256x64xf32>
    %slice3A_42 = vector.extract_strided_slice %le3A_22 {offsets = [0, 0], sizes = [256, 1], strides = [1, 1]} : vector<256x32xi1> to vector<256x1xi1>
    %broadcast_in_dim3A_43 = vector.shape_cast %slice3A_42 : vector<256x1xi1> to vector<256x1xi1>
    %broadcast_in_dim3A_44 = vector.broadcast %broadcast_in_dim3A_43 : vector<256x1xi1> to vector<256x64xi1>
    %slice3A_45 = vector.extract_strided_slice %slice3A_35 {offsets = [0, 0], sizes = [256, 64], strides = [1, 1]} : vector<256x128xf32> to vector<256x64xf32>
    %jit3A_46 = arith.constant 0.000000e+00 : f32
    %broadcast_in_dim3A_47 = vector.broadcast %jit3A_46 : f32 to vector<256x64xf32>
    %select_n3A_48 = arith.select %broadcast_in_dim3A_44, %slice3A_45, %broadcast_in_dim3A_47 : vector<256x64xi1>, vector<256x64xf32>
    %max3A_49 = arith.maximumf %broadcast_in_dim3A_32, %select_n3A_48 : vector<256x64xf32>
    %slice3A_50 = vector.extract_strided_slice %max3A_31 {offsets = [0, 128], sizes = [256, 128], strides = [1, 1]} : vector<256x4096xf32> to vector<256x128xf32>
    %slice3A_51 = vector.extract_strided_slice %le3A_25 {offsets = [0, 1], sizes = [256, 1], strides = [1, 1]} : vector<256x32xi1> to vector<256x1xi1>
    %broadcast_in_dim3A_52 = vector.shape_cast %slice3A_51 : vector<256x1xi1> to vector<256x1xi1>
    %broadcast_in_dim3A_53 = vector.broadcast %broadcast_in_dim3A_52 : vector<256x1xi1> to vector<256x64xi1>
    %slice3A_54 = vector.extract_strided_slice %slice3A_50 {offsets = [0, 64], sizes = [256, 64], strides = [1, 1]} : vector<256x128xf32> to vector<256x64xf32>
    %jit3A_55 = arith.constant 0.000000e+00 : f32
    %broadcast_in_dim3A_56 = vector.broadcast %jit3A_55 : f32 to vector<256x64xf32>
    %select_n3A_57 = arith.select %broadcast_in_dim3A_53, %slice3A_54, %broadcast_in_dim3A_56 : vector<256x64xi1>, vector<256x64xf32>
    %max3A_58 = arith.maximumf %max3A_41, %select_n3A_57 : vector<256x64xf32>
    %slice3A_59 = vector.extract_strided_slice %le3A_22 {offsets = [0, 1], sizes = [256, 1], strides = [1, 1]} : vector<256x32xi1> to vector<256x1xi1>
    %broadcast_in_dim3A_60 = vector.shape_cast %slice3A_59 : vector<256x1xi1> to vector<256x1xi1>
    %broadcast_in_dim3A_61 = vector.broadcast %broadcast_in_dim3A_60 : vector<256x1xi1> to vector<256x64xi1>
    %slice3A_62 = vector.extract_strided_slice %slice3A_50 {offsets = [0, 0], sizes = [256, 64], strides = [1, 1]} : vector<256x128xf32> to vector<256x64xf32>
    %jit3A_63 = arith.constant 0.000000e+00 : f32
    %broadcast_in_dim3A_64 = vector.broadcast %jit3A_63 : f32 to vector<256x64xf32>
    %select_n3A_65 = arith.select %broadcast_in_dim3A_61, %slice3A_62, %broadcast_in_dim3A_64 : vector<256x64xi1>, vector<256x64xf32>
    %max3A_66 = arith.maximumf %max3A_49, %select_n3A_65 : vector<256x64xf32>
    %slice3A_67 = vector.extract_strided_slice %max3A_31 {offsets = [0, 256], sizes = [256, 128], strides = [1, 1]} : vector<256x4096xf32> to vector<256x128xf32>
    %slice3A_68 = vector.extract_strided_slice %le3A_25 {offsets = [0, 2], sizes = [256, 1], strides = [1, 1]} : vector<256x32xi1> to vector<256x1xi1>
    %broadcast_in_dim3A_69 = vector.shape_cast %slice3A_68 : vector<256x1xi1> to vector<256x1xi1>
    %broadcast_in_dim3A_70 = vector.broadcast %broadcast_in_dim3A_69 : vector<256x1xi1> to vector<256x64xi1>
    %slice3A_71 = vector.extract_strided_slice %slice3A_67 {offsets = [0, 64], sizes = [256, 64], strides = [1, 1]} : vector<256x128xf32> to vector<256x64xf32>
    %jit3A_72 = arith.constant 0.000000e+00 : f32
    %broadcast_in_dim3A_73 = vector.broadcast %jit3A_72 : f32 to vector<256x64xf32>
    %select_n3A_74 = arith.select %broadcast_in_dim3A_70, %slice3A_71, %broadcast_in_dim3A_73 : vector<256x64xi1>, vector<256x64xf32>
    %max3A_75 = arith.maximumf %max3A_58, %select_n3A_74 : vector<256x64xf32>
    %slice3A_76 = vector.extract_strided_slice %le3A_22 {offsets = [0, 2], sizes = [256, 1], strides = [1, 1]} : vector<256x32xi1> to vector<256x1xi1>
    %broadcast_in_dim3A_77 = vector.shape_cast %slice3A_76 : vector<256x1xi1> to vector<256x1xi1>
    %broadcast_in_dim3A_78 = vector.broadcast %broadcast_in_dim3A_77 : vector<256x1xi1> to vector<256x64xi1>
    %slice3A_79 = vector.extract_strided_slice %slice3A_67 {offsets = [0, 0], sizes = [256, 64], strides = [1, 1]} : vector<256x128xf32> to vector<256x64xf32>
    %jit3A_80 = arith.constant 0.000000e+00 : f32
    %broadcast_in_dim3A_81 = vector.broadcast %jit3A_80 : f32 to vector<256x64xf32>
    %select_n3A_82 = arith.select %broadcast_in_dim3A_78, %slice3A_79, %broadcast_in_dim3A_81 : vector<256x64xi1>, vector<256x64xf32>
    %max3A_83 = arith.maximumf %max3A_66, %select_n3A_82 : vector<256x64xf32>
    %slice3A_84 = vector.extract_strided_slice %max3A_31 {offsets = [0, 384], sizes = [256, 128], strides = [1, 1]} : vector<256x4096xf32> to vector<256x128xf32>
    %slice3A_85 = vector.extract_strided_slice %le3A_25 {offsets = [0, 3], sizes = [256, 1], strides = [1, 1]} : vector<256x32xi1> to vector<256x1xi1>
    %broadcast_in_dim3A_86 = vector.shape_cast %slice3A_85 : vector<256x1xi1> to vector<256x1xi1>
    %broadcast_in_dim3A_87 = vector.broadcast %broadcast_in_dim3A_86 : vector<256x1xi1> to vector<256x64xi1>
    %slice3A_88 = vector.extract_strided_slice %slice3A_84 {offsets = [0, 64], sizes = [256, 64], strides = [1, 1]} : vector<256x128xf32> to vector<256x64xf32>
    %jit3A_89 = arith.constant 0.000000e+00 : f32
    %broadcast_in_dim3A_90 = vector.broadcast %jit3A_89 : f32 to vector<256x64xf32>
    %select_n3A_91 = arith.select %broadcast_in_dim3A_87, %slice3A_88, %broadcast_in_dim3A_90 : vector<256x64xi1>, vector<256x64xf32>
    %max3A_92 = arith.maximumf %max3A_75, %select_n3A_91 : vector<256x64xf32>
    %slice3A_93 = vector.extract_strided_slice %le3A_22 {offsets = [0, 3], sizes = [256, 1], strides = [1, 1]} : vector<256x32xi1> to vector<256x1xi1>
    %broadcast_in_dim3A_94 = vector.shape_cast %slice3A_93 : vector<256x1xi1> to vector<256x1xi1>
    %broadcast_in_dim3A_95 = vector.broadcast %broadcast_in_dim3A_94 : vector<256x1xi1> to vector<256x64xi1>
    %slice3A_96 = vector.extract_strided_slice %slice3A_84 {offsets = [0, 0], sizes = [256, 64], strides = [1, 1]} : vector<256x128xf32> to vector<256x64xf32>
    %jit3A_97 = arith.constant 0.000000e+00 : f32
    %broadcast_in_dim3A_98 = vector.broadcast %jit3A_97 : f32 to vector<256x64xf32>
    %select_n3A_99 = arith.select %broadcast_in_dim3A_95, %slice3A_96, %broadcast_in_dim3A_98 : vector<256x64xi1>, vector<256x64xf32>
    %max3A_100 = arith.maximumf %max3A_83, %select_n3A_99 : vector<256x64xf32>
    %slice3A_101 = vector.extract_strided_slice %max3A_31 {offsets = [0, 512], sizes = [256, 128], strides = [1, 1]} : vector<256x4096xf32> to vector<256x128xf32>
    %slice3A_102 = vector.extract_strided_slice %le3A_25 {offsets = [0, 4], sizes = [256, 1], strides = [1, 1]} : vector<256x32xi1> to vector<256x1xi1>
    %broadcast_in_dim3A_103 = vector.shape_cast %slice3A_102 : vector<256x1xi1> to vector<256x1xi1>
    %broadcast_in_dim3A_104 = vector.broadcast %broadcast_in_dim3A_103 : vector<256x1xi1> to vector<256x64xi1>
    %slice3A_105 = vector.extract_strided_slice %slice3A_101 {offsets = [0, 64], sizes = [256, 64], strides = [1, 1]} : vector<256x128xf32> to vector<256x64xf32>
    %jit3A_106 = arith.constant 0.000000e+00 : f32
    %broadcast_in_dim3A_107 = vector.broadcast %jit3A_106 : f32 to vector<256x64xf32>
    %select_n3A_108 = arith.select %broadcast_in_dim3A_104, %slice3A_105, %broadcast_in_dim3A_107 : vector<256x64xi1>, vector<256x64xf32>
    %max3A_109 = arith.maximumf %max3A_92, %select_n3A_108 : vector<256x64xf32>
    %slice3A_110 = vector.extract_strided_slice %le3A_22 {offsets = [0, 4], sizes = [256, 1], strides = [1, 1]} : vector<256x32xi1> to vector<256x1xi1>
    %broadcast_in_dim3A_111 = vector.shape_cast %slice3A_110 : vector<256x1xi1> to vector<256x1xi1>
    %broadcast_in_dim3A_112 = vector.broadcast %broadcast_in_dim3A_111 : vector<256x1xi1> to vector<256x64xi1>
    %slice3A_113 = vector.extract_strided_slice %slice3A_101 {offsets = [0, 0], sizes = [256, 64], strides = [1, 1]} : vector<256x128xf32> to vector<256x64xf32>
    %jit3A_114 = arith.constant 0.000000e+00 : f32
    %broadcast_in_dim3A_115 = vector.broadcast %jit3A_114 : f32 to vector<256x64xf32>
    %select_n3A_116 = arith.select %broadcast_in_dim3A_112, %slice3A_113, %broadcast_in_dim3A_115 : vector<256x64xi1>, vector<256x64xf32>
    %max3A_117 = arith.maximumf %max3A_100, %select_n3A_116 : vector<256x64xf32>
    %slice3A_118 = vector.extract_strided_slice %max3A_31 {offsets = [0, 640], sizes = [256, 128], strides = [1, 1]} : vector<256x4096xf32> to vector<256x128xf32>
    %slice3A_119 = vector.extract_strided_slice %le3A_25 {offsets = [0, 5], sizes = [256, 1], strides = [1, 1]} : vector<256x32xi1> to vector<256x1xi1>
    %broadcast_in_dim3A_120 = vector.shape_cast %slice3A_119 : vector<256x1xi1> to vector<256x1xi1>
    %broadcast_in_dim3A_121 = vector.broadcast %broadcast_in_dim3A_120 : vector<256x1xi1> to vector<256x64xi1>
    %slice3A_122 = vector.extract_strided_slice %slice3A_118 {offsets = [0, 64], sizes = [256, 64], strides = [1, 1]} : vector<256x128xf32> to vector<256x64xf32>
    %jit3A_123 = arith.constant 0.000000e+00 : f32
    %broadcast_in_dim3A_124 = vector.broadcast %jit3A_123 : f32 to vector<256x64xf32>
    %select_n3A_125 = arith.select %broadcast_in_dim3A_121, %slice3A_122, %broadcast_in_dim3A_124 : vector<256x64xi1>, vector<256x64xf32>
    %max3A_126 = arith.maximumf %max3A_109, %select_n3A_125 : vector<256x64xf32>
    %slice3A_127 = vector.extract_strided_slice %le3A_22 {offsets = [0, 5], sizes = [256, 1], strides = [1, 1]} : vector<256x32xi1> to vector<256x1xi1>
    %broadcast_in_dim3A_128 = vector.shape_cast %slice3A_127 : vector<256x1xi1> to vector<256x1xi1>
    %broadcast_in_dim3A_129 = vector.broadcast %broadcast_in_dim3A_128 : vector<256x1xi1> to vector<256x64xi1>
    %slice3A_130 = vector.extract_strided_slice %slice3A_118 {offsets = [0, 0], sizes = [256, 64], strides = [1, 1]} : vector<256x128xf32> to vector<256x64xf32>
    %jit3A_131 = arith.constant 0.000000e+00 : f32
    %broadcast_in_dim3A_132 = vector.broadcast %jit3A_131 : f32 to vector<256x64xf32>
    %select_n3A_133 = arith.select %broadcast_in_dim3A_129, %slice3A_130, %broadcast_in_dim3A_132 : vector<256x64xi1>, vector<256x64xf32>
    %max3A_134 = arith.maximumf %max3A_117, %select_n3A_133 : vector<256x64xf32>
    %slice3A_135 = vector.extract_strided_slice %max3A_31 {offsets = [0, 768], sizes = [256, 128], strides = [1, 1]} : vector<256x4096xf32> to vector<256x128xf32>
    %slice3A_136 = vector.extract_strided_slice %le3A_25 {offsets = [0, 6], sizes = [256, 1], strides = [1, 1]} : vector<256x32xi1> to vector<256x1xi1>
    %broadcast_in_dim3A_137 = vector.shape_cast %slice3A_136 : vector<256x1xi1> to vector<256x1xi1>
    %broadcast_in_dim3A_138 = vector.broadcast %broadcast_in_dim3A_137 : vector<256x1xi1> to vector<256x64xi1>
    %slice3A_139 = vector.extract_strided_slice %slice3A_135 {offsets = [0, 64], sizes = [256, 64], strides = [1, 1]} : vector<256x128xf32> to vector<256x64xf32>
    %jit3A_140 = arith.constant 0.000000e+00 : f32
    %broadcast_in_dim3A_141 = vector.broadcast %jit3A_140 : f32 to vector<256x64xf32>
    %select_n3A_142 = arith.select %broadcast_in_dim3A_138, %slice3A_139, %broadcast_in_dim3A_141 : vector<256x64xi1>, vector<256x64xf32>
    %max3A_143 = arith.maximumf %max3A_126, %select_n3A_142 : vector<256x64xf32>
    %slice3A_144 = vector.extract_strided_slice %le3A_22 {offsets = [0, 6], sizes = [256, 1], strides = [1, 1]} : vector<256x32xi1> to vector<256x1xi1>
    %broadcast_in_dim3A_145 = vector.shape_cast %slice3A_144 : vector<256x1xi1> to vector<256x1xi1>
    %broadcast_in_dim3A_146 = vector.broadcast %broadcast_in_dim3A_145 : vector<256x1xi1> to vector<256x64xi1>
    %slice3A_147 = vector.extract_strided_slice %slice3A_135 {offsets = [0, 0], sizes = [256, 64], strides = [1, 1]} : vector<256x128xf32> to vector<256x64xf32>
    %jit3A_148 = arith.constant 0.000000e+00 : f32
    %broadcast_in_dim3A_149 = vector.broadcast %jit3A_148 : f32 to vector<256x64xf32>
    %select_n3A_150 = arith.select %broadcast_in_dim3A_146, %slice3A_147, %broadcast_in_dim3A_149 : vector<256x64xi1>, vector<256x64xf32>
    %max3A_151 = arith.maximumf %max3A_134, %select_n3A_150 : vector<256x64xf32>
    %slice3A_152 = vector.extract_strided_slice %max3A_31 {offsets = [0, 896], sizes = [256, 128], strides = [1, 1]} : vector<256x4096xf32> to vector<256x128xf32>
    %slice3A_153 = vector.extract_strided_slice %le3A_25 {offsets = [0, 7], sizes = [256, 1], strides = [1, 1]} : vector<256x32xi1> to vector<256x1xi1>
    %broadcast_in_dim3A_154 = vector.shape_cast %slice3A_153 : vector<256x1xi1> to vector<256x1xi1>
    %broadcast_in_dim3A_155 = vector.broadcast %broadcast_in_dim3A_154 : vector<256x1xi1> to vector<256x64xi1>
    %slice3A_156 = vector.extract_strided_slice %slice3A_152 {offsets = [0, 64], sizes = [256, 64], strides = [1, 1]} : vector<256x128xf32> to vector<256x64xf32>
    %jit3A_157 = arith.constant 0.000000e+00 : f32
    %broadcast_in_dim3A_158 = vector.broadcast %jit3A_157 : f32 to vector<256x64xf32>
    %select_n3A_159 = arith.select %broadcast_in_dim3A_155, %slice3A_156, %broadcast_in_dim3A_158 : vector<256x64xi1>, vector<256x64xf32>
    %max3A_160 = arith.maximumf %max3A_143, %select_n3A_159 : vector<256x64xf32>
    %slice3A_161 = vector.extract_strided_slice %le3A_22 {offsets = [0, 7], sizes = [256, 1], strides = [1, 1]} : vector<256x32xi1> to vector<256x1xi1>
    %broadcast_in_dim3A_162 = vector.shape_cast %slice3A_161 : vector<256x1xi1> to vector<256x1xi1>
    %broadcast_in_dim3A_163 = vector.broadcast %broadcast_in_dim3A_162 : vector<256x1xi1> to vector<256x64xi1>
    %slice3A_164 = vector.extract_strided_slice %slice3A_152 {offsets = [0, 0], sizes = [256, 64], strides = [1, 1]} : vector<256x128xf32> to vector<256x64xf32>
    %jit3A_165 = arith.constant 0.000000e+00 : f32
    %broadcast_in_dim3A_166 = vector.broadcast %jit3A_165 : f32 to vector<256x64xf32>
    %select_n3A_167 = arith.select %broadcast_in_dim3A_163, %slice3A_164, %broadcast_in_dim3A_166 : vector<256x64xi1>, vector<256x64xf32>
    %max3A_168 = arith.maximumf %max3A_151, %select_n3A_167 : vector<256x64xf32>
    %slice3A_169 = vector.extract_strided_slice %max3A_31 {offsets = [0, 1024], sizes = [256, 128], strides = [1, 1]} : vector<256x4096xf32> to vector<256x128xf32>
    %slice3A_170 = vector.extract_strided_slice %le3A_25 {offsets = [0, 8], sizes = [256, 1], strides = [1, 1]} : vector<256x32xi1> to vector<256x1xi1>
    %broadcast_in_dim3A_171 = vector.shape_cast %slice3A_170 : vector<256x1xi1> to vector<256x1xi1>
    %broadcast_in_dim3A_172 = vector.broadcast %broadcast_in_dim3A_171 : vector<256x1xi1> to vector<256x64xi1>
    %slice3A_173 = vector.extract_strided_slice %slice3A_169 {offsets = [0, 64], sizes = [256, 64], strides = [1, 1]} : vector<256x128xf32> to vector<256x64xf32>
    %jit3A_174 = arith.constant 0.000000e+00 : f32
    %broadcast_in_dim3A_175 = vector.broadcast %jit3A_174 : f32 to vector<256x64xf32>
    %select_n3A_176 = arith.select %broadcast_in_dim3A_172, %slice3A_173, %broadcast_in_dim3A_175 : vector<256x64xi1>, vector<256x64xf32>
    %max3A_177 = arith.maximumf %max3A_160, %select_n3A_176 : vector<256x64xf32>
    %slice3A_178 = vector.extract_strided_slice %max3A_31 {offsets = [0, 1152], sizes = [256, 128], strides = [1, 1]} : vector<256x4096xf32> to vector<256x128xf32>
    %slice3A_179 = vector.extract_strided_slice %le3A_25 {offsets = [0, 9], sizes = [256, 1], strides = [1, 1]} : vector<256x32xi1> to vector<256x1xi1>
    %broadcast_in_dim3A_180 = vector.shape_cast %slice3A_179 : vector<256x1xi1> to vector<256x1xi1>
    %broadcast_in_dim3A_181 = vector.broadcast %broadcast_in_dim3A_180 : vector<256x1xi1> to vector<256x64xi1>
    %slice3A_182 = vector.extract_strided_slice %slice3A_178 {offsets = [0, 64], sizes = [256, 64], strides = [1, 1]} : vector<256x128xf32> to vector<256x64xf32>
    %jit3A_183 = arith.constant 0.000000e+00 : f32
    %broadcast_in_dim3A_184 = vector.broadcast %jit3A_183 : f32 to vector<256x64xf32>
    %select_n3A_185 = arith.select %broadcast_in_dim3A_181, %slice3A_182, %broadcast_in_dim3A_184 : vector<256x64xi1>, vector<256x64xf32>
    %max3A_186 = arith.maximumf %max3A_177, %select_n3A_185 : vector<256x64xf32>
    %slice3A_187 = vector.extract_strided_slice %max3A_31 {offsets = [0, 1280], sizes = [256, 128], strides = [1, 1]} : vector<256x4096xf32> to vector<256x128xf32>
    %slice3A_188 = vector.extract_strided_slice %le3A_25 {offsets = [0, 10], sizes = [256, 1], strides = [1, 1]} : vector<256x32xi1> to vector<256x1xi1>
    %broadcast_in_dim3A_189 = vector.shape_cast %slice3A_188 : vector<256x1xi1> to vector<256x1xi1>
    %broadcast_in_dim3A_190 = vector.broadcast %broadcast_in_dim3A_189 : vector<256x1xi1> to vector<256x64xi1>
    %slice3A_191 = vector.extract_strided_slice %slice3A_187 {offsets = [0, 64], sizes = [256, 64], strides = [1, 1]} : vector<256x128xf32> to vector<256x64xf32>
    %jit3A_192 = arith.constant 0.000000e+00 : f32
    %broadcast_in_dim3A_193 = vector.broadcast %jit3A_192 : f32 to vector<256x64xf32>
    %select_n3A_194 = arith.select %broadcast_in_dim3A_190, %slice3A_191, %broadcast_in_dim3A_193 : vector<256x64xi1>, vector<256x64xf32>
    %max3A_195 = arith.maximumf %max3A_186, %select_n3A_194 : vector<256x64xf32>
    %slice3A_196 = vector.extract_strided_slice %max3A_31 {offsets = [0, 1408], sizes = [256, 128], strides = [1, 1]} : vector<256x4096xf32> to vector<256x128xf32>
    %slice3A_197 = vector.extract_strided_slice %le3A_25 {offsets = [0, 11], sizes = [256, 1], strides = [1, 1]} : vector<256x32xi1> to vector<256x1xi1>
    %broadcast_in_dim3A_198 = vector.shape_cast %slice3A_197 : vector<256x1xi1> to vector<256x1xi1>
    %broadcast_in_dim3A_199 = vector.broadcast %broadcast_in_dim3A_198 : vector<256x1xi1> to vector<256x64xi1>
    %slice3A_200 = vector.extract_strided_slice %slice3A_196 {offsets = [0, 64], sizes = [256, 64], strides = [1, 1]} : vector<256x128xf32> to vector<256x64xf32>
    %jit3A_201 = arith.constant 0.000000e+00 : f32
    %broadcast_in_dim3A_202 = vector.broadcast %jit3A_201 : f32 to vector<256x64xf32>
    %select_n3A_203 = arith.select %broadcast_in_dim3A_199, %slice3A_200, %broadcast_in_dim3A_202 : vector<256x64xi1>, vector<256x64xf32>
    %max3A_204 = arith.maximumf %max3A_195, %select_n3A_203 : vector<256x64xf32>
    %slice3A_205 = vector.extract_strided_slice %max3A_31 {offsets = [0, 1536], sizes = [256, 128], strides = [1, 1]} : vector<256x4096xf32> to vector<256x128xf32>
    %slice3A_206 = vector.extract_strided_slice %le3A_25 {offsets = [0, 12], sizes = [256, 1], strides = [1, 1]} : vector<256x32xi1> to vector<256x1xi1>
    %broadcast_in_dim3A_207 = vector.shape_cast %slice3A_206 : vector<256x1xi1> to vector<256x1xi1>
    %broadcast_in_dim3A_208 = vector.broadcast %broadcast_in_dim3A_207 : vector<256x1xi1> to vector<256x64xi1>
    %slice3A_209 = vector.extract_strided_slice %slice3A_205 {offsets = [0, 64], sizes = [256, 64], strides = [1, 1]} : vector<256x128xf32> to vector<256x64xf32>
    %jit3A_210 = arith.constant 0.000000e+00 : f32
    %broadcast_in_dim3A_211 = vector.broadcast %jit3A_210 : f32 to vector<256x64xf32>
    %select_n3A_212 = arith.select %broadcast_in_dim3A_208, %slice3A_209, %broadcast_in_dim3A_211 : vector<256x64xi1>, vector<256x64xf32>
    %max3A_213 = arith.maximumf %max3A_204, %select_n3A_212 : vector<256x64xf32>
    %slice3A_214 = vector.extract_strided_slice %max3A_31 {offsets = [0, 1664], sizes = [256, 128], strides = [1, 1]} : vector<256x4096xf32> to vector<256x128xf32>
    %slice3A_215 = vector.extract_strided_slice %le3A_25 {offsets = [0, 13], sizes = [256, 1], strides = [1, 1]} : vector<256x32xi1> to vector<256x1xi1>
    %broadcast_in_dim3A_216 = vector.shape_cast %slice3A_215 : vector<256x1xi1> to vector<256x1xi1>
    %broadcast_in_dim3A_217 = vector.broadcast %broadcast_in_dim3A_216 : vector<256x1xi1> to vector<256x64xi1>
    %slice3A_218 = vector.extract_strided_slice %slice3A_214 {offsets = [0, 64], sizes = [256, 64], strides = [1, 1]} : vector<256x128xf32> to vector<256x64xf32>
    %jit3A_219 = arith.constant 0.000000e+00 : f32
    %broadcast_in_dim3A_220 = vector.broadcast %jit3A_219 : f32 to vector<256x64xf32>
    %select_n3A_221 = arith.select %broadcast_in_dim3A_217, %slice3A_218, %broadcast_in_dim3A_220 : vector<256x64xi1>, vector<256x64xf32>
    %max3A_222 = arith.maximumf %max3A_213, %select_n3A_221 : vector<256x64xf32>
    %slice3A_223 = vector.extract_strided_slice %max3A_31 {offsets = [0, 1792], sizes = [256, 128], strides = [1, 1]} : vector<256x4096xf32> to vector<256x128xf32>
    %slice3A_224 = vector.extract_strided_slice %le3A_25 {offsets = [0, 14], sizes = [256, 1], strides = [1, 1]} : vector<256x32xi1> to vector<256x1xi1>
    %broadcast_in_dim3A_225 = vector.shape_cast %slice3A_224 : vector<256x1xi1> to vector<256x1xi1>
    %broadcast_in_dim3A_226 = vector.broadcast %broadcast_in_dim3A_225 : vector<256x1xi1> to vector<256x64xi1>
    %slice3A_227 = vector.extract_strided_slice %slice3A_223 {offsets = [0, 64], sizes = [256, 64], strides = [1, 1]} : vector<256x128xf32> to vector<256x64xf32>
    %jit3A_228 = arith.constant 0.000000e+00 : f32
    %broadcast_in_dim3A_229 = vector.broadcast %jit3A_228 : f32 to vector<256x64xf32>
    %select_n3A_230 = arith.select %broadcast_in_dim3A_226, %slice3A_227, %broadcast_in_dim3A_229 : vector<256x64xi1>, vector<256x64xf32>
    %max3A_231 = arith.maximumf %max3A_222, %select_n3A_230 : vector<256x64xf32>
    %slice3A_232 = vector.extract_strided_slice %max3A_31 {offsets = [0, 1920], sizes = [256, 128], strides = [1, 1]} : vector<256x4096xf32> to vector<256x128xf32>
    %slice3A_233 = vector.extract_strided_slice %le3A_25 {offsets = [0, 15], sizes = [256, 1], strides = [1, 1]} : vector<256x32xi1> to vector<256x1xi1>
    %broadcast_in_dim3A_234 = vector.shape_cast %slice3A_233 : vector<256x1xi1> to vector<256x1xi1>
    %broadcast_in_dim3A_235 = vector.broadcast %broadcast_in_dim3A_234 : vector<256x1xi1> to vector<256x64xi1>
    %slice3A_236 = vector.extract_strided_slice %slice3A_232 {offsets = [0, 64], sizes = [256, 64], strides = [1, 1]} : vector<256x128xf32> to vector<256x64xf32>
    %jit3A_237 = arith.constant 0.000000e+00 : f32
    %broadcast_in_dim3A_238 = vector.broadcast %jit3A_237 : f32 to vector<256x64xf32>
    %select_n3A_239 = arith.select %broadcast_in_dim3A_235, %slice3A_236, %broadcast_in_dim3A_238 : vector<256x64xi1>, vector<256x64xf32>
    %max3A_240 = arith.maximumf %max3A_231, %select_n3A_239 : vector<256x64xf32>
    %slice3A_241 = vector.extract_strided_slice %max3A_31 {offsets = [0, 2048], sizes = [256, 128], strides = [1, 1]} : vector<256x4096xf32> to vector<256x128xf32>
    %slice3A_242 = vector.extract_strided_slice %le3A_25 {offsets = [0, 16], sizes = [256, 1], strides = [1, 1]} : vector<256x32xi1> to vector<256x1xi1>
    %broadcast_in_dim3A_243 = vector.shape_cast %slice3A_242 : vector<256x1xi1> to vector<256x1xi1>
    %broadcast_in_dim3A_244 = vector.broadcast %broadcast_in_dim3A_243 : vector<256x1xi1> to vector<256x64xi1>
    %slice3A_245 = vector.extract_strided_slice %slice3A_241 {offsets = [0, 64], sizes = [256, 64], strides = [1, 1]} : vector<256x128xf32> to vector<256x64xf32>
    %jit3A_246 = arith.constant 0.000000e+00 : f32
    %broadcast_in_dim3A_247 = vector.broadcast %jit3A_246 : f32 to vector<256x64xf32>
    %select_n3A_248 = arith.select %broadcast_in_dim3A_244, %slice3A_245, %broadcast_in_dim3A_247 : vector<256x64xi1>, vector<256x64xf32>
    %max3A_249 = arith.maximumf %max3A_240, %select_n3A_248 : vector<256x64xf32>
    %slice3A_250 = vector.extract_strided_slice %max3A_31 {offsets = [0, 2176], sizes = [256, 128], strides = [1, 1]} : vector<256x4096xf32> to vector<256x128xf32>
    %slice3A_251 = vector.extract_strided_slice %le3A_25 {offsets = [0, 17], sizes = [256, 1], strides = [1, 1]} : vector<256x32xi1> to vector<256x1xi1>
    %broadcast_in_dim3A_252 = vector.shape_cast %slice3A_251 : vector<256x1xi1> to vector<256x1xi1>
    %broadcast_in_dim3A_253 = vector.broadcast %broadcast_in_dim3A_252 : vector<256x1xi1> to vector<256x64xi1>
    %slice3A_254 = vector.extract_strided_slice %slice3A_250 {offsets = [0, 64], sizes = [256, 64], strides = [1, 1]} : vector<256x128xf32> to vector<256x64xf32>
    %jit3A_255 = arith.constant 0.000000e+00 : f32
    %broadcast_in_dim3A_256 = vector.broadcast %jit3A_255 : f32 to vector<256x64xf32>
    %select_n3A_257 = arith.select %broadcast_in_dim3A_253, %slice3A_254, %broadcast_in_dim3A_256 : vector<256x64xi1>, vector<256x64xf32>
    %max3A_258 = arith.maximumf %max3A_249, %select_n3A_257 : vector<256x64xf32>
    %slice3A_259 = vector.extract_strided_slice %max3A_31 {offsets = [0, 2304], sizes = [256, 128], strides = [1, 1]} : vector<256x4096xf32> to vector<256x128xf32>
    %slice3A_260 = vector.extract_strided_slice %le3A_25 {offsets = [0, 18], sizes = [256, 1], strides = [1, 1]} : vector<256x32xi1> to vector<256x1xi1>
    %broadcast_in_dim3A_261 = vector.shape_cast %slice3A_260 : vector<256x1xi1> to vector<256x1xi1>
    %broadcast_in_dim3A_262 = vector.broadcast %broadcast_in_dim3A_261 : vector<256x1xi1> to vector<256x64xi1>
    %slice3A_263 = vector.extract_strided_slice %slice3A_259 {offsets = [0, 64], sizes = [256, 64], strides = [1, 1]} : vector<256x128xf32> to vector<256x64xf32>
    %jit3A_264 = arith.constant 0.000000e+00 : f32
    %broadcast_in_dim3A_265 = vector.broadcast %jit3A_264 : f32 to vector<256x64xf32>
    %select_n3A_266 = arith.select %broadcast_in_dim3A_262, %slice3A_263, %broadcast_in_dim3A_265 : vector<256x64xi1>, vector<256x64xf32>
    %max3A_267 = arith.maximumf %max3A_258, %select_n3A_266 : vector<256x64xf32>
    %slice3A_268 = vector.extract_strided_slice %max3A_31 {offsets = [0, 2432], sizes = [256, 128], strides = [1, 1]} : vector<256x4096xf32> to vector<256x128xf32>
    %slice3A_269 = vector.extract_strided_slice %le3A_25 {offsets = [0, 19], sizes = [256, 1], strides = [1, 1]} : vector<256x32xi1> to vector<256x1xi1>
    %broadcast_in_dim3A_270 = vector.shape_cast %slice3A_269 : vector<256x1xi1> to vector<256x1xi1>
    %broadcast_in_dim3A_271 = vector.broadcast %broadcast_in_dim3A_270 : vector<256x1xi1> to vector<256x64xi1>
    %slice3A_272 = vector.extract_strided_slice %slice3A_268 {offsets = [0, 64], sizes = [256, 64], strides = [1, 1]} : vector<256x128xf32> to vector<256x64xf32>
    %jit3A_273 = arith.constant 0.000000e+00 : f32
    %broadcast_in_dim3A_274 = vector.broadcast %jit3A_273 : f32 to vector<256x64xf32>
    %select_n3A_275 = arith.select %broadcast_in_dim3A_271, %slice3A_272, %broadcast_in_dim3A_274 : vector<256x64xi1>, vector<256x64xf32>
    %max3A_276 = arith.maximumf %max3A_267, %select_n3A_275 : vector<256x64xf32>
    %slice3A_277 = vector.extract_strided_slice %max3A_31 {offsets = [0, 2560], sizes = [256, 128], strides = [1, 1]} : vector<256x4096xf32> to vector<256x128xf32>
    %slice3A_278 = vector.extract_strided_slice %le3A_25 {offsets = [0, 20], sizes = [256, 1], strides = [1, 1]} : vector<256x32xi1> to vector<256x1xi1>
    %broadcast_in_dim3A_279 = vector.shape_cast %slice3A_278 : vector<256x1xi1> to vector<256x1xi1>
    %broadcast_in_dim3A_280 = vector.broadcast %broadcast_in_dim3A_279 : vector<256x1xi1> to vector<256x64xi1>
    %slice3A_281 = vector.extract_strided_slice %slice3A_277 {offsets = [0, 64], sizes = [256, 64], strides = [1, 1]} : vector<256x128xf32> to vector<256x64xf32>
    %jit3A_282 = arith.constant 0.000000e+00 : f32
    %broadcast_in_dim3A_283 = vector.broadcast %jit3A_282 : f32 to vector<256x64xf32>
    %select_n3A_284 = arith.select %broadcast_in_dim3A_280, %slice3A_281, %broadcast_in_dim3A_283 : vector<256x64xi1>, vector<256x64xf32>
    %max3A_285 = arith.maximumf %max3A_276, %select_n3A_284 : vector<256x64xf32>
    %slice3A_286 = vector.extract_strided_slice %max3A_31 {offsets = [0, 2688], sizes = [256, 128], strides = [1, 1]} : vector<256x4096xf32> to vector<256x128xf32>
    %slice3A_287 = vector.extract_strided_slice %le3A_25 {offsets = [0, 21], sizes = [256, 1], strides = [1, 1]} : vector<256x32xi1> to vector<256x1xi1>
    %broadcast_in_dim3A_288 = vector.shape_cast %slice3A_287 : vector<256x1xi1> to vector<256x1xi1>
    %broadcast_in_dim3A_289 = vector.broadcast %broadcast_in_dim3A_288 : vector<256x1xi1> to vector<256x64xi1>
    %slice3A_290 = vector.extract_strided_slice %slice3A_286 {offsets = [0, 64], sizes = [256, 64], strides = [1, 1]} : vector<256x128xf32> to vector<256x64xf32>
    %jit3A_291 = arith.constant 0.000000e+00 : f32
    %broadcast_in_dim3A_292 = vector.broadcast %jit3A_291 : f32 to vector<256x64xf32>
    %select_n3A_293 = arith.select %broadcast_in_dim3A_289, %slice3A_290, %broadcast_in_dim3A_292 : vector<256x64xi1>, vector<256x64xf32>
    %max3A_294 = arith.maximumf %max3A_285, %select_n3A_293 : vector<256x64xf32>
    %slice3A_295 = vector.extract_strided_slice %max3A_31 {offsets = [0, 2816], sizes = [256, 128], strides = [1, 1]} : vector<256x4096xf32> to vector<256x128xf32>
    %slice3A_296 = vector.extract_strided_slice %le3A_25 {offsets = [0, 22], sizes = [256, 1], strides = [1, 1]} : vector<256x32xi1> to vector<256x1xi1>
    %broadcast_in_dim3A_297 = vector.shape_cast %slice3A_296 : vector<256x1xi1> to vector<256x1xi1>
    %broadcast_in_dim3A_298 = vector.broadcast %broadcast_in_dim3A_297 : vector<256x1xi1> to vector<256x64xi1>
    %slice3A_299 = vector.extract_strided_slice %slice3A_295 {offsets = [0, 64], sizes = [256, 64], strides = [1, 1]} : vector<256x128xf32> to vector<256x64xf32>
    %jit3A_300 = arith.constant 0.000000e+00 : f32
    %broadcast_in_dim3A_301 = vector.broadcast %jit3A_300 : f32 to vector<256x64xf32>
    %select_n3A_302 = arith.select %broadcast_in_dim3A_298, %slice3A_299, %broadcast_in_dim3A_301 : vector<256x64xi1>, vector<256x64xf32>
    %max3A_303 = arith.maximumf %max3A_294, %select_n3A_302 : vector<256x64xf32>
    %slice3A_304 = vector.extract_strided_slice %max3A_31 {offsets = [0, 2944], sizes = [256, 128], strides = [1, 1]} : vector<256x4096xf32> to vector<256x128xf32>
    %slice3A_305 = vector.extract_strided_slice %le3A_25 {offsets = [0, 23], sizes = [256, 1], strides = [1, 1]} : vector<256x32xi1> to vector<256x1xi1>
    %broadcast_in_dim3A_306 = vector.shape_cast %slice3A_305 : vector<256x1xi1> to vector<256x1xi1>
    %broadcast_in_dim3A_307 = vector.broadcast %broadcast_in_dim3A_306 : vector<256x1xi1> to vector<256x64xi1>
    %slice3A_308 = vector.extract_strided_slice %slice3A_304 {offsets = [0, 64], sizes = [256, 64], strides = [1, 1]} : vector<256x128xf32> to vector<256x64xf32>
    %jit3A_309 = arith.constant 0.000000e+00 : f32
    %broadcast_in_dim3A_310 = vector.broadcast %jit3A_309 : f32 to vector<256x64xf32>
    %select_n3A_311 = arith.select %broadcast_in_dim3A_307, %slice3A_308, %broadcast_in_dim3A_310 : vector<256x64xi1>, vector<256x64xf32>
    %max3A_312 = arith.maximumf %max3A_303, %select_n3A_311 : vector<256x64xf32>
    %slice3A_313 = vector.extract_strided_slice %max3A_31 {offsets = [0, 3072], sizes = [256, 128], strides = [1, 1]} : vector<256x4096xf32> to vector<256x128xf32>
    %slice3A_314 = vector.extract_strided_slice %le3A_25 {offsets = [0, 24], sizes = [256, 1], strides = [1, 1]} : vector<256x32xi1> to vector<256x1xi1>
    %broadcast_in_dim3A_315 = vector.shape_cast %slice3A_314 : vector<256x1xi1> to vector<256x1xi1>
    %broadcast_in_dim3A_316 = vector.broadcast %broadcast_in_dim3A_315 : vector<256x1xi1> to vector<256x64xi1>
    %slice3A_317 = vector.extract_strided_slice %slice3A_313 {offsets = [0, 64], sizes = [256, 64], strides = [1, 1]} : vector<256x128xf32> to vector<256x64xf32>
    %jit3A_318 = arith.constant 0.000000e+00 : f32
    %broadcast_in_dim3A_319 = vector.broadcast %jit3A_318 : f32 to vector<256x64xf32>
    %select_n3A_320 = arith.select %broadcast_in_dim3A_316, %slice3A_317, %broadcast_in_dim3A_319 : vector<256x64xi1>, vector<256x64xf32>
    %max3A_321 = arith.maximumf %max3A_312, %select_n3A_320 : vector<256x64xf32>
    %slice3A_322 = vector.extract_strided_slice %max3A_31 {offsets = [0, 3200], sizes = [256, 128], strides = [1, 1]} : vector<256x4096xf32> to vector<256x128xf32>
    %slice3A_323 = vector.extract_strided_slice %le3A_25 {offsets = [0, 25], sizes = [256, 1], strides = [1, 1]} : vector<256x32xi1> to vector<256x1xi1>
    %broadcast_in_dim3A_324 = vector.shape_cast %slice3A_323 : vector<256x1xi1> to vector<256x1xi1>
    %broadcast_in_dim3A_325 = vector.broadcast %broadcast_in_dim3A_324 : vector<256x1xi1> to vector<256x64xi1>
    %slice3A_326 = vector.extract_strided_slice %slice3A_322 {offsets = [0, 64], sizes = [256, 64], strides = [1, 1]} : vector<256x128xf32> to vector<256x64xf32>
    %jit3A_327 = arith.constant 0.000000e+00 : f32
    %broadcast_in_dim3A_328 = vector.broadcast %jit3A_327 : f32 to vector<256x64xf32>
    %select_n3A_329 = arith.select %broadcast_in_dim3A_325, %slice3A_326, %broadcast_in_dim3A_328 : vector<256x64xi1>, vector<256x64xf32>
    %max3A_330 = arith.maximumf %max3A_321, %select_n3A_329 : vector<256x64xf32>
    %slice3A_331 = vector.extract_strided_slice %max3A_31 {offsets = [0, 3328], sizes = [256, 128], strides = [1, 1]} : vector<256x4096xf32> to vector<256x128xf32>
    %slice3A_332 = vector.extract_strided_slice %le3A_25 {offsets = [0, 26], sizes = [256, 1], strides = [1, 1]} : vector<256x32xi1> to vector<256x1xi1>
    %broadcast_in_dim3A_333 = vector.shape_cast %slice3A_332 : vector<256x1xi1> to vector<256x1xi1>
    %broadcast_in_dim3A_334 = vector.broadcast %broadcast_in_dim3A_333 : vector<256x1xi1> to vector<256x64xi1>
    %slice3A_335 = vector.extract_strided_slice %slice3A_331 {offsets = [0, 64], sizes = [256, 64], strides = [1, 1]} : vector<256x128xf32> to vector<256x64xf32>
    %jit3A_336 = arith.constant 0.000000e+00 : f32
    %broadcast_in_dim3A_337 = vector.broadcast %jit3A_336 : f32 to vector<256x64xf32>
    %select_n3A_338 = arith.select %broadcast_in_dim3A_334, %slice3A_335, %broadcast_in_dim3A_337 : vector<256x64xi1>, vector<256x64xf32>
    %max3A_339 = arith.maximumf %max3A_330, %select_n3A_338 : vector<256x64xf32>
    %slice3A_340 = vector.extract_strided_slice %max3A_31 {offsets = [0, 3456], sizes = [256, 128], strides = [1, 1]} : vector<256x4096xf32> to vector<256x128xf32>
    %slice3A_341 = vector.extract_strided_slice %le3A_25 {offsets = [0, 27], sizes = [256, 1], strides = [1, 1]} : vector<256x32xi1> to vector<256x1xi1>
    %broadcast_in_dim3A_342 = vector.shape_cast %slice3A_341 : vector<256x1xi1> to vector<256x1xi1>
    %broadcast_in_dim3A_343 = vector.broadcast %broadcast_in_dim3A_342 : vector<256x1xi1> to vector<256x64xi1>
    %slice3A_344 = vector.extract_strided_slice %slice3A_340 {offsets = [0, 64], sizes = [256, 64], strides = [1, 1]} : vector<256x128xf32> to vector<256x64xf32>
    %jit3A_345 = arith.constant 0.000000e+00 : f32
    %broadcast_in_dim3A_346 = vector.broadcast %jit3A_345 : f32 to vector<256x64xf32>
    %select_n3A_347 = arith.select %broadcast_in_dim3A_343, %slice3A_344, %broadcast_in_dim3A_346 : vector<256x64xi1>, vector<256x64xf32>
    %max3A_348 = arith.maximumf %max3A_339, %select_n3A_347 : vector<256x64xf32>
    %slice3A_349 = vector.extract_strided_slice %max3A_31 {offsets = [0, 3584], sizes = [256, 128], strides = [1, 1]} : vector<256x4096xf32> to vector<256x128xf32>
    %slice3A_350 = vector.extract_strided_slice %le3A_25 {offsets = [0, 28], sizes = [256, 1], strides = [1, 1]} : vector<256x32xi1> to vector<256x1xi1>
    %broadcast_in_dim3A_351 = vector.shape_cast %slice3A_350 : vector<256x1xi1> to vector<256x1xi1>
    %broadcast_in_dim3A_352 = vector.broadcast %broadcast_in_dim3A_351 : vector<256x1xi1> to vector<256x64xi1>
    %slice3A_353 = vector.extract_strided_slice %slice3A_349 {offsets = [0, 64], sizes = [256, 64], strides = [1, 1]} : vector<256x128xf32> to vector<256x64xf32>
    %jit3A_354 = arith.constant 0.000000e+00 : f32
    %broadcast_in_dim3A_355 = vector.broadcast %jit3A_354 : f32 to vector<256x64xf32>
    %select_n3A_356 = arith.select %broadcast_in_dim3A_352, %slice3A_353, %broadcast_in_dim3A_355 : vector<256x64xi1>, vector<256x64xf32>
    %max3A_357 = arith.maximumf %max3A_348, %select_n3A_356 : vector<256x64xf32>
    %slice3A_358 = vector.extract_strided_slice %max3A_31 {offsets = [0, 3712], sizes = [256, 128], strides = [1, 1]} : vector<256x4096xf32> to vector<256x128xf32>
    %slice3A_359 = vector.extract_strided_slice %le3A_25 {offsets = [0, 29], sizes = [256, 1], strides = [1, 1]} : vector<256x32xi1> to vector<256x1xi1>
    %broadcast_in_dim3A_360 = vector.shape_cast %slice3A_359 : vector<256x1xi1> to vector<256x1xi1>
    %broadcast_in_dim3A_361 = vector.broadcast %broadcast_in_dim3A_360 : vector<256x1xi1> to vector<256x64xi1>
    %slice3A_362 = vector.extract_strided_slice %slice3A_358 {offsets = [0, 64], sizes = [256, 64], strides = [1, 1]} : vector<256x128xf32> to vector<256x64xf32>
    %jit3A_363 = arith.constant 0.000000e+00 : f32
    %broadcast_in_dim3A_364 = vector.broadcast %jit3A_363 : f32 to vector<256x64xf32>
    %select_n3A_365 = arith.select %broadcast_in_dim3A_361, %slice3A_362, %broadcast_in_dim3A_364 : vector<256x64xi1>, vector<256x64xf32>
    %max3A_366 = arith.maximumf %max3A_357, %select_n3A_365 : vector<256x64xf32>
    %slice3A_367 = vector.extract_strided_slice %max3A_31 {offsets = [0, 3840], sizes = [256, 128], strides = [1, 1]} : vector<256x4096xf32> to vector<256x128xf32>
    %slice3A_368 = vector.extract_strided_slice %le3A_25 {offsets = [0, 30], sizes = [256, 1], strides = [1, 1]} : vector<256x32xi1> to vector<256x1xi1>
    %broadcast_in_dim3A_369 = vector.shape_cast %slice3A_368 : vector<256x1xi1> to vector<256x1xi1>
    %broadcast_in_dim3A_370 = vector.broadcast %broadcast_in_dim3A_369 : vector<256x1xi1> to vector<256x64xi1>
    %slice3A_371 = vector.extract_strided_slice %slice3A_367 {offsets = [0, 64], sizes = [256, 64], strides = [1, 1]} : vector<256x128xf32> to vector<256x64xf32>
    %jit3A_372 = arith.constant 0.000000e+00 : f32
    %broadcast_in_dim3A_373 = vector.broadcast %jit3A_372 : f32 to vector<256x64xf32>
    %select_n3A_374 = arith.select %broadcast_in_dim3A_370, %slice3A_371, %broadcast_in_dim3A_373 : vector<256x64xi1>, vector<256x64xf32>
    %max3A_375 = arith.maximumf %max3A_366, %select_n3A_374 : vector<256x64xf32>
    %slice3A_376 = vector.extract_strided_slice %max3A_31 {offsets = [0, 3968], sizes = [256, 128], strides = [1, 1]} : vector<256x4096xf32> to vector<256x128xf32>
    %slice3A_377 = vector.extract_strided_slice %le3A_25 {offsets = [0, 31], sizes = [256, 1], strides = [1, 1]} : vector<256x32xi1> to vector<256x1xi1>
    %broadcast_in_dim3A_378 = vector.shape_cast %slice3A_377 : vector<256x1xi1> to vector<256x1xi1>
    %broadcast_in_dim3A_379 = vector.broadcast %broadcast_in_dim3A_378 : vector<256x1xi1> to vector<256x64xi1>
    %slice3A_380 = vector.extract_strided_slice %slice3A_376 {offsets = [0, 64], sizes = [256, 64], strides = [1, 1]} : vector<256x128xf32> to vector<256x64xf32>
    %jit3A_381 = arith.constant 0.000000e+00 : f32
    %broadcast_in_dim3A_382 = vector.broadcast %jit3A_381 : f32 to vector<256x64xf32>
    %select_n3A_383 = arith.select %broadcast_in_dim3A_379, %slice3A_380, %broadcast_in_dim3A_382 : vector<256x64xi1>, vector<256x64xf32>
    %max3A_384 = arith.maximumf %max3A_375, %select_n3A_383 : vector<256x64xf32>
    %concatenate3A_385 = tpu.concatenate %max3A_168, %max3A_384 in 1 : vector<256x64xf32>, vector<256x64xf32> -> vector<256x128xf32>
    %get3A_386 = arith.constant 0 : index
    %get3A_387 = arith.constant 0 : index
    %get3A_388 = vector.load %arg8[%get3A_386, %get3A_387] : memref<128x256xf32, #tpu.memory_space<vmem>>, vector<128x256xf32>
    %dot_general3A_389 = arith.constant dense<0.000000e+00> : vector<256x256xf32>
    %dot_general3A_390 = tpu.matmul %concatenate3A_385, %get3A_388, %dot_general3A_389 {dimension_numbers = #tpu.dot_dimension_numbers<[1], [0], [0], [1], [0, 0, 1, 1], [], []>, transpose_lhs_hint = false} : vector<256x128xf32>, vector<128x256xf32>, vector<256x256xf32> -> vector<256x256xf32>
    %iota3A = tpu.iota {dimensions = array<i32: 1>} : vector<1x8xi32>
    %shift_left3A = arith.constant 1 : i32
    %shift_left3A_391 = vector.broadcast %shift_left3A : i32 to vector<1x8xi32>
    %shift_left3A_392 = arith.shli %shift_left3A_391, %iota3A : vector<1x8xi32>
    %convert_element_type3A = arith.sitofp %shift_left3A_392 : vector<1x8xi32> to vector<1x8xf32>
    %mul3A = arith.constant 3.14159274 : f32
    %mul3A_393 = vector.broadcast %mul3A : f32 to vector<1x8xf32>
    %mul3A_394 = arith.mulf %convert_element_type3A, %mul3A_393 : vector<1x8xf32>
    %slice3A_395 = vector.extract_strided_slice %get3A_1 {offsets = [0, 0], sizes = [256, 1], strides = [1, 1]} : vector<256x3xf32> to vector<256x1xf32>
    %mul3A_396 = vector.broadcast %slice3A_395 : vector<256x1xf32> to vector<256x8xf32>
    %mul3A_397 = vector.broadcast %mul3A_394 : vector<1x8xf32> to vector<256x8xf32>
    %mul3A_398 = arith.mulf %mul3A_396, %mul3A_397 : vector<256x8xf32>
    %sin3A = math.sin %mul3A_398 : vector<256x8xf32>
    %cos3A = math.cos %mul3A_398 : vector<256x8xf32>
    %slice3A_399 = vector.extract_strided_slice %get3A_1 {offsets = [0, 1], sizes = [256, 1], strides = [1, 1]} : vector<256x3xf32> to vector<256x1xf32>
    %mul3A_400 = vector.broadcast %slice3A_399 : vector<256x1xf32> to vector<256x8xf32>
    %mul3A_401 = vector.broadcast %mul3A_394 : vector<1x8xf32> to vector<256x8xf32>
    %mul3A_402 = arith.mulf %mul3A_400, %mul3A_401 : vector<256x8xf32>
    %sin3A_403 = math.sin %mul3A_402 : vector<256x8xf32>
    %cos3A_404 = math.cos %mul3A_402 : vector<256x8xf32>
    %slice3A_405 = vector.extract_strided_slice %get3A_1 {offsets = [0, 2], sizes = [256, 1], strides = [1, 1]} : vector<256x3xf32> to vector<256x1xf32>
    %mul3A_406 = vector.broadcast %slice3A_405 : vector<256x1xf32> to vector<256x8xf32>
    %mul3A_407 = vector.broadcast %mul3A_394 : vector<1x8xf32> to vector<256x8xf32>
    %mul3A_408 = arith.mulf %mul3A_406, %mul3A_407 : vector<256x8xf32>
    %sin3A_409 = math.sin %mul3A_408 : vector<256x8xf32>
    %cos3A_410 = math.cos %mul3A_408 : vector<256x8xf32>
    %broadcast_in_dim3A_411 = arith.constant 0.000000e+00 : f32
    %broadcast_in_dim3A_412 = vector.broadcast %broadcast_in_dim3A_411 : f32 to vector<256x13xf32>
    %concatenate3A_413 = tpu.concatenate %get3A_1, %sin3A, %cos3A, %sin3A_403, %cos3A_404, %sin3A_409, %cos3A_410, %broadcast_in_dim3A_412 in 1 : vector<256x3xf32>, vector<256x8xf32>, vector<256x8xf32>, vector<256x8xf32>, vector<256x8xf32>, vector<256x8xf32>, vector<256x8xf32>, vector<256x13xf32> -> vector<256x64xf32>
    %get3A_414 = arith.constant 0 : index
    %get3A_415 = arith.constant 0 : index
    %get3A_416 = vector.load %arg9[%get3A_414, %get3A_415] : memref<64x256xf32, #tpu.memory_space<vmem>>, vector<64x256xf32>
    %dot_general3A_417 = arith.constant dense<0.000000e+00> : vector<256x256xf32>
    %dot_general3A_418 = tpu.matmul %concatenate3A_413, %get3A_416, %dot_general3A_417 {dimension_numbers = #tpu.dot_dimension_numbers<[1], [0], [0], [1], [0, 0, 1, 1], [], []>, transpose_lhs_hint = false} : vector<256x64xf32>, vector<64x256xf32>, vector<256x256xf32> -> vector<256x256xf32>
    %add3A = arith.addf %dot_general3A_418, %dot_general3A_390 : vector<256x256xf32>
    %get3A_419 = arith.constant 0 : index
    %get3A_420 = arith.constant 0 : index
    %get3A_421 = vector.load %arg6[%get3A_419, %get3A_420] : memref<1x256xf32, #tpu.memory_space<vmem>>, vector<1x256xf32>
    %add3A_422 = vector.broadcast %get3A_421 : vector<1x256xf32> to vector<256x256xf32>
    %add3A_423 = arith.addf %add3A, %add3A_422 : vector<256x256xf32>
    %get3A_424 = arith.constant 0 : index
    %get3A_425 = arith.constant 0 : index
    %get3A_426 = arith.constant 0 : index
    %get3A_427 = vector.load %arg10[%get3A_424, %get3A_425, %get3A_426] : memref<4x256x256xf32, #tpu.memory_space<vmem>>, vector<1x256x256xf32>
    %get3A_428 = vector.shape_cast %get3A_427 : vector<1x256x256xf32> to vector<256x256xf32>
    %dot_general3A_429 = arith.constant dense<0.000000e+00> : vector<256x256xf32>
    %dot_general3A_430 = tpu.matmul %add3A_423, %get3A_428, %dot_general3A_429 {dimension_numbers = #tpu.dot_dimension_numbers<[1], [0], [0], [1], [0, 0, 1, 1], [], []>, transpose_lhs_hint = false} : vector<256x256xf32>, vector<256x256xf32>, vector<256x256xf32> -> vector<256x256xf32>
    %max3A_431 = arith.constant 0.000000e+00 : f32
    %max3A_432 = vector.broadcast %max3A_431 : f32 to vector<256x256xf32>
    %max3A_433 = arith.maximumf %dot_general3A_430, %max3A_432 : vector<256x256xf32>
    %get3A_434 = arith.constant 0 : index
    %get3A_435 = arith.constant 0 : index
    %get3A_436 = arith.constant 0 : index
    %get3A_437 = vector.load %arg11[%get3A_434, %get3A_435, %get3A_436] : memref<4x256x256xf32, #tpu.memory_space<vmem>>, vector<1x256x256xf32>
    %get3A_438 = vector.shape_cast %get3A_437 : vector<1x256x256xf32> to vector<256x256xf32>
    %dot_general3A_439 = arith.constant dense<0.000000e+00> : vector<256x256xf32>
    %dot_general3A_440 = tpu.matmul %max3A_433, %get3A_438, %dot_general3A_439 {dimension_numbers = #tpu.dot_dimension_numbers<[1], [0], [0], [1], [0, 0, 1, 1], [], []>, transpose_lhs_hint = false} : vector<256x256xf32>, vector<256x256xf32>, vector<256x256xf32> -> vector<256x256xf32>
    %add3A_441 = arith.addf %add3A_423, %dot_general3A_440 : vector<256x256xf32>
    %get3A_442 = arith.constant 1 : index
    %get3A_443 = arith.constant 0 : index
    %get3A_444 = arith.constant 0 : index
    %get3A_445 = vector.load %arg10[%get3A_442, %get3A_443, %get3A_444] : memref<4x256x256xf32, #tpu.memory_space<vmem>>, vector<1x256x256xf32>
    %get3A_446 = vector.shape_cast %get3A_445 : vector<1x256x256xf32> to vector<256x256xf32>
    %dot_general3A_447 = arith.constant dense<0.000000e+00> : vector<256x256xf32>
    %dot_general3A_448 = tpu.matmul %add3A_441, %get3A_446, %dot_general3A_447 {dimension_numbers = #tpu.dot_dimension_numbers<[1], [0], [0], [1], [0, 0, 1, 1], [], []>, transpose_lhs_hint = false} : vector<256x256xf32>, vector<256x256xf32>, vector<256x256xf32> -> vector<256x256xf32>
    %max3A_449 = arith.constant 0.000000e+00 : f32
    %max3A_450 = vector.broadcast %max3A_449 : f32 to vector<256x256xf32>
    %max3A_451 = arith.maximumf %dot_general3A_448, %max3A_450 : vector<256x256xf32>
    %get3A_452 = arith.constant 1 : index
    %get3A_453 = arith.constant 0 : index
    %get3A_454 = arith.constant 0 : index
    %get3A_455 = vector.load %arg11[%get3A_452, %get3A_453, %get3A_454] : memref<4x256x256xf32, #tpu.memory_space<vmem>>, vector<1x256x256xf32>
    %get3A_456 = vector.shape_cast %get3A_455 : vector<1x256x256xf32> to vector<256x256xf32>
    %dot_general3A_457 = arith.constant dense<0.000000e+00> : vector<256x256xf32>
    %dot_general3A_458 = tpu.matmul %max3A_451, %get3A_456, %dot_general3A_457 {dimension_numbers = #tpu.dot_dimension_numbers<[1], [0], [0], [1], [0, 0, 1, 1], [], []>, transpose_lhs_hint = false} : vector<256x256xf32>, vector<256x256xf32>, vector<256x256xf32> -> vector<256x256xf32>
    %add3A_459 = arith.addf %add3A_441, %dot_general3A_458 : vector<256x256xf32>
    %get3A_460 = arith.constant 2 : index
    %get3A_461 = arith.constant 0 : index
    %get3A_462 = arith.constant 0 : index
    %get3A_463 = vector.load %arg10[%get3A_460, %get3A_461, %get3A_462] : memref<4x256x256xf32, #tpu.memory_space<vmem>>, vector<1x256x256xf32>
    %get3A_464 = vector.shape_cast %get3A_463 : vector<1x256x256xf32> to vector<256x256xf32>
    %dot_general3A_465 = arith.constant dense<0.000000e+00> : vector<256x256xf32>
    %dot_general3A_466 = tpu.matmul %add3A_459, %get3A_464, %dot_general3A_465 {dimension_numbers = #tpu.dot_dimension_numbers<[1], [0], [0], [1], [0, 0, 1, 1], [], []>, transpose_lhs_hint = false} : vector<256x256xf32>, vector<256x256xf32>, vector<256x256xf32> -> vector<256x256xf32>
    %max3A_467 = arith.constant 0.000000e+00 : f32
    %max3A_468 = vector.broadcast %max3A_467 : f32 to vector<256x256xf32>
    %max3A_469 = arith.maximumf %dot_general3A_466, %max3A_468 : vector<256x256xf32>
    %get3A_470 = arith.constant 2 : index
    %get3A_471 = arith.constant 0 : index
    %get3A_472 = arith.constant 0 : index
    %get3A_473 = vector.load %arg11[%get3A_470, %get3A_471, %get3A_472] : memref<4x256x256xf32, #tpu.memory_space<vmem>>, vector<1x256x256xf32>
    %get3A_474 = vector.shape_cast %get3A_473 : vector<1x256x256xf32> to vector<256x256xf32>
    %dot_general3A_475 = arith.constant dense<0.000000e+00> : vector<256x256xf32>
    %dot_general3A_476 = tpu.matmul %max3A_469, %get3A_474, %dot_general3A_475 {dimension_numbers = #tpu.dot_dimension_numbers<[1], [0], [0], [1], [0, 0, 1, 1], [], []>, transpose_lhs_hint = false} : vector<256x256xf32>, vector<256x256xf32>, vector<256x256xf32> -> vector<256x256xf32>
    %add3A_477 = arith.addf %add3A_459, %dot_general3A_476 : vector<256x256xf32>
    %get3A_478 = arith.constant 3 : index
    %get3A_479 = arith.constant 0 : index
    %get3A_480 = arith.constant 0 : index
    %get3A_481 = vector.load %arg10[%get3A_478, %get3A_479, %get3A_480] : memref<4x256x256xf32, #tpu.memory_space<vmem>>, vector<1x256x256xf32>
    %get3A_482 = vector.shape_cast %get3A_481 : vector<1x256x256xf32> to vector<256x256xf32>
    %dot_general3A_483 = arith.constant dense<0.000000e+00> : vector<256x256xf32>
    %dot_general3A_484 = tpu.matmul %add3A_477, %get3A_482, %dot_general3A_483 {dimension_numbers = #tpu.dot_dimension_numbers<[1], [0], [0], [1], [0, 0, 1, 1], [], []>, transpose_lhs_hint = false} : vector<256x256xf32>, vector<256x256xf32>, vector<256x256xf32> -> vector<256x256xf32>
    %max3A_485 = arith.constant 0.000000e+00 : f32
    %max3A_486 = vector.broadcast %max3A_485 : f32 to vector<256x256xf32>
    %max3A_487 = arith.maximumf %dot_general3A_484, %max3A_486 : vector<256x256xf32>
    %get3A_488 = arith.constant 3 : index
    %get3A_489 = arith.constant 0 : index
    %get3A_490 = arith.constant 0 : index
    %get3A_491 = vector.load %arg11[%get3A_488, %get3A_489, %get3A_490] : memref<4x256x256xf32, #tpu.memory_space<vmem>>, vector<1x256x256xf32>
    %get3A_492 = vector.shape_cast %get3A_491 : vector<1x256x256xf32> to vector<256x256xf32>
    %dot_general3A_493 = arith.constant dense<0.000000e+00> : vector<256x256xf32>
    %dot_general3A_494 = tpu.matmul %max3A_487, %get3A_492, %dot_general3A_493 {dimension_numbers = #tpu.dot_dimension_numbers<[1], [0], [0], [1], [0, 0, 1, 1], [], []>, transpose_lhs_hint = false} : vector<256x256xf32>, vector<256x256xf32>, vector<256x256xf32> -> vector<256x256xf32>
    %add3A_495 = arith.addf %add3A_477, %dot_general3A_494 : vector<256x256xf32>
    %get3A_496 = arith.constant 0 : index
    %get3A_497 = arith.constant 0 : index
    %get3A_498 = vector.load %arg12[%get3A_496, %get3A_497] : memref<256x5xf32, #tpu.memory_space<vmem>>, vector<256x5xf32>
    %dot_general3A_499 = arith.constant dense<0.000000e+00> : vector<256x5xf32>
    %dot_general3A_500 = tpu.matmul %add3A_495, %get3A_498, %dot_general3A_499 {dimension_numbers = #tpu.dot_dimension_numbers<[1], [0], [0], [1], [0, 0, 1, 1], [], []>, transpose_lhs_hint = false} : vector<256x256xf32>, vector<256x5xf32>, vector<256x5xf32> -> vector<256x5xf32>
    %get3A_501 = arith.constant 0 : index
    %get3A_502 = arith.constant 0 : index
    %get3A_503 = vector.load %arg13[%get3A_501, %get3A_502] : memref<1x5xf32, #tpu.memory_space<vmem>>, vector<1x5xf32>
    %add3A_504 = vector.broadcast %get3A_503 : vector<1x5xf32> to vector<256x5xf32>
    %add3A_505 = arith.addf %dot_general3A_500, %add3A_504 : vector<256x5xf32>
    %swap3A = arith.constant 0 : index
    %swap3A_506 = arith.constant 0 : index
    %swap3A_507 = vector.load %arg16[%swap3A, %swap3A_506] : memref<256x5xf32, #tpu.memory_space<vmem>>, vector<256x5xf32>
    tpu.vector_store %arg16[%swap3A, %swap3A_506], %add3A_505 {strides = array<i32>} : memref<256x5xf32, #tpu.memory_space<vmem>>, vector<256x5xf32>,
    %get3A_508 = arith.constant 0 : index
    %get3A_509 = arith.constant 0 : index
    %get3A_510 = vector.load %arg14[%get3A_508, %get3A_509] : memref<256x4xf32, #tpu.memory_space<vmem>>, vector<256x4xf32>
    %dot_general3A_511 = arith.constant dense<0.000000e+00> : vector<256x4xf32>
    %dot_general3A_512 = tpu.matmul %add3A_495, %get3A_510, %dot_general3A_511 {dimension_numbers = #tpu.dot_dimension_numbers<[1], [0], [0], [1], [0, 0, 1, 1], [], []>, transpose_lhs_hint = false} : vector<256x256xf32>, vector<256x4xf32>, vector<256x4xf32> -> vector<256x4xf32>
    %get3A_513 = arith.constant 0 : index
    %get3A_514 = arith.constant 0 : index
    %get3A_515 = vector.load %arg15[%get3A_513, %get3A_514] : memref<1x4xf32, #tpu.memory_space<vmem>>, vector<1x4xf32>
    %add3A_516 = vector.broadcast %get3A_515 : vector<1x4xf32> to vector<256x4xf32>
    %add3A_517 = arith.addf %dot_general3A_512, %add3A_516 : vector<256x4xf32>
    %swap3A_518 = arith.constant 0 : index
    %swap3A_519 = arith.constant 0 : index
    %swap3A_520 = vector.load %arg17[%swap3A_518, %swap3A_519] : memref<256x4xf32, #tpu.memory_space<vmem>>, vector<256x4xf32>
    tpu.vector_store %arg17[%swap3A_518, %swap3A_519], %add3A_517 {strides = array<i32>} : memref<256x4xf32, #tpu.memory_space<vmem>>, vector<256x4xf32>,
    return
  }
  func.func @transform_0(%arg0: i32) -> (i32, i32) {
    %c0_i32 = arith.constant 0 : i32
    %c0_i32_0 = arith.constant 0 : i32
    return %arg0, %c0_i32 : i32, i32
  }
  func.func @transform_1(%arg0: i32) -> (i32, i32) {
    %c0_i32 = arith.constant 0 : i32
    %c0_i32_0 = arith.constant 0 : i32
    return %arg0, %c0_i32 : i32, i32
  }
  func.func @transform_2(%arg0: i32) -> (i32, i32) {
    %c0_i32 = arith.constant 0 : i32
    %c0_i32_0 = arith.constant 0 : i32
    return %arg0, %c0_i32 : i32, i32
  }
  func.func @transform_3(%arg0: i32) -> (i32, i32) {
    %c0_i32 = arith.constant 0 : i32
    %c0_i32_0 = arith.constant 0 : i32
    return %arg0, %c0_i32 : i32, i32
  }
  func.func @transform_4(%arg0: i32) -> (i32, i32) {
    %c0_i32 = arith.constant 0 : i32
    %c0_i32_0 = arith.constant 0 : i32
    return %arg0, %c0_i32 : i32, i32
  }
  func.func @transform_5(%arg0: i32) -> (i32, i32) {
    %c0_i32 = arith.constant 0 : i32
    %c0_i32_0 = arith.constant 0 : i32
    %c0_i32_1 = arith.constant 0 : i32
    return %c0_i32, %c0_i32_0 : i32, i32
  }
  func.func @transform_6(%arg0: i32) -> (i32, i32) {
    %c0_i32 = arith.constant 0 : i32
    %c0_i32_0 = arith.constant 0 : i32
    %c0_i32_1 = arith.constant 0 : i32
    return %c0_i32, %c0_i32_0 : i32, i32
  }
  func.func @transform_7(%arg0: i32) -> (i32, i32) {
    %c0_i32 = arith.constant 0 : i32
    %c0_i32_0 = arith.constant 0 : i32
    %c0_i32_1 = arith.constant 0 : i32
    return %c0_i32, %c0_i32_0 : i32, i32
  }
  func.func @transform_8(%arg0: i32) -> (i32, i32) {
    %c0_i32 = arith.constant 0 : i32
    %c0_i32_0 = arith.constant 0 : i32
    %c0_i32_1 = arith.constant 0 : i32
    return %c0_i32, %c0_i32_0 : i32, i32
  }
  func.func @transform_9(%arg0: i32) -> (i32, i32, i32) {
    %c0_i32 = arith.constant 0 : i32
    %c0_i32_0 = arith.constant 0 : i32
    %c0_i32_1 = arith.constant 0 : i32
    %c0_i32_2 = arith.constant 0 : i32
    return %c0_i32, %c0_i32_0, %c0_i32_1 : i32, i32, i32
  }
  func.func @transform_10(%arg0: i32) -> (i32, i32, i32) {
    %c0_i32 = arith.constant 0 : i32
    %c0_i32_0 = arith.constant 0 : i32
    %c0_i32_1 = arith.constant 0 : i32
    %c0_i32_2 = arith.constant 0 : i32
    return %c0_i32, %c0_i32_0, %c0_i32_1 : i32, i32, i32
  }
  func.func @transform_11(%arg0: i32) -> (i32, i32) {
    %c0_i32 = arith.constant 0 : i32
    %c0_i32_0 = arith.constant 0 : i32
    %c0_i32_1 = arith.constant 0 : i32
    return %c0_i32, %c0_i32_0 : i32, i32
  }
  func.func @transform_12(%arg0: i32) -> (i32, i32) {
    %c0_i32 = arith.constant 0 : i32
    %c0_i32_0 = arith.constant 0 : i32
    %c0_i32_1 = arith.constant 0 : i32
    return %c0_i32, %c0_i32_0 : i32, i32
  }
  func.func @transform_13(%arg0: i32) -> (i32, i32) {
    %c0_i32 = arith.constant 0 : i32
    %c0_i32_0 = arith.constant 0 : i32
    %c0_i32_1 = arith.constant 0 : i32
    return %c0_i32, %c0_i32_0 : i32, i32
  }
  func.func @transform_14(%arg0: i32) -> (i32, i32) {
    %c0_i32 = arith.constant 0 : i32
    %c0_i32_0 = arith.constant 0 : i32
    %c0_i32_1 = arith.constant 0 : i32
    return %c0_i32, %c0_i32_0 : i32, i32
  }
  func.func @transform_15(%arg0: i32) -> (i32, i32) {
    %c0_i32 = arith.constant 0 : i32
    %c0_i32_0 = arith.constant 0 : i32
    return %arg0, %c0_i32 : i32, i32
  }
  func.func @transform_16(%arg0: i32) -> (i32, i32) {
    %c0_i32 = arith.constant 0 : i32
    %c0_i32_0 = arith.constant 0 : i32
    return %arg0, %c0_i32 : i32, i32
  }
}

</mosaic_0001>

<sc_bundles>
// kernel: kernel.5.cloned.1.call-start
scs
__scs_entry_jumppad:
0x0: {  	(pc) =	sbr.rel $0x88, $3  }
0x1: {  	(tag) =	ssettag $0x0;
	lr =	simm.s32 $0x1  }
0x2: {  	[smem:$0x3F91] =	sst lr;
	_ =	strace $0xD0000000  }
0x3: {  	_ = 	snop  }
0x4: {  	_ = 	snop  }
0x5: {  	_ = 	snop  }
0x6: {  	_ = 	snop  }
0x7: {  	_ = 	snop  }
__scs_overlays_trampoline_lowered:
0x8: {  	[smem:$0x3FA0] =	sst s0  }
0x9: {  	[smem:$0x3FA1] =	sst s1  }
0xa: {  	[smem:$0x3FA2] =	sst s2  }
0xb: {  	[smem:$0x3FA3] =	sst s3  }
0xc: {  	[smem:$0x3FA4] =	sst s4  }
0xd: {  	[smem:$0x3FA5] =	sst s5  }
0xe: {  	[smem:$0x3FA6] =	sst s6  }
0xf: {  	[smem:$0x3FA7] =	sst s7  }
0x10: {  	[smem:$0x3FA8] =	sst s8  }
0x11: {  	[smem:$0x3FA9] =	sst s9;
	s0 =	simm.s32 @!p0 $0x0  }
0x12: {  	s1 =	sld [smem:$0x3F8F];
	s0 =	simm.s32 @p0 $0x1  }
0x13: {  	[smem:$0x3FAA] =	sst s0;
	s0 =	simm.s32 @!p1 $0x0  }
0x14: {  	s2 =	sld [smem:$0x3F8E];
	s0 =	simm.s32 @p1 $0x1  }
0x15: {  	[smem:$0x3FAB] =	sst s0;
	s0 =	simm.s32 @!p2 $0x0  }
0x16: {  	s3 =	sld [smem:$0x3FDB];
	s0 =	simm.s32 @p2 $0x1  }
0x17: {  	s4 =	simm.s32 $0x1BF5;
	[smem:$0x3FAD] =	sst s0  }
0x18: {  	s0 =	sld [smem:$0x3F90];
	_ =	swait.ge [sflag:s4], $0x0  }
0x19: {  	s7 =	sld [smem:$0x3F91]  }
0x1a: {  	s8 =	sadd.s32 $0xFFFFE003, lr  }
0x1b: {  	s9 =	sadd.s32 $0xFFFFFEF7, lr;
	s5 =	simm.s32 $0xFFFFFFFF;
	p2 =	slt.u32 s8, $0xFFFFF086  }
0x1c: {  	p1 =	slt.u32 s9, $0xF7A;
	s5 =	simm.s32 @!p2 $0x0  }
0x1d: {  	s5 =	simm.s32 @p1 $0x1;
	p0 =	seq.s32 s7, s2  }
0x1e: {  	s7 =	smul.u32 @!p0 $0xF7A, s2;
	p2 =	seq.s32 @!p0 s5, $0x0  }
0x1f: {  	s9 =	smul.u32 $0xF7A, s1;
	s8 =	simm.s32 @!p0 $0x1BF5;
	p2 =	por !p2, p0  }
0x20: {  	[sflag:s8] =	ssyncset.s32 @!p0 $0xFFFFF086;
	s6 =	sadd.s32 @!p0 s3, s7;
	s7 =	simm.s32 @!p0 $0x108  }
0x21: {  	s3 =	sadd.s32 s3, s9;
	s6 =	sadd.s32 @!p0 $0x88, s6;
	s7 =	simm.s32 @p2 $0x1082  }
0x22: {  	[simem:s7], [sflag:s8] =	dma.local @!p0 [hbm:s6], $0xF7A  }
0x23: {  	s9 =	sor.u32 $0xD0000000, s2;
	s6 =	simm.s32 $0x108;
	_ =	swait.ge @!p0 [sflag:s8], $0x0  }
0x24: {  	s3 =	sadd.s32 $0x88, s3;
	s6 =	simm.s32 @!p1 $0x1082;
	[sflag:s4] =	ssyncset.s32 $0xFFFFF086  }
0x25: {  	[simem:s6], [sflag:s4] =	dma.local [hbm:s3], $0xF7A  }
0x26: {  	[smem:$0x3F91] =	sst s1;
	(tag) =	ssettag s2;
	_ =	strace s9  }
0x27: {  	s1 =	sld [smem:$0x3FA1]  }
0x28: {  	s2 =	sld [smem:$0x3FA2]  }
0x29: {  	s4 =	sld [smem:$0x3FA4]  }
0x2a: {  	p0 =	seq.s32 s5, $0x0;
	s5 =	sld [smem:$0x3FA5]  }
0x2b: {  	s6 =	sld [smem:$0x3FA6]  }
0x2c: {  	s7 =	sld [smem:$0x3FA7]  }
0x2d: {  	s3 =	simm.s32 $0x108;
	s8 =	sld [smem:$0x3FA8]  }
0x2e: {  	s3 =	simm.s32 @!p0 $0x1082;
	s9 =	sld [smem:$0x3FA9]  }
0x2f: {  	lr =	sadd.s32 s0, s3;
	s0 =	sld [smem:$0x3FA0]  }
0x30: {  	s3 =	sld [smem:$0x3FA3]  }
0x31: {  	[smem:$0x3FAC] =	sst s10  }
0x32: {  	s10 =	sld [smem:$0x3FAA];
	_ =	sdelay $0x3  }
0x33: {  	p0 =	seq.s32 s10, $0x1;
	s10 =	sld [smem:$0x3FAC];
	_ =	sdelay $0x3  }
0x34: {  	[smem:$0x3FAC] =	sst s10  }
0x35: {  	s10 =	sld [smem:$0x3FAB];
	_ =	sdelay $0x3  }
0x36: {  	p1 =	seq.s32 s10, $0x1;
	s10 =	sld [smem:$0x3FAC];
	_ =	sdelay $0x3  }
0x37: {  	[smem:$0x3FAC] =	sst s10  }
0x38: {  	s10 =	sld [smem:$0x3FAD]  }
0x39: {  	_ = 	snop;
	(pc) =	sbr.ind lr, $3  }
0x3a: {  	_ = 	snop  }
0x3b: {  	_ = 	snop  }
0x3c: {  	p2 =	seq.s32 s10, $0x1;
	s10 =	sld [smem:$0x3FAC]  }
0x3d: {  	_ =	shalt  }
0x3e: {  	_ =	shalt  }
0x3f: {  	_ =	shalt  }
0x40: {  	_ =	shalt  }
0x41: {  	_ =	shalt  }
0x42: {  	_ =	shalt  }
0x43: {  	_ =	shalt  }
0x44: {  	_ =	shalt  }
0x45: {  	_ =	shalt  }
0x46: {  	_ =	shalt  }
0x47: {  	_ =	shalt  }
0x48: {  	_ =	shalt  }
0x49: {  	_ =	shalt  }
0x4a: {  	_ =	shalt  }
0x4b: {  	_ =	shalt  }
0x4c: {  	_ =	shalt  }
0x4d: {  	_ =	shalt  }
0x4e: {  	_ =	shalt  }
0x4f: {  	_ =	shalt  }
0x50: {  	_ =	shalt  }
0x51: {  	_ =	shalt  }
0x52: {  	_ =	shalt  }
0x53: {  	_ =	shalt  }
0x54: {  	_ =	shalt  }
0x55: {  	_ =	shalt  }
0x56: {  	_ =	shalt  }
0x57: {  	_ =	shalt  }
0x58: {  	_ =	shalt  }
0x59: {  	_ =	shalt  }
0x5a: {  	_ =	shalt  }
0x5b: {  	_ =	shalt  }
0x5c: {  	_ =	shalt  }
0x5d: {  	_ =	shalt  }
0x5e: {  	_ =	shalt  }
0x5f: {  	_ =	shalt  }
0x60: {  	_ =	shalt  }
0x61: {  	_ =	shalt  }
0x62: {  	_ =	shalt  }
0x63: {  	_ =	shalt  }
0x64: {  	_ =	shalt  }
0x65: {  	_ =	shalt  }
0x66: {  	_ =	shalt  }
0x67: {  	_ =	shalt  }
0x68: {  	_ =	shalt  }
0x69: {  	_ =	shalt  }
0x6a: {  	_ =	shalt  }
0x6b: {  	_ =	shalt  }
0x6c: {  	_ =	shalt  }
0x6d: {  	_ =	shalt  }
0x6e: {  	_ =	shalt  }
0x6f: {  	_ =	shalt  }
0x70: {  	_ =	shalt  }
0x71: {  	_ =	shalt  }
0x72: {  	_ =	shalt  }
0x73: {  	_ =	shalt  }
0x74: {  	_ =	shalt  }
0x75: {  	_ =	shalt  }
0x76: {  	_ =	shalt  }
0x77: {  	_ =	shalt  }
0x78: {  	_ =	shalt  }
0x79: {  	_ =	shalt  }
0x7a: {  	_ =	shalt  }
0x7b: {  	_ =	shalt  }
0x7c: {  	_ =	shalt  }
0x7d: {  	_ =	shalt  }
0x7e: {  	_ =	shalt  }
0x7f: {  	_ =	shalt  }
0x80: {  	_ =	shalt  }
0x81: {  	_ =	shalt  }
0x82: {  	_ =	shalt  }
0x83: {  	_ =	shalt  }
0x84: {  	_ =	shalt  }
0x85: {  	_ =	shalt  }
0x86: {  	_ =	shalt  }
0x87: {  	_ =	shalt  }
.Lfunc_end0:
.L_simem_size_0:
called_computation_lowered:
.L_overlay_start_0:
0x88: {  	s2 =	sld [smem:$0x3FD9]  }
0x89: {  	s3 =	sld [smem:$0x3FFE];
	_ =	sdelay $0x1  }
0x8a: {  	s1 =	srdreg.scid  }
0x8b: {  	s0 =	sand.u32 $0x1, s1  }
0x8c: {  	s14 =	sshll.u32 s0, $0xA;
	s2 =	sadd.s32 s3, s2  }
0x8d: {  	s2 =	sadd.s32 s2, s14  }
0x8e: {  	[smem:$0x3FB8] =	sst s2  }
0x8f: {  	_ = 	snop  }
0x90: {  	s2 =	sld [smem:$0x3FD0];
	_ =	sdelay $0x2  }
0x91: {  	s15 =	simm.s32 $0xA;
	s4 =	simm.s32 $0x10  }
0x92: {  	[smem:s4], [sflag:s15] =	dma.local [hbm:s2], $0x1  }
0x93: {  	_ =	swait.eq [sflag:s15], $0x1  }
0x94: {  	[sflag:s15] =	ssyncset.done $0x0  }
0x95: {  	s16 =	sld [smem:$0x10];
	[sflag:s15] =	ssyncadd.s32 $0xFFFFFFFF  }
0x96: {  	s17 =	sld [smem:$0x11];
	(tm) =	ssettm $0x1  }
0x97: {  	s18 =	sld [smem:$0x3FFB];
	_ =	sdelay $0x3  }
0x98: {  	_ =	strace s18  }
0x99: {  	s4 =	sld [smem:$0x3FFC];
	_ =	sdelay $0x3  }
0x9a: {  	_ =	strace s4  }
0x9b: {  	s4 =	sld [smem:$0x3FFD];
	_ =	sdelay $0x3  }
0x9c: {  	_ =	strace s4  }
0x9d: {  	_ =	strace $0x8FFFFFFF  }
0x9e: {  	s19 =	sld [smem:$0x3FDB];
	_ =	sdelay $0x1  }
0x9f: {  	s5 =	simm.s32 $_scs_section_size  }
0xa0: {  	s6 =	simm.s32 $_size__tile_overlayer_lowered;
	s7 =	simm.s32 $_tile_overlayer_lowered  }
0xa1: {  	s22 =	simm.s32 $0x1BFF;
	s21 =	sshll.u32 s7, $0x1;
	s4 =	sadd.s32 s5, s19  }
0xa2: {  	s8 =	simm.s32 $0x0;
	s20 =	sshll.u32 s6, $0x1;
	s6 =	sadd.s32 s21, s4  }
0xa3: {  	[timem:s8], [sflag:s22] =	dma.local [hbm:s6], s20  }
0xa4: {  	_ =	swait.ge [sflag:s22], s20  }
0xa5: {  	s5 =	ssub.s32 $0x0, s20;
	[sflag:s22] =	ssyncset.done $0x0  }
0xa6: {  	[sflag:s22] =	ssyncadd.s32 s5;
	_ =	sdelay $0x1  }
0xa7: {  	s23 =	simm.s32 $0x1B8B  }
0xa8: {  	_ =	swait.ge [sflag:s23], $0x1  }
0xa9: {  	[sflag:s23] =	ssyncset.done $0x0  }
0xaa: {  	s25 =	simm.s32 $0x1B8E;
	s24 =	sld [smem:$0x3FFE];
	[sflag:s23] =	ssyncadd.s32 $0xFFFFFFFF  }
0xab: {  	s26 =	simm.s32 $execute0_lowered;
	[smem:$0x3FD2] =	sst s25  }
0xac: {  	s6 =	sshll.u32 s26, $0x1;
	_ =	strace $0x80000046;
	[dreg:$0x1] =	wrdreg $0xFFFFFFFF  }
0xad: {  	s28 =	simm.s32 $_size_execute0_lowered;
	s4 =	sadd.s32 s4, s6;
	[dreg:$0x0] =	wrdreg $0x0  }
0xae: {  	s6 =	sshll.u32 s28, $0x1;
	[dreg:$0x2] =	wrdreg s4  }
0xaf: {  	[dreg:$0x3] =	wrdreg s6  }
0xb0: {  	[dreg:$0x4] =	wrdreg $0xC0  }
0xb1: {  	_ =	task [dreg:s8], $0x5FFFF  }
0xb2: {  	[dreg:$0x1] =	wrdreg $0xFFFFFFFF  }
0xb3: {  	[dreg:$0x0] =	wrdreg $0x60  }
0xb4: {  	[dreg:$0x2] =	wrdreg s24  }
0xb5: {  	[dreg:$0x3] =	wrdreg s16  }
0xb6: {  	[dreg:$0x4] =	wrdreg s17  }
0xb7: {  	[dreg:$0x5] =	wrdreg $0x9  }
0xb8: {  	_ =	task.clear_ibuf [dreg:s8], $0x6FFFF;
	_ =	strace $0x90000046  }
0xb9: {  	s29 =	simm.s32 $0x9;
	_ =	strace $0x80000048  }
0xba: {  	_ =	swait.ge [sflag:s29], $0x1  }
0xbb: {  	[sflag:s29] =	ssyncadd.s32 $0xFFFFFFFF  }
0xbc: {  	_ =	strace $0x90000048  }
0xbd: {  	_ =	sfence  }
0xbe: {  	s30 =	sld [smem:$0x0];
	_ =	sdelay $0x2  }
0xbf: {  	s31 =	sshll.u32 s1, $0xD;
	s1 =	sshrl.u32 s1, $0x2  }
0xc0: {  	s3 =	sand.u32 $0x4000, s31;
	s1 =	sadd.s32 s1, s30  }
0xc1: {  	s0 =	sor.u32 s3, s0;
	s1 =	sshll.u32 s1, $0x11  }
0xc2: {  	s0 =	sor.u32 s1, s0  }
0xc3: {  	s0 =	sadd.s32 $0x8F2B, s0  }
0xc4: {  	[sflag:s0] =	ssyncadd.remote.s32 $0x1  }
0xc5: {  	_ =	sfence.sel $0xFFFF  }
0xc6: {  	[dreg:$0x0] =	wrdreg $0xFFFFFFFF;
	(pc) =	sbr.abs _section_cstart, $3  }
0xc7: {  	[dreg:$0x1] =	wrdreg $0xFFFFFFFF  }
0xc8: {  	_ =	task.clear_ibuf [dreg:s8], $0x2FFFF;
	_ =	strace $0x9FFFFFFF  }
0xc9: {  	(tm) =	ssettm $0x7FFFFFFF  }
tec
execute0_lowered:
.L_overlay_start_1:
0x0: {  	(tag) =	ssettag $0x1  }
0x1: {  	s0 =	rddreg [dreg:$0x0]  }
0x2: {  	s1 =	rddreg [dreg:$0x1]  }
0x3: {  	s2 =	srdreg.scid;
	s5 =	stileid.u32  }
0x4: {  	s3 =	rddreg [dreg:$0x2];
	s14 =	simm.s32 $0x1;
	s15 =	simm.s32 $0x1000  }
0x5: {  	s16 =	simm.s32 $0x2000;
	s20 =	simm.s32 $0x12800;
	s28 =	simm.s32 $0x10680  }
0x6: {  	s29 =	simm.s32 $0x0;
	s4 =	sand.u32 $0x1, s2;
	s5 =	sshll.u32 s5, $0x1  }
0x7: {  	s2 =	simm.s32 $0x0;
	s7 =	sadd.s32 $0x2200, s0;
	s21 =	sadd.s32 $0x2000, s0  }
0x8: {  	s22 =	sadd.s32 $0x1E00, s0;
	s5 =	sor.u32 s4, s5;
	[smem:$0x7FF] =	sst s2  }
0x9: {  	s6 =	smul.u32 $0x30, s5;
	_ =	strace $0x80000047;
	[dreg:$0x4] =	wrdreg s7  }
0xa: {  	s4 =	ssub.s32 $0x2, s4;
	s5 =	smul.u32 $0x600, s5;
	[dreg:$0x5] =	wrdreg s21  }
0xb: {  	[dreg:$0x6] =	wrdreg s22;
	s24 =	sshrl.u32 s4, $0x1;
	s21 =	simm.s32 $0x12780  }
0xc: {  	s4 =	ssub.s32 s4, s24;
	s23 =	sadd.s32 s6, s0;
	s1 =	sadd.s32 s1, s6  }
.Ltmp0:
0xd: {  	s26 =	sadd.s32 s3, s6;
	[dreg:$0x7] =	wrdreg s1;
	(pc) =	sbr.rel .LBB2_1-.Ltmp0, $4  }
0xe: {  	v0 =	vlaneseq.u32;
	s0 =	sadd.s32 s5, s0;
	s25 =	sadd.s32 $0x2400, s23;
	[dreg:$0x9] =	wrdreg s26  }
0xf: {  	v2 =	vmul.u32 $0xFFFFFFFF, v0;
	s13 =	smax.u32 s4, $0x1;
	s30 =	sadd.s32 $0x2A00, s0;
	[dreg:$0x8] =	wrdreg s25  }
0x10: {  	s31 =	sadd.s32 $0xEA00, s0;
	s11 =	sadd.s32 $0x1AA00, s0;
	[dreg:$0xa] =	wrdreg s30  }
0x11: {  	v1 =	vimm.s32 $0x0;
	v2 =	vadd.s32 $0xF, v2;
	s12 =	sadd.s32 $0x26A00, s0;
	s26 =	simm.s32 $0xF600;
	[dreg:$0xb] =	wrdreg s31  }
.LBB2_31:
0x12: {  	s0 =	rddreg [dreg:$0xa];
	s1 =	simm.s32 $0x3600  }
0x13: {  	[hbm4b:s0+s2] =	stream.linear.scatter [tilespmem:s1], [sflag:$0x1], $0x3000, $0x38;
	[tilespmem:$0x16800] =	vst v63  }
0x14: {  	_ =	swait.ge [sflag:s14], $0x3000  }
0x15: {  	[sflag:s14] =	ssyncset.done $0x0  }
0x16: {  	s25 =	simm.s32 $0x6600;
	s24 =	rddreg [dreg:$0xb];
	[sflag:s14] =	ssyncadd.s32 $0xFFFFD000  }
0x17: {  	[hbm4b:s24+s2] =	stream.linear.scatter [tilespmem:s25], [sflag:$0x1], $0x3000, $0x38;
	[tilespmem:$0x16800] =	vst v63  }
0x18: {  	_ =	swait.ge [sflag:s14], $0x3000  }
0x19: {  	[sflag:s14] =	ssyncset.done $0x0  }
0x1a: {  	s30 =	simm.s32 $0x9600;
	[sflag:s14] =	ssyncadd.s32 $0xFFFFD000  }
0x1b: {  	[hbm4b:s11+s2] =	stream.linear.scatter [tilespmem:s30], [sflag:$0x1], $0x3000, $0x38;
	[tilespmem:$0x16800] =	vst v63  }
0x1c: {  	s29 =	sadd.s32 $0x1, s29;
	_ =	swait.ge [sflag:s14], $0x3000  }
0x1d: {  	p0 =	sne.s32 s29, s13;
	[sflag:s14] =	ssyncset.done $0x0  }
.Ltmp1:
0x1e: {  	s31 =	simm.s32 $0xC600;
	[sflag:s14] =	ssyncadd.s32 $0xFFFFD000;
	(pc) =	sbr.rel @!p0 .LBB2_32-.Ltmp1, $4  }
0x1f: {  	[hbm4b:s12+s2] =	stream.linear.scatter [tilespmem:s31], [sflag:$0x1], $0x3000, $0x38;
	[tilespmem:$0x16800] =	vst v63  }
0x20: {  	_ =	swait.ge [sflag:s14], $0x3000  }
0x21: {  	[sflag:s14] =	ssyncset.done $0x0  }
0x22: {  	[sflag:s14] =	ssyncadd.s32 $0xFFFFD000  }
.LBB2_1:
0x23: {  	s0 =	rddreg [dreg:$0x4]  }
0x24: {  	[tilespmem:s2], [sflag:$0x1] =	stream.linear.gather [hbm4b:s0+s2], $0x1000, $0x38;
	[tilespmem:$0x16800] =	vst v63  }
0x25: {  	_ =	swait.ge [sflag:s14], $0x1000  }
0x26: {  	[sflag:s14] =	ssyncset.done $0x0  }
0x27: {  	s19 =	rddreg [dreg:$0x5];
	[sflag:s14] =	ssyncadd.s32 $0xFFFFF000  }
0x28: {  	[tilespmem:s15], [sflag:$0x1] =	stream.linear.gather [hbm4b:s19+s2], $0x1000, $0x38;
	[tilespmem:$0x16800] =	vst v63  }
0x29: {  	_ =	swait.ge [sflag:s14], $0x1000  }
0x2a: {  	[sflag:s14] =	ssyncset.done $0x0  }
0x2b: {  	s22 =	rddreg [dreg:$0x6];
	[sflag:s14] =	ssyncadd.s32 $0xFFFFF000  }
0x2c: {  	[tilespmem:s16], [sflag:$0x1] =	stream.linear.gather [hbm4b:s22+s2], $0x1000, $0x38;
	[tilespmem:$0x16800] =	vst v63  }
0x2d: {  	_ =	swait.ge [sflag:s14], $0x1000  }
0x2e: {  	[sflag:s14] =	ssyncset.done $0x0  }
0x2f: {  	s1 =	simm.s32 $0x3000;
	s23 =	rddreg [dreg:$0x7];
	[sflag:s14] =	ssyncadd.s32 $0xFFFFF000  }
0x30: {  	[tilespmem:s1], [sflag:$0x1] =	stream.linear.gather [hbm4b:s23+s2], $0x180, $0x38;
	[tilespmem:$0x16800] =	vst v63  }
0x31: {  	_ =	swait.ge [sflag:s14], $0x180  }
0x32: {  	[sflag:s14] =	ssyncset.done $0x0  }
0x33: {  	s25 =	simm.s32 $0x3200;
	s24 =	rddreg [dreg:$0x8];
	[sflag:s14] =	ssyncadd.s32 $0xFFFFFE80  }
0x34: {  	[tilespmem:s25], [sflag:$0x1] =	stream.linear.gather [hbm4b:s24+s2], $0x180, $0x38;
	[tilespmem:$0x16800] =	vst v63  }
0x35: {  	_ =	swait.ge [sflag:s14], $0x180  }
0x36: {  	[sflag:s14] =	ssyncset.done $0x0  }
0x37: {  	s31 =	simm.s32 $0x3400;
	s30 =	rddreg [dreg:$0x9];
	[sflag:s14] =	ssyncadd.s32 $0xFFFFFE80  }
0x38: {  	[tilespmem:s31], [sflag:$0x1] =	stream.linear.gather [hbm4b:s30+s2], $0x180, $0x38;
	[tilespmem:$0x16800] =	vst v63  }
0x39: {  	_ =	swait.ge [sflag:s14], $0x180  }
0x3a: {  	[sflag:s14] =	ssyncset.done $0x0  }
0x3b: {  	s0 =	simm.s32 $0x0;
	[sflag:s14] =	ssyncadd.s32 $0xFFFFFE80  }
0x3c: {  	v3 =	vld [tilespmem:s0+$0x0]  }
0x3d: {  	v4 =	vld [tilespmem:s0+$0x1000]  }
0x3e: {  	v5 =	vld [tilespmem:s0+$0x2000];
	_ =	sdelay $0x2  }
0x3f: {  	s1 =	simm.s32 $0x10;
	v6 =	vmul.f32 $4.000000000e+00, v3  }
0x40: {  	v7 =	vmul.f32 $4.000000000e+00, v4;
	v3 =	vld [tilespmem:s1+$0x0]  }
0x41: {  	v8 =	vmul.f32 $4.000000000e+00, v5;
	v4 =	vld [tilespmem:s1+$0x1000];
	v5 =	vtrunc.f32 v6  }
0x42: {  	v7 =	vtrunc.f32 v7;
	v6 =	vcvt.f32.s32 v5;
	v5 =	vld [tilespmem:s1+$0x2000]  }
0x43: {  	v7 =	vcvt.f32.s32 v7  }
0x44: {  	s3 =	simm.s32 $0x80;
	v8 =	vtrunc.f32 v8  }
.LBB2_2:
0x45: {  	s4 =	sshra.s32 s3, $0x2;
	v8 =	vcvt.f32.s32 v8;
	v6 =	vshll.u32 v6, $0x4;
	v7 =	vshll.u32 v7, $0x2;
	p0 =	sne.s32 s3, $0x3FC0  }
.Ltmp2:
0x46: {  	s3 =	sadd.s32 $0x40, s3;
	v9 =	vmul.f32 $4.000000000e+00, v3;
	v3 =	vld [tilespmem:s4+$0x0];
	v10 =	vmul.f32 $4.000000000e+00, v4;
	v6 =	vadd.s32 v6, v7;
	(pc) =	sbr.rel @p0 .LBB2_2-.Ltmp2, $4  }
0x47: {  	v4 =	vld [tilespmem:s4+$0x1000];
	v11 =	vmul.f32 $4.000000000e+00, v5;
	v6 =	vadd.s32 v8, v6  }
0x48: {  	v7 =	vtrunc.f32 v9;
	v5 =	vld [tilespmem:s4+$0x2000];
	v8 =	vtrunc.f32 v10;
	[tilespmem:s0+$0x11700] =	vst v6;
	s0 =	smov.u32 s1;
	s1 =	smov.u32 s4  }
0x49: {  	v6 =	vcvt.f32.s32 v7;
	v7 =	vcvt.f32.s32 v8  }
0x4a: {  	v8 =	vtrunc.f32 v11  }
0x4b: {  	_ = 	snop  }
0x4c: {  	v3 =	vmul.f32 $4.000000000e+00, v3;
	v4 =	vmul.f32 $4.000000000e+00, v4  }
0x4d: {  	v5 =	vmul.f32 $4.000000000e+00, v5  }
0x4e: {  	v6 =	vshll.u32 v6, $0x4;
	v3 =	vtrunc.f32 v3;
	v4 =	vtrunc.f32 v4  }
0x4f: {  	v7 =	vshll.u32 v7, $0x2;
	v3 =	vcvt.f32.s32 v3;
	v4 =	vcvt.f32.s32 v4  }
0x50: {  	v8 =	vcvt.f32.s32 v8;
	v6 =	vadd.s32 v6, v7;
	v5 =	vtrunc.f32 v5  }
0x51: {  	v5 =	vcvt.f32.s32 v5;
	v3 =	vshll.u32 v3, $0x4;
	v4 =	vshll.u32 v4, $0x2  }
0x52: {  	v6 =	vadd.s32 v8, v6;
	v3 =	vadd.s32 v3, v4  }
0x53: {  	[tilespmem:s0+$0x11700] =	vst v6;
	v3 =	vadd.s32 v5, v3  }
0x54: {  	[tilespmem:s1+$0x11700] =	vst v3  }
0x55: {  	[tilespmem:$0x12780] =	vst v1  }
0x56: {  	[tilespmem:$0x12790] =	vst v1  }
0x57: {  	[tilespmem:$0x127A0] =	vst v1  }
0x58: {  	[tilespmem:$0x127B0] =	vst v1  }
0x59: {  	s1 =	simm.s32 $0x11700;
	[tilespmem:$0x127C0] =	vst v1  }
0x5a: {  	v3 =	vld [tilespmem:s1+$0x0]  }
0x5b: {  	s30 =	simm.s32 $0x0;
	s3 =	simm.s32 $0x1;
	s0 =	simm.s32 $0x0  }
.LBB2_4:
0x5c: {  	p0 =	sne.s32 s3, $0xFFF;
	_ =	sdelay $0x2  }
0x5d: {  	v4 =	vbroadcast v3, $0x0;
	(v2sf) =	vpush v3, $0x0;
	_ =	sdelay $0xe  }
0x5e: {  	s4 =	spop (v2sf)  }
0x5f: {  	v3 =	vld [tilespmem:s4+$0x12780];
	_ =	sdelay $0x4  }
0x60: {  	(v2sf) =	vpush v3, $0x0;
	_ =	sdelay $0xe  }
0x61: {  	s4 =	sshll.u32 s4, $0x8;
	s5 =	spop (v2sf)  }
0x62: {  	s4 =	sadd.s32 s5, s4;
	s5 =	sadd.s32 $0x1, s5  }
0x63: {  	v3 =	vmov s4;
	_ =	sdelay $0x3  }
.Ltmp3:
0x64: {  	v5 =	vmov s0;
	s0 =	smov.u32 s3;
	(pc) =	sbr.rel @p0 .LBB2_4-.Ltmp3, $4  }
0x65: {  	[tilespmem:v3+s20+$0x0] =	vst.idx.msk $0x1, v5;
	v3 =	vmov s5  }
0x66: {  	s1 =	sadd.s32 $0x1, s1;
	[tilespmem:v4+s21+$0x0] =	vst.idx.msk $0x1, v3  }
0x67: {  	v3 =	vld [tilespmem:s1+$0x0]  }
0x68: {  	s3 =	sadd.s32 $0x1, s3  }
0x69: {  	_ =	sdelay $0x2  }
0x6a: {  	(v2sf) =	vpush v3, $0x0;
	_ =	sdelay $0xe  }
0x6b: {  	s1 =	spop (v2sf)  }
0x6c: {  	v4 =	vld [tilespmem:s1+$0x12780];
	_ =	sdelay $0x4  }
0x6d: {  	(v2sf) =	vpush v4, $0x0;
	_ =	sdelay $0xe  }
0x6e: {  	s1 =	sshll.u32 s1, $0x8;
	s3 =	spop (v2sf)  }
0x6f: {  	s1 =	sadd.s32 s3, s1  }
0x70: {  	v3 =	vbroadcast v3, $0x0;
	v62 =	vmov s1;
	_ =	sdelay $0x1  }
.Ltmp4:
0x71: {  	_ = 	snop;
	(pc) =	sbr.rel .LBB2_6-.Ltmp4, $4  }
0x72: {  	_ = 	snop  }
0x73: {  	v5 =	vmov s0;
	s31 =	sadd.s32 $0x1, s3  }
0x74: {  	v63 =	vmov s31;
	[tilespmem:v62+s20+$0x0] =	vst.idx.msk $0x1, v5  }
0x75: {  	[tilespmem:v3+s21+$0x0] =	vst.idx.msk $0x1, v63  }
.LBB2_23:
0x76: {  	v5 =	vimm.f32 $1.000000020e+30;
	v6 =	vimm.s32 $0x0  }
.LBB2_30:
0x77: {  	_ =	sdelay $0x3  }
0x78: {  	v7 =	vld.idx.msk [tilespmem:v4+s2+$0x0], $0xffff;
	_ =	sdelay $0x3  }
0x79: {  	s0 =	sshll.u32 s30, $0x5  }
0x7a: {  	[tilespmem:s0+$0x3600] =	vst v7  }
0x7b: {  	v7 =	vld.idx.msk [tilespmem:v6+s2+$0x0], $0xffff;
	_ =	sdelay $0x4  }
0x7c: {  	[tilespmem:s0+$0x3610] =	vst v7  }
0x7d: {  	v7 =	vld.idx.msk [tilespmem:v4+s15+$0x0], $0xffff;
	_ =	sdelay $0x4  }
0x7e: {  	[tilespmem:s0+$0x6600] =	vst v7  }
0x7f: {  	v7 =	vld.idx.msk [tilespmem:v6+s15+$0x0], $0xffff;
	_ =	sdelay $0x4  }
0x80: {  	[tilespmem:s0+$0x6610] =	vst v7  }
0x81: {  	v63 =	vld.idx.msk [tilespmem:v4+s16+$0x0], $0xffff;
	_ =	sdelay $0x4  }
0x82: {  	s30 =	sadd.s32 $0x1, s30;
	[tilespmem:s0+$0x9600] =	vst v63  }
0x83: {  	p0 =	sne.s32 s30, $0x180;
	v4 =	vld.idx.msk [tilespmem:v6+s16+$0x0], $0xffff  }
.Ltmp5:
0x84: {  	_ = 	snop;
	(pc) =	sbr.rel @!p0 .LBB2_31-.Ltmp5, $4  }
0x85: {  	_ = 	snop  }
0x86: {  	[tilespmem:s0+$0xC600] =	vst v3  }
0x87: {  	[tilespmem:s0+$0xC610] =	vst v5  }
0x88: {  	[tilespmem:s0+$0x9610] =	vst v4  }
.LBB2_6:
0x89: {  	v3 =	vld.msk [tilespmem:s30+$0x3000 ss:$0x0], $0xffff;
	_ =	sdelay $0x4  }
0x8a: {  	v6 =	vmul.f32 $4.000000000e+00, v3;
	_ =	sdelay $0x1  }
0x8b: {  	v4 =	vld.msk [tilespmem:s30+$0x3200 ss:$0x0], $0xffff;
	v6 =	vtrunc.f32 v6  }
0x8c: {  	v5 =	vld.msk [tilespmem:s30+$0x3400 ss:$0x0], $0xffff;
	v6 =	vcvt.f32.s32 v6;
	_ =	sdelay $0x1  }
0x8d: {  	vm0 =	vgt.s32 v6, $0x0  }
0x8e: {  	v6 =	vnsel vm0, $0x0, v6  }
0x8f: {  	v7 =	vmul.f32 $4.000000000e+00, v4;
	v6 =	vmin.u32 v6, $0x3  }
0x90: {  	v8 =	vmul.f32 $4.000000000e+00, v5;
	(v2sf) =	vpush v6, $0x0  }
0x91: {  	v7 =	vtrunc.f32 v7  }
0x92: {  	v8 =	vtrunc.f32 v8;
	v7 =	vcvt.f32.s32 v7  }
0x93: {  	v8 =	vcvt.f32.s32 v8  }
0x94: {  	vm14 =	vgt.s32 v7, $0x0  }
0x95: {  	vm15 =	vgt.s32 v8, $0x0;
	v6 =	vnsel vm14, $0x0, v7  }
0x96: {  	v7 =	vnsel vm15, $0x0, v8;
	v6 =	vmin.u32 v6, $0x3  }
0x97: {  	v7 =	vmin.u32 v7, $0x3;
	(v2sf) =	vpush v6, $0x0  }
0x98: {  	(v2sf) =	vpush v7, $0x0;
	_ =	sdelay $0x6  }
0x99: {  	s3 =	spop (v2sf)  }
0x9a: {  	s0 =	smin.u32 s3, $0x2  }
0x9b: {  	s31 =	sadd.s32 $0x2, s0  }
0x9c: {  	p0 =	sgt.u32 s3, s31  }
.Ltmp6:
0x9d: {  	_ = 	snop;
	(pc) =	sbr.rel @!p0 .LBB2_7-.Ltmp6, $3  }
0x9e: {  	_ =	sdelay $0x1  }
0x9f: {  	s0 =	spop (v2sf)  }
0xa0: {  	s7 =	simm.s32 $0x0;
	s1 =	spop (v2sf)  }
.LBB2_22:
0xa1: {  	s0 =	sadd.s32 $0xF, s7  }
0xa2: {  	s1 =	sand.u32 $0xF, s0  }
0xa3: {  	s31 =	sshra.s32 s0, $0x1F;
	p1 =	slt.s32 s0, $0x1;
	p0 =	sne.s32 s1, $0x0  }
0xa4: {  	s1 =	sshrl.u32 s31, $0x1C;
	p0 =	por !p1, !p0  }
0xa5: {  	s0 =	sadd.s32 s1, s0;
	s1 =	simm.s32 $0x1;
	p0 =	por !p0, !p0  }
0xa6: {  	s0 =	sshra.s32 s0, $0x4;
	s1 =	simm.s32 @!p0 $0x0  }
0xa7: {  	s0 =	ssub.s32 s0, s1  }
0xa8: {  	p0 =	slt.s32 s0, $0x1  }
.Ltmp7:
0xa9: {  	_ = 	snop;
	(pc) =	sbr.rel @p0 .LBB2_23-.Ltmp7, $4  }
0xaa: {  	_ = 	snop  }
0xab: {  	v3 =	vimm.f32 $1.000000020e+30  }
0xac: {  	v4 =	vimm.s32 $0x0;
	[tilespmem:s7+$0xF600] =	vst v3  }
0xad: {  	[tilespmem:s7+$0x10680] =	vst v4  }
0xae: {  	s1 =	simm.s32 $0xF600  }
0xaf: {  	s3 =	simm.s32 $0x10680;
	v5 =	vld [tilespmem:s1+$0x0]  }
0xb0: {  	p1 =	sne.s32 s0, $0x1;
	v6 =	vld [tilespmem:s3+$0x0]  }
.Ltmp8:
0xb1: {  	_ = 	snop;
	(pc) =	sbr.rel @!p1 .LBB2_25-.Ltmp8, $2  }
0xb2: {  	_ =	sdelay $0x2  }
0xb3: {  	p0 =	por $0x0, $0x0;
	s3 =	sadd.s32 $0xFFFFFFFF, s0;
	(xrf1) =	vsort.ascd.msk.f32 $0xffff, v5, v6  }
0xb4: {  	_ =	sdelay $0xc  }
0xb5: {  	v5, v6, _ =	vpop (xrf1)  }
0xb6: {  	s0 =	simm.s32 $0xF610;
	v5 =	vperm.xlane v5, v2  }
0xb7: {  	s1 =	simm.s32 $0x10690;
	v7 =	vld [tilespmem:s0+$0x0];
	v6 =	vperm.xlane v6, v2  }
0xb8: {  	p1 =	sne.s32 s3, $0x1;
	v8 =	vld [tilespmem:s1+$0x0];
	vm0 =	vle.f32 v3, v5  }
.Ltmp9:
0xb9: {  	v5 =	vsel vm0, v3, v5;
	v6 =	vsel vm0, v4, v6;
	(pc) =	sbr.rel @!p1 .LBB2_27-.Ltmp9, $2  }
0xba: {  	(xrf1) =	vsort.ascd.msk.f32 $0xffff, v5, v6;
	_ =	sdelay $0x2  }
0xbb: {  	s3 =	sadd.s32 $0xFFFFFFFF, s3;
	p0 =	por $0x1, $0x1;
	v6 =	vimm.f32 $1.000000020e+30;
	v5 =	vimm.s32 $0x0;
	(xrf1) =	vsort.ascd.msk.f32 $0xffff, v7, v8  }
.LBB2_28:
0xbc: {  	_ = 	snop  }
0xbd: {  	p1 =	sne.s32 s3, $0x1;
	s3 =	sadd.s32 $0xFFFFFFFF, s3;
	_ =	sdelay $0x8  }
0xbe: {  	v7, v8, _ =	vpop (xrf1)  }
0xbf: {  	v7 =	vperm.xlane v7, v2  }
0xc0: {  	v8 =	vperm.xlane v8, v2  }
0xc1: {  	v9, v10, _ =	vpop (xrf1);
	vm0 =	vle.f32 v6, v7  }
0xc2: {  	v9 =	vperm.xlane v9, v2;
	v11 =	vsel vm0, v7, v6;
	v12 =	vsel vm0, v8, v5  }
0xc3: {  	v6 =	vsel vm0, v6, v7;
	v5 =	vsel vm0, v5, v8;
	(xrf1) =	vsort.ascd.msk.f32 $0xffff, v11, v12  }
0xc4: {  	(xrf1) =	vsort.ascd.msk.f32 $0xffff, v6, v5;
	_ =	sdelay $0xb  }
0xc5: {  	s0 =	sadd.s32 $0x10, s0  }
0xc6: {  	s1 =	sadd.s32 $0x10, s1;
	v8 =	vperm.xlane v10, v2;
	v7 =	vld [tilespmem:s0+$0x0];
	v10, v11, _ =	vpop (xrf1)  }
0xc7: {  	v12 =	vld [tilespmem:s1+$0x0];
	vm0 =	vle.f32 v10, v9;
	v6, v5, _ =	vpop (xrf1)  }
.Ltmp10:
0xc8: {  	v9 =	vsel vm0, v10, v9;
	v8 =	vsel vm0, v11, v8;
	(pc) =	sbr.rel @p1 .LBB2_28-.Ltmp10, $2  }
0xc9: {  	(xrf1) =	vsort.ascd.msk.f32 $0xffff, v9, v8;
	_ =	sdelay $0x2  }
0xca: {  	(xrf1) =	vsort.ascd.msk.f32 $0xffff, v7, v12  }
.LBB2_29:
0xcb: {  	_ =	sdelay $0x9  }
0xcc: {  	v7, v8, _ =	vpop @p0 (xrf1)  }
0xcd: {  	v7 =	vperm.xlane @p0 v7, v2  }
0xce: {  	v8 =	vperm.xlane @p0 v8, v2  }
0xcf: {  	vm0 =	vle.f32 @p0 v6, v7  }
0xd0: {  	v9 =	vsel @p0 vm0, v7, v6;
	v10 =	vsel @p0 vm0, v8, v5  }
0xd1: {  	(xrf1) =	vsort.ascd.msk.f32 @p0 $0xffff, v9, v10;
	_ =	sdelay $0xc  }
0xd2: {  	v9, v10, _ =	vpop (xrf1)  }
0xd3: {  	v9 =	vperm.xlane v9, v2;
	v11, v12, _ =	vpop @p0 (xrf1)  }
0xd4: {  	v6 =	vsel @p0 vm0, v6, v7;
	v7 =	vperm.xlane v10, v2;
	v63 =	vpsel p0, v11, v3  }
0xd5: {  	v5 =	vsel @p0 vm0, v5, v8;
	v8 =	vpsel p0, v12, v4;
	vm14 =	vle.f32 v63, v9  }
0xd6: {  	(xrf1) =	vsort.ascd.msk.f32 @p0 $0xffff, v6, v5;
	v5 =	vsel vm14, v63, v9;
	v6 =	vsel vm14, v8, v7  }
0xd7: {  	(xrf1) =	vsort.ascd.msk.f32 $0xffff, v5, v6;
	_ =	sdelay $0xc  }
0xd8: {  	v5, v6, _ =	vpop @p0 (xrf1)  }
0xd9: {  	v7, v8, _ =	vpop (xrf1)  }
0xda: {  	v7 =	vperm.xlane v7, v2  }
0xdb: {  	v3 =	vpsel p0, v5, v3;
	v5 =	vperm.xlane v8, v2  }
0xdc: {  	v4 =	vpsel p0, v6, v4;
	vm15 =	vle.f32 v3, v7  }
0xdd: {  	v6 =	vsel vm15, v7, v3;
	v8 =	vsel vm15, v5, v4  }
0xde: {  	v3 =	vsel vm15, v3, v7;
	v4 =	vsel vm15, v4, v5;
	(xrf1) =	vsort.ascd.msk.f32 $0xffff, v6, v8  }
0xdf: {  	(xrf1) =	vsort.ascd.msk.f32 $0xffff, v3, v4;
	_ =	sdelay $0x9  }
.Ltmp11:
0xe0: {  	_ = 	snop;
	(pc) =	sbr.rel .LBB2_30-.Ltmp11, $3  }
0xe1: {  	_ =	sdelay $0x1  }
0xe2: {  	v5, v6, _ =	vpop (xrf1)  }
0xe3: {  	v3, v4, _ =	vpop (xrf1)  }
.LBB2_7:
0xe4: {  	s4 =	smax.u32 s0, $0x1  }
0xe5: {  	s6 =	smax.u32 s1, $0x1;
	s7 =	smax.u32 s3, $0x1;
	s8 =	smin.u32 s1, $0x2  }
0xe6: {  	s9 =	smin.u32 s0, $0x2;
	s3 =	sadd.s32 $0xFFFFFFFF, s4;
	s5 =	sadd.s32 $0xFFFFFFFF, s6  }
.Ltmp12:
0xe7: {  	s18 =	sadd.s32 $0xFFFFFFFF, s7;
	s6 =	sshll.u32 s6, $0x8;
	(pc) =	sbr.rel .LBB2_8-.Ltmp12, $4  }
0xe8: {  	s7 =	sshll.u32 s7, $0xC;
	s4 =	sshll.u32 s4, $0xA;
	s8 =	sadd.s32 $0x2, s8  }
0xe9: {  	s9 =	sadd.s32 $0x2, s9;
	s6 =	sor.u32 s6, s7;
	s19 =	smax.u32 s1, s8  }
0xea: {  	s22 =	smax.u32 s0, s9;
	s7 =	simm.s32 $0x0;
	s4 =	sor.u32 s6, s4  }
0xeb: {  	p0 =	sgt.u32 s0, s9;
	p1 =	sgt.u32 s1, s8;
	s4 =	sadd.s32 $0xFFFFEB00, s4  }
.LBB2_21:
0xec: {  	s18 =	sadd.s32 $0x1, s18  }
0xed: {  	p2 =	sne.s32 s18, s31  }
.Ltmp13:
0xee: {  	_ = 	snop;
	(pc) =	sbr.rel @!p2 .LBB2_22-.Ltmp13, $2  }
0xef: {  	_ =	sdelay $0x2  }
0xf0: {  	s4 =	sadd.s32 $0x1000, s4  }
.LBB2_8:
.Ltmp14:
0xf1: {  	(pc) =	sbr.rel @p0 .LBB2_21-.Ltmp14, $1  }
0xf2: {  	_ =	sdelay $0x3  }
.Ltmp15:
0xf3: {  	(pc) =	sbr.rel .LBB2_10-.Ltmp15, $2  }
0xf4: {  	_ =	sdelay $0x2  }
0xf5: {  	s24 =	sshll.u32 s18, $0x4;
	s25 =	smov.u32 s4;
	s0 =	smov.u32 s3  }
.LBB2_20:
0xf6: {  	s0 =	sadd.s32 $0x1, s0  }
0xf7: {  	p2 =	sne.s32 s0, s22  }
.Ltmp16:
0xf8: {  	_ = 	snop;
	(pc) =	sbr.rel @!p2 .LBB2_21-.Ltmp16, $2  }
0xf9: {  	_ =	sdelay $0x2  }
0xfa: {  	s25 =	sadd.s32 $0x400, s25  }
.LBB2_10:
.Ltmp17:
0xfb: {  	(pc) =	sbr.rel @p1 .LBB2_20-.Ltmp17, $1  }
0xfc: {  	_ =	sdelay $0x3  }
.Ltmp18:
0xfd: {  	(pc) =	sbr.rel .LBB2_12-.Ltmp18, $4  }
0xfe: {  	_ = 	snop  }
0xff: {  	s1 =	sshll.u32 s0, $0x2  }
0x100: {  	s1 =	sadd.s32 s24, s1  }
0x101: {  	s23 =	smov.u32 s25;
	s17 =	smov.u32 s5;
	v6 =	vmov s1  }
.LBB2_14:
0x102: {  	s1 =	smov.u32 s7  }
.LBB2_18:
0x103: {  	_ =	sdelay $0x4  }
0x104: {  	s8 =	sor.u32 s10, s9;
	[tilespmem:v9+s28+$0x0] =	vst.idx.msk @p2 vm0, v8  }
0x105: {  	v8 =	vld [tilespmem:s8+$0x12800];
	_ =	sdelay $0x2  }
0x106: {  	v60 =	vor.u32 s6, v0  }
0x107: {  	vm15 =	vlt.s32 v60, v7  }
0x108: {  	v7 =	vnsel vm15, $0x0, v8;
	_ =	sdelay $0x4  }
0x109: {  	v8 =	vld.idx.msk [tilespmem:v7+s2+$0x0], $0xffff  }
0x10a: {  	v61 =	vld.idx.msk [tilespmem:v7+s15+$0x0], $0xffff;
	_ =	sdelay $0x1  }
0x10b: {  	v10 =	vld.idx.msk [tilespmem:v7+s16+$0x0], $0xffff;
	_ =	sdelay $0x2  }
0x10c: {  	v8 =	vsub.f32 v8, v3;
	v9 =	vsub.f32 v61, v4;
	_ =	sdelay $0x1  }
0x10d: {  	v10 =	vsub.f32 v10, v5;
	v8 =	vmul.f32 v8, v8;
	v9 =	vmul.f32 v9, v9;
	_ =	sdelay $0x1  }
0x10e: {  	v62 =	vmul.f32 v10, v10;
	v8 =	vadd.f32 v9, v8;
	_ =	sdelay $0x1  }
0x10f: {  	v8 =	vadd.f32 v62, v8;
	_ =	sdelay $0x1  }
0x110: {  	vm1 =	vle.f32 v8, $6.250000000e-02  }
0x111: {  	vm0 =	vmand vm15, vm1  }
0x112: {  	v63 =	vsel vm0, $0x1, v1  }
0x113: {  	(xrf0) =	vadd.scan.msk.s32 $0xffff, v63;
	_ =	sdelay $0x5  }
0x114: {  	v9, _, _ =	vpop (xrf0)  }
0x115: {  	(v2sf) =	vpush v9, $0xF;
	_ =	sdelay $0x5  }
0x116: {  	s6 =	spop @p2 (v2sf)  }
0x117: {  	s1 =	sadd.s32 @p2 s1, s6  }
0x118: {  	s7 =	smov.u32 @p2 s1  }
0x119: {  	s1 =	sadd.s32 $0xFFFFFFFF, s7  }
0x11a: {  	v9 =	vadd.s32 s1, v9;
	_ =	sdelay $0x4  }
0x11b: {  	[tilespmem:v9+s26+$0x0] =	vst.idx.msk vm0, v8;
	s10 =	spop (v2sf)  }
0x11c: {  	[tilespmem:v9+s28+$0x0] =	vst.idx.msk vm0, v7;
	s7 =	sadd.s32 s7, s10  }
.LBB2_19:
0x11d: {  	s17 =	sadd.s32 $0x1, s17  }
0x11e: {  	p2 =	sne.s32 s17, s19  }
.Ltmp19:
0x11f: {  	_ = 	snop;
	(pc) =	sbr.rel @!p2 .LBB2_20-.Ltmp19, $2  }
0x120: {  	_ =	sdelay $0x2  }
0x121: {  	s23 =	sadd.s32 $0x100, s23  }
.LBB2_12:
0x122: {  	_ =	sdelay $0x3  }
0x123: {  	v7 =	vld.idx.msk [tilespmem:v6+s17+$0x12780 ss:$0x1], $0xffff;
	_ =	sdelay $0x4  }
0x124: {  	(v2sf) =	vpush v7, $0x0;
	_ =	sdelay $0xe  }
0x125: {  	s1 =	spop (v2sf)  }
0x126: {  	s1 =	sadd.s32 $0xF, s1  }
0x127: {  	s6 =	sand.u32 $0xF, s1  }
0x128: {  	s10 =	sshra.s32 s1, $0x1F;
	p3 =	slt.s32 s1, $0x1;
	p2 =	sne.s32 s6, $0x0  }
0x129: {  	s6 =	sshrl.u32 s10, $0x1C;
	p2 =	por !p3, !p2  }
0x12a: {  	s1 =	sadd.s32 s6, s1;
	s6 =	simm.s32 $0x1;
	p2 =	por !p2, !p2  }
0x12b: {  	s1 =	sshra.s32 s1, $0x4;
	s6 =	simm.s32 @!p2 $0x0  }
0x12c: {  	s1 =	ssub.s32 s1, s6  }
0x12d: {  	p2 =	slt.s32 s1, $0x1  }
.Ltmp20:
0x12e: {  	_ = 	snop;
	(pc) =	sbr.rel @p2 .LBB2_19-.Ltmp20, $1  }
0x12f: {  	_ =	sdelay $0x3  }
0x130: {  	p3 =	sne.s32 s1, $0x1  }
.Ltmp21:
0x131: {  	_ = 	snop;
	(pc) =	sbr.rel @!p3 .LBB2_14-.Ltmp21, $3  }
0x132: {  	_ =	sdelay $0x1  }
0x133: {  	s8 =	sadd.s32 $0x0, s23;
	s6 =	simm.s32 $0x0;
	s1 =	sadd.s32 $0xFFFFFFFF, s1  }
0x134: {  	v7 =	vbroadcast v7, $0x0;
	p2 =	por $0x0, $0x0;
	s9 =	sand.u32 $0xFFFFFF80, s8;
	s10 =	sand.u32 $0x70, s6  }
0x135: {  	s8 =	sor.u32 s10, s9  }
0x136: {  	v8 =	vld [tilespmem:s8+$0x12800];
	_ =	sdelay $0x2  }
0x137: {  	v9 =	vor.u32 s6, v0  }
0x138: {  	vm0 =	vlt.s32 v9, v7  }
0x139: {  	v8 =	vnsel vm0, $0x0, v8;
	_ =	sdelay $0x4  }
0x13a: {  	v9 =	vld.idx.msk [tilespmem:v8+s2+$0x0], $0xffff  }
0x13b: {  	v10 =	vld.idx.msk [tilespmem:v8+s15+$0x0], $0xffff;
	_ =	sdelay $0x1  }
0x13c: {  	v11 =	vld.idx.msk [tilespmem:v8+s16+$0x0], $0xffff;
	_ =	sdelay $0x2  }
0x13d: {  	v9 =	vsub.f32 v9, v3;
	v10 =	vsub.f32 v10, v4;
	_ =	sdelay $0x1  }
0x13e: {  	v11 =	vsub.f32 v11, v5;
	v9 =	vmul.f32 v9, v9;
	v10 =	vmul.f32 v10, v10;
	_ =	sdelay $0x1  }
0x13f: {  	v9 =	vadd.f32 v10, v9;
	v10 =	vmul.f32 v11, v11;
	_ =	sdelay $0x1  }
0x140: {  	v10 =	vadd.f32 v10, v9;
	_ =	sdelay $0x1  }
0x141: {  	vm1 =	vle.f32 v10, $6.250000000e-02  }
0x142: {  	vm0 =	vmand vm0, vm1  }
0x143: {  	v9 =	vsel vm0, $0x1, v1  }
0x144: {  	(xrf0) =	vadd.scan.msk.s32 $0xffff, v9;
	_ =	sdelay $0x5  }
0x145: {  	s9 =	sadd.s32 $0xFFFFFFFF, s7;
	v11, _, _ =	vpop (xrf0)  }
0x146: {  	p3 =	sne.s32 s1, $0x1;
	v9 =	vadd.s32 s9, v11;
	(v2sf) =	vpush v11, $0xF  }
.Ltmp22:
0x147: {  	_ = 	snop;
	(pc) =	sbr.rel @!p3 .LBB2_16-.Ltmp22, $4  }
0x148: {  	_ = 	snop  }
0x149: {  	s10 =	sadd.s32 $0x10, s23  }
0x14a: {  	s6 =	simm.s32 $0x10;
	p2 =	por $0x1, $0x1;
	s8 =	sadd.s32 $0xFFFFFFFF, s1  }
0x14b: {  	s1 =	smov.u32 s7;
	s9 =	sand.u32 $0xFFFFFF80, s10;
	s10 =	sand.u32 $0x70, s6;
	[tilespmem:v9+s26+$0x0] =	vst.idx.msk vm0, v10  }
.LBB2_17:
0x14c: {  	p3 =	sne.s32 s8, $0x1;
	s9 =	sor.u32 s10, s9;
	[tilespmem:v9+s28+$0x0] =	vst.idx.msk vm0, v8  }
0x14d: {  	v8 =	vld [tilespmem:s9+$0x12800];
	_ =	sdelay $0x2  }
0x14e: {  	v9 =	vor.u32 s6, v0  }
0x14f: {  	vm0 =	vlt.s32 v9, v7  }
0x150: {  	v8 =	vnsel vm0, $0x0, v8;
	_ =	sdelay $0x2  }
0x151: {  	s9 =	spop (v2sf)  }
0x152: {  	s1 =	sadd.s32 s1, s9  }
0x153: {  	v9 =	vld.idx.msk [tilespmem:v8+s2+$0x0], $0xffff;
	s9 =	sadd.s32 $0xFFFFFFFF, s1  }
0x154: {  	v10 =	vld.idx.msk [tilespmem:v8+s15+$0x0], $0xffff;
	_ =	sdelay $0x1  }
0x155: {  	v11 =	vld.idx.msk [tilespmem:v8+s16+$0x0], $0xffff;
	_ =	sdelay $0x3  }
0x156: {  	v9 =	vsub.f32 v9, v3;
	v10 =	vsub.f32 v10, v4;
	_ =	sdelay $0x1  }
0x157: {  	v9 =	vmul.f32 v9, v9;
	v11 =	vsub.f32 v11, v5;
	v10 =	vmul.f32 v10, v10;
	_ =	sdelay $0x1  }
0x158: {  	v9 =	vadd.f32 v10, v9;
	v10 =	vmul.f32 v11, v11;
	_ =	sdelay $0x1  }
0x159: {  	v10 =	vadd.f32 v10, v9;
	_ =	sdelay $0x1  }
0x15a: {  	vm1 =	vle.f32 v10, $6.250000000e-02  }
0x15b: {  	vm0 =	vmand vm0, vm1  }
0x15c: {  	v9 =	vsel vm0, $0x1, v1  }
0x15d: {  	(xrf0) =	vadd.scan.msk.s32 $0xffff, v9;
	_ =	sdelay $0x5  }
0x15e: {  	v11, _, _ =	vpop (xrf0)  }
0x15f: {  	v9 =	vadd.s32 s9, v11;
	(v2sf) =	vpush v11, $0xF  }
.Ltmp23:
0x160: {  	(pc) =	sbr.rel @p3 .LBB2_17-.Ltmp23, $4  }
0x161: {  	_ = 	snop  }
0x162: {  	s6 =	sadd.s32 $0x10, s6  }
0x163: {  	s9 =	sadd.s32 s6, s23  }
0x164: {  	s8 =	sadd.s32 $0xFFFFFFFF, s8;
	s10 =	sand.u32 $0x70, s6;
	s9 =	sand.u32 $0xFFFFFF80, s9;
	[tilespmem:v9+s26+$0x0] =	vst.idx.msk vm0, v10  }
.Ltmp24:
0x165: {  	_ = 	snop;
	(pc) =	sbr.rel .LBB2_18-.Ltmp24, $1  }
0x166: {  	_ =	sdelay $0x3  }
.LBB2_16:
.Ltmp25:
0x167: {  	(pc) =	sbr.rel .LBB2_18-.Ltmp25, $2  }
0x168: {  	_ =	sdelay $0x2  }
0x169: {  	s1 =	smov.u32 s7  }
.LBB2_25:
.Ltmp26:
0x16a: {  	(pc) =	sbr.rel .LBB2_29-.Ltmp26, $2  }
0x16b: {  	_ =	sdelay $0x2  }
0x16c: {  	v6 =	vimm.f32 $1.000000020e+30;
	v5 =	vimm.s32 $0x0  }
.LBB2_27:
.Ltmp27:
0x16d: {  	(pc) =	sbr.rel .LBB2_29-.Ltmp27, $2  }
0x16e: {  	_ =	sdelay $0x2  }
0x16f: {  	v6 =	vimm.f32 $1.000000020e+30;
	v5 =	vimm.s32 $0x0  }
.LBB2_32:
0x170: {  	_ =	sfence.sel $0x180000  }
0x171: {  	[bflag:$0x0] =	sbarrier.arrive $0xFFFF  }
0x172: {  	_ =	strace $0x90000047  }
0x173: {  	s0 =	stileid.u32;
	[bflag:$0x2] =	sbarrier.arrive $0xFFFF  }
0x174: {  	p0 =	sne.s32 s0, $0x0;
	s0 =	rddreg [dreg:$0x3]  }
0x175: {  	s0 =	sadd.s32 @!p0 $0x100000, s0  }
0x176: {  	[sflag:s0] =	ssyncadd.tile.s32 @!p0 $0x1;
	_ =	shalt  }
.Lfunc_end2:
_tile_overlayer_lowered:
.L_overlay_start_2:
0x177: {  	(tag) =	ssettag $0x2  }
0x178: {  	s0 =	rddreg [dreg:$0x0];
	s2 =	stileid.u32  }
0x179: {  	s1 =	rddreg [dreg:$0x1];
	p0 =	sne.s32 s2, $0x0  }
0x17a: {  	s3 =	rddreg [dreg:$0x2];
	[bflag:$0x3] =	sbarrier.arrive $0xFFFF;
	s2 =	simm.s32 @!p0 $0x1C01  }
0x17b: {  	[timem:s3], [sflag:s2] =	dma.local @!p0 [hbm:s0], s1  }
0x17c: {  	s0 =	simm.s32 @!p0 $0x1  }
0x17d: {  	_ =	swait.ge @!p0 [sflag:s0], s1  }
0x17e: {  	s1 =	ssub.s32 @!p0 $0x0, s1;
	[sflag:s0] =	ssyncset.done @!p0 $0x0  }
0x17f: {  	[sflag:s0] =	ssyncadd.s32 @!p0 s1  }
0x180: {  	[bflag:$0x3] =	sbarrier.arrive $0xFFFF  }
0x181: {  	_ =	shalt  }

</sc_bundles>
